<compile_context>
chip_gen: v7x
topology: tpu7x:2x2x1
jax: 0.10.2.dev20260603
libtpu: 0.0.44.dev20260713+nightly
codegen_flags: <defaults>
</compile_context>

<pallas_src>
import functools
import jax
import jax.numpy as jnp
from jax import lax
from jax.experimental import pallas as pl
from jax.experimental.pallas import tpu as pltpu
from jax.experimental.pallas import tpu_sc as plsc

NC = 2
NS = 16
NW = NC * NS
LANES = 16
NBUF = 3
PREFETCH = 2


def _make_kernel(S, B, D):
    s_per_w = S // NW
    CH_S = 8
    n_chunks = s_per_w // CH_S
    vecs = D // LANES

    mesh = plsc.VectorSubcoreMesh(core_axis_name="c", subcore_axis_name="s")

    @functools.partial(
        pl.kernel,
        mesh=mesh,
        out_type=jax.ShapeDtypeStruct((S, B, D), jnp.float32),
        scratch_types=[
            pltpu.VMEM((n_chunks, CH_S), jnp.int32),
            pltpu.VMEM((NBUF * CH_S, D), jnp.float32),
            pltpu.VMEM((NBUF * CH_S, B, D), jnp.float32),
            pltpu.SemaphoreType.DMA((3 * NBUF,)),
        ],
    )
    def k(x_hbm, idx_hbm, w_hbm, out_hbm, idx_v, w_v, x_v, sems):
        wid = lax.axis_index("s") * NC + lax.axis_index("c")
        base_s = wid * s_per_w

        def start_w(c, p):
            return pltpu.async_copy(
                w_hbm.at[idx_v.at[c]],
                w_v.at[pl.ds(p * CH_S, CH_S)], sems.at[p])

        def start_x(c, p):
            s0 = base_s + c * CH_S
            return pltpu.async_copy(
                x_hbm.at[pl.ds(s0, CH_S)],
                x_v.at[pl.ds(p * CH_S, CH_S)], sems.at[NBUF + p])

        def start_out(c, p):
            s0 = base_s + c * CH_S
            return pltpu.async_copy(
                x_v.at[pl.ds(p * CH_S, CH_S)],
                out_hbm.at[pl.ds(s0, CH_S)], sems.at[2 * NBUF + p])

        def compute(p):
            @plsc.parallel_loop(0, CH_S * vecs, 1, unroll=8)
            def _(i):
                si = i // vecs
                col = (i - si * vecs) * LANES
                wvec = w_v[p * CH_S + si, pl.ds(col, LANES)]
                for b in range(B):
                    plsc.addupdate(
                        x_v.at[p * CH_S + si, b, pl.ds(col, LANES)], wvec)

        gx0 = start_x(0, 0)
        pltpu.sync_copy(idx_hbm.at[pl.ds(wid * n_chunks, n_chunks)], idx_v)
        pend = {0: (start_w(0, 0), gx0)}
        for c in range(1, PREFETCH):
            pend[c] = (start_w(c, c % NBUF), start_x(c, c % NBUF))

        out_pend = {}
        for c in range(n_chunks):
            p = c % NBUF
            f = c + PREFETCH
            if f < n_chunks:
                gwf = start_w(f, f % NBUF)
                if f - NBUF >= 0:
                    out_pend[f - NBUF].wait()
                pend[f] = (gwf, start_x(f, f % NBUF))
            gw, gx = pend[c]
            gw.wait()
            gx.wait()
            compute(p)
            out_pend[c] = start_out(c, p)
        for c in range(n_chunks - NBUF, n_chunks):
            out_pend[c].wait()

    return k


@jax.jit
def kernel(x, pos_embed_weight, position):
    S, B, D = x.shape
    idx = position[:S, 0].reshape(-1, 8)
    return _make_kernel(S, B, D)(x, idx, pos_embed_weight)

# --- scband reference (transcript-rebuilt; emitter-appended) ---
"""Pipeline reference for scband-positional-encoding-lut-49005576847917 (READ-ONLY COPY).

The authoritative reference and input builder live on the scoring server;
editing this copy changes nothing except your own understanding.
"""

import jax, jax.numpy as jnp
import numpy as np

D_MODEL = 1024
MAX_LEN = 2048
SEQ = 2048
BATCH = 4

def setup_inputs(seed: int = 0) -> dict:
    key = jax.random.key(seed)
    k1, k2 = jax.random.split(key)
    x = jax.random.normal(k1, (SEQ, BATCH, D_MODEL), dtype=jnp.float32)
    # kaiming_normal_ fan_in on [max_len, d_model]: std = sqrt(2 / d_model)
    std = float(np.sqrt(2.0 / D_MODEL))
    pos_embed_weight = jax.random.normal(k2, (MAX_LEN, D_MODEL), dtype=jnp.float32) * std
    position = jnp.arange(MAX_LEN, dtype=jnp.int32)[:, None]  # [max_len, 1]
    return {"x": x, "pos_embed_weight": pos_embed_weight, "position": position}

def reference(x, pos_embed_weight, position):
    # pos = self.position[:x.size(0)] -> [S, 1]
    pos = position[: x.shape[0]]
    # self.pos_embed(pos) -> [S, 1, d_model]
    emb = jnp.take(pos_embed_weight, pos, axis=0)
    out = x + emb  # broadcast over batch dim
    # dropout in eval mode is identity
    return out

if __name__ == "__main__":
    import jax
    _d = setup_inputs()
    print(jax.jit(kernel)(*tuple(_d.values())))

</pallas_src>

<mosaic_0001>
#map = affine_map<(d0, d1) -> (0, 0, 0)>
#map1 = affine_map<(d0, d1) -> (0, 0)>
module attributes {stable_mosaic.version = 14 : i64} {
  func.func @k(%arg0: i32, %arg1: i32, %arg2: memref<2048x4x1024xf32, #tpu.memory_space<hbm>>, %arg3: memref<256x8xi32, #tpu.memory_space<hbm>>, %arg4: memref<2048x1024xf32, #tpu.memory_space<hbm>>, %arg5: memref<2048x4x1024xf32, #tpu.memory_space<hbm>>, %arg6: memref<8x8xi32, #tpu.memory_space<vmem>>, %arg7: memref<24x1024xf32, #tpu.memory_space<vmem>>, %arg8: memref<24x4x1024xf32, #tpu.memory_space<vmem>>, %arg9: memref<9x!tpu.dma_semaphore, #tpu.memory_space<semaphore_mem>>) attributes {dimension_semantics = [#tpu.dimension_semantics<core_parallel>, #tpu.dimension_semantics<subcore_parallel>], iteration_bounds = array<i64: 2, 16>, scalar_prefetch = 0 : i64, scratch_operands = 4 : i64, tpu.core_type = #tpu.core_type<sc_vector_subcore>, window_params = [{transform_indices = #map}, {transform_indices = #map1}, {transform_indices = #map1}, {transform_indices = #map}]} {
    %mul3A = arith.constant 2 : i32
    %mul3A_0 = arith.muli %arg1, %mul3A : i32
    %add3A = arith.addi %mul3A_0, %arg0 : i32
    %mul3A_1 = arith.constant 64 : i32
    %mul3A_2 = arith.muli %add3A, %mul3A_1 : i32
    %add3A_3 = arith.constant 0 : i32
    %add3A_4 = arith.addi %mul3A_2, %add3A_3 : i32
    %dma_start3A = arith.constant 3 : i32
    %dma_start3A_5 = arith.constant 0 : i32
    %dma_start3A_6 = arith.constant 0 : i32
    %dma_start3A_7 = arith.constant 0 : i32
    %dma_start3A_8 = tpu.memref_slice %arg8[%dma_start3A_5, %dma_start3A_6, %dma_start3A_7] : memref<24x4x1024xf32, #tpu.memory_space<vmem>> -> memref<8x4x1024xf32, #tpu.memory_space<vmem>>
    %dma_start3A_9 = arith.constant 0 : i32
    %dma_start3A_10 = arith.constant 0 : i32
    %dma_start3A_11 = tpu.memref_slice %arg2[%add3A_4, %dma_start3A_9, %dma_start3A_10] : memref<2048x4x1024xf32, #tpu.memory_space<hbm>> -> memref<8x4x1024xf32, #tpu.memory_space<hbm>>
    %dma_start3A_12 = tpu.memref_slice %arg9[%dma_start3A] : memref<9x!tpu.dma_semaphore, #tpu.memory_space<semaphore_mem>> -> memref<1x!tpu.dma_semaphore, #tpu.memory_space<semaphore_mem>>
    %dma_start3A_13 = tpu.memref_squeeze %dma_start3A_12 : memref<1x!tpu.dma_semaphore, #tpu.memory_space<semaphore_mem>> -> memref<!tpu.dma_semaphore, #tpu.memory_space<semaphore_mem>>
    %dma_start3A_14 = arith.constant 0 : i32
    %dma_start3A_15 = arith.constant 0 : i32
    %dma_start3A_16 = arith.constant 0 : i32
    %dma_start3A_17 = tpu.memref_slice %arg8[%dma_start3A_14, %dma_start3A_15, %dma_start3A_16] : memref<24x4x1024xf32, #tpu.memory_space<vmem>> -> memref<8x4x1024xf32, #tpu.memory_space<vmem>>
    %dma_start3A_18 = arith.constant 0 : i32
    %dma_start3A_19 = arith.constant 0 : i32
    %dma_start3A_20 = tpu.memref_slice %arg2[%add3A_4, %dma_start3A_18, %dma_start3A_19] : memref<2048x4x1024xf32, #tpu.memory_space<hbm>> -> memref<8x4x1024xf32, #tpu.memory_space<hbm>>
    tpu.enqueue_dma source(%dma_start3A_20 : memref<8x4x1024xf32, #tpu.memory_space<hbm>>) target(%dma_start3A_17 : memref<8x4x1024xf32, #tpu.memory_space<vmem>>) target_semaphore(%dma_start3A_13 : memref<!tpu.dma_semaphore, #tpu.memory_space<semaphore_mem>>)
    %mul3A_21 = arith.constant 8 : i32
    %mul3A_22 = arith.muli %add3A, %mul3A_21 : i32
    "tpu.region"() ({
      %run_scoped3A = tpu.sem_alloc : memref<!tpu.dma_semaphore, #tpu.memory_space<semaphore_mem>>
      %dma_start3A_810 = arith.constant 0 : i32
      %dma_start3A_811 = tpu.memref_slice %arg3[%mul3A_22, %dma_start3A_810] : memref<256x8xi32, #tpu.memory_space<hbm>> -> memref<8x8xi32, #tpu.memory_space<hbm>>
      %dma_start3A_812 = arith.constant 0 : i32
      %dma_start3A_813 = tpu.memref_slice %arg3[%mul3A_22, %dma_start3A_812] : memref<256x8xi32, #tpu.memory_space<hbm>> -> memref<8x8xi32, #tpu.memory_space<hbm>>
      tpu.enqueue_dma source(%dma_start3A_813 : memref<8x8xi32, #tpu.memory_space<hbm>>) target(%arg6 : memref<8x8xi32, #tpu.memory_space<vmem>>) target_semaphore(%run_scoped3A : memref<!tpu.dma_semaphore, #tpu.memory_space<semaphore_mem>>)
      %dma_wait3A_814 = arith.constant 0 : i32
      %dma_wait3A_815 = tpu.memref_slice %arg3[%mul3A_22, %dma_wait3A_814] : memref<256x8xi32, #tpu.memory_space<hbm>> -> memref<8x8xi32, #tpu.memory_space<hbm>>
      %dma_wait3A_816 = arith.constant 0 : i32
      %dma_wait3A_817 = tpu.memref_slice %arg3[%mul3A_22, %dma_wait3A_816] : memref<256x8xi32, #tpu.memory_space<hbm>> -> memref<8x8xi32, #tpu.memory_space<hbm>>
      tpu.wait_dma2 semaphore(%run_scoped3A : memref<!tpu.dma_semaphore, #tpu.memory_space<semaphore_mem>>) src(%dma_wait3A_817 : memref<8x8xi32, #tpu.memory_space<hbm>>) dst(%arg6 : memref<8x8xi32, #tpu.memory_space<vmem>>)
      tpu.yield
    }) : () -> ()
    %dma_start3A_23 = arith.constant 0 : i32
    %dma_start3A_24 = arith.constant 0 : i32
    %dma_start3A_25 = arith.constant 0 : i32
    %dma_start3A_26 = arith.constant 0 : i32
    %dma_start3A_27 = tpu.memref_slice %arg7[%dma_start3A_25, %dma_start3A_26] : memref<24x1024xf32, #tpu.memory_space<vmem>> -> memref<8x1024xf32, #tpu.memory_space<vmem>>
    %dma_start3A_28 = arith.constant 0 : i32
    %dma_start3A_29 = tpu.memref_slice %arg6[%dma_start3A_23, %dma_start3A_28] : memref<8x8xi32, #tpu.memory_space<vmem>> -> memref<1x8xi32, #tpu.memory_space<vmem>>
    %dma_start3A_30 = tpu.memref_squeeze %dma_start3A_29 : memref<1x8xi32, #tpu.memory_space<vmem>> -> memref<8xi32, #tpu.memory_space<vmem>>
    %dma_start3A_31 = arith.constant 0 : i32
    %dma_start3A_32 = arith.constant 0 : i32
    %dma_start3A_33 = tpu.memref_slice %arg4[%dma_start3A_31, %dma_start3A_32] : memref<2048x1024xf32, #tpu.memory_space<hbm>> -> memref<2048x1024xf32, #tpu.memory_space<hbm>>
    %dma_start3A_34 = tpu.memref_slice %arg9[%dma_start3A_24] : memref<9x!tpu.dma_semaphore, #tpu.memory_space<semaphore_mem>> -> memref<1x!tpu.dma_semaphore, #tpu.memory_space<semaphore_mem>>
    %dma_start3A_35 = tpu.memref_squeeze %dma_start3A_34 : memref<1x!tpu.dma_semaphore, #tpu.memory_space<semaphore_mem>> -> memref<!tpu.dma_semaphore, #tpu.memory_space<semaphore_mem>>
    tpu.enqueue_indirect_dma source(%dma_start3A_33 : memref<2048x1024xf32, #tpu.memory_space<hbm>>) target(%dma_start3A_27 : memref<8x1024xf32, #tpu.memory_space<vmem>>) offsets(%dma_start3A_30 : memref<8xi32, #tpu.memory_space<vmem>>) semaphore(%dma_start3A_35 : memref<!tpu.dma_semaphore, #tpu.memory_space<semaphore_mem>>)
    %dma_start3A_36 = arith.constant 1 : i32
    %dma_start3A_37 = arith.constant 1 : i32
    %dma_start3A_38 = arith.constant 8 : i32
    %dma_start3A_39 = arith.constant 0 : i32
    %dma_start3A_40 = tpu.memref_slice %arg7[%dma_start3A_38, %dma_start3A_39] : memref<24x1024xf32, #tpu.memory_space<vmem>> -> memref<8x1024xf32, #tpu.memory_space<vmem>>
    %dma_start3A_41 = arith.constant 0 : i32
    %dma_start3A_42 = tpu.memref_slice %arg6[%dma_start3A_36, %dma_start3A_41] : memref<8x8xi32, #tpu.memory_space<vmem>> -> memref<1x8xi32, #tpu.memory_space<vmem>>
    %dma_start3A_43 = tpu.memref_squeeze %dma_start3A_42 : memref<1x8xi32, #tpu.memory_space<vmem>> -> memref<8xi32, #tpu.memory_space<vmem>>
    %dma_start3A_44 = arith.constant 0 : i32
    %dma_start3A_45 = arith.constant 0 : i32
    %dma_start3A_46 = tpu.memref_slice %arg4[%dma_start3A_44, %dma_start3A_45] : memref<2048x1024xf32, #tpu.memory_space<hbm>> -> memref<2048x1024xf32, #tpu.memory_space<hbm>>
    %dma_start3A_47 = tpu.memref_slice %arg9[%dma_start3A_37] : memref<9x!tpu.dma_semaphore, #tpu.memory_space<semaphore_mem>> -> memref<1x!tpu.dma_semaphore, #tpu.memory_space<semaphore_mem>>
    %dma_start3A_48 = tpu.memref_squeeze %dma_start3A_47 : memref<1x!tpu.dma_semaphore, #tpu.memory_space<semaphore_mem>> -> memref<!tpu.dma_semaphore, #tpu.memory_space<semaphore_mem>>
    tpu.enqueue_indirect_dma source(%dma_start3A_46 : memref<2048x1024xf32, #tpu.memory_space<hbm>>) target(%dma_start3A_40 : memref<8x1024xf32, #tpu.memory_space<vmem>>) offsets(%dma_start3A_43 : memref<8xi32, #tpu.memory_space<vmem>>) semaphore(%dma_start3A_48 : memref<!tpu.dma_semaphore, #tpu.memory_space<semaphore_mem>>)
    %add3A_49 = arith.constant 8 : i32
    %add3A_50 = arith.addi %mul3A_2, %add3A_49 : i32
    %dma_start3A_51 = arith.constant 4 : i32
    %dma_start3A_52 = arith.constant 8 : i32
    %dma_start3A_53 = arith.constant 0 : i32
    %dma_start3A_54 = arith.constant 0 : i32
    %dma_start3A_55 = tpu.memref_slice %arg8[%dma_start3A_52, %dma_start3A_53, %dma_start3A_54] : memref<24x4x1024xf32, #tpu.memory_space<vmem>> -> memref<8x4x1024xf32, #tpu.memory_space<vmem>>
    %dma_start3A_56 = arith.constant 0 : i32
    %dma_start3A_57 = arith.constant 0 : i32
    %dma_start3A_58 = tpu.memref_slice %arg2[%add3A_50, %dma_start3A_56, %dma_start3A_57] : memref<2048x4x1024xf32, #tpu.memory_space<hbm>> -> memref<8x4x1024xf32, #tpu.memory_space<hbm>>
    %dma_start3A_59 = tpu.memref_slice %arg9[%dma_start3A_51] : memref<9x!tpu.dma_semaphore, #tpu.memory_space<semaphore_mem>> -> memref<1x!tpu.dma_semaphore, #tpu.memory_space<semaphore_mem>>
    %dma_start3A_60 = tpu.memref_squeeze %dma_start3A_59 : memref<1x!tpu.dma_semaphore, #tpu.memory_space<semaphore_mem>> -> memref<!tpu.dma_semaphore, #tpu.memory_space<semaphore_mem>>
    %dma_start3A_61 = arith.constant 8 : i32
    %dma_start3A_62 = arith.constant 0 : i32
    %dma_start3A_63 = arith.constant 0 : i32
    %dma_start3A_64 = tpu.memref_slice %arg8[%dma_start3A_61, %dma_start3A_62, %dma_start3A_63] : memref<24x4x1024xf32, #tpu.memory_space<vmem>> -> memref<8x4x1024xf32, #tpu.memory_space<vmem>>
    %dma_start3A_65 = arith.constant 0 : i32
    %dma_start3A_66 = arith.constant 0 : i32
    %dma_start3A_67 = tpu.memref_slice %arg2[%add3A_50, %dma_start3A_65, %dma_start3A_66] : memref<2048x4x1024xf32, #tpu.memory_space<hbm>> -> memref<8x4x1024xf32, #tpu.memory_space<hbm>>
    tpu.enqueue_dma source(%dma_start3A_67 : memref<8x4x1024xf32, #tpu.memory_space<hbm>>) target(%dma_start3A_64 : memref<8x4x1024xf32, #tpu.memory_space<vmem>>) target_semaphore(%dma_start3A_60 : memref<!tpu.dma_semaphore, #tpu.memory_space<semaphore_mem>>)
    %dma_start3A_68 = arith.constant 2 : i32
    %dma_start3A_69 = arith.constant 2 : i32
    %dma_start3A_70 = arith.constant 16 : i32
    %dma_start3A_71 = arith.constant 0 : i32
    %dma_start3A_72 = tpu.memref_slice %arg7[%dma_start3A_70, %dma_start3A_71] : memref<24x1024xf32, #tpu.memory_space<vmem>> -> memref<8x1024xf32, #tpu.memory_space<vmem>>
    %dma_start3A_73 = arith.constant 0 : i32
    %dma_start3A_74 = tpu.memref_slice %arg6[%dma_start3A_68, %dma_start3A_73] : memref<8x8xi32, #tpu.memory_space<vmem>> -> memref<1x8xi32, #tpu.memory_space<vmem>>
    %dma_start3A_75 = tpu.memref_squeeze %dma_start3A_74 : memref<1x8xi32, #tpu.memory_space<vmem>> -> memref<8xi32, #tpu.memory_space<vmem>>
    %dma_start3A_76 = arith.constant 0 : i32
    %dma_start3A_77 = arith.constant 0 : i32
    %dma_start3A_78 = tpu.memref_slice %arg4[%dma_start3A_76, %dma_start3A_77] : memref<2048x1024xf32, #tpu.memory_space<hbm>> -> memref<2048x1024xf32, #tpu.memory_space<hbm>>
    %dma_start3A_79 = tpu.memref_slice %arg9[%dma_start3A_69] : memref<9x!tpu.dma_semaphore, #tpu.memory_space<semaphore_mem>> -> memref<1x!tpu.dma_semaphore, #tpu.memory_space<semaphore_mem>>
    %dma_start3A_80 = tpu.memref_squeeze %dma_start3A_79 : memref<1x!tpu.dma_semaphore, #tpu.memory_space<semaphore_mem>> -> memref<!tpu.dma_semaphore, #tpu.memory_space<semaphore_mem>>
    tpu.enqueue_indirect_dma source(%dma_start3A_78 : memref<2048x1024xf32, #tpu.memory_space<hbm>>) target(%dma_start3A_72 : memref<8x1024xf32, #tpu.memory_space<vmem>>) offsets(%dma_start3A_75 : memref<8xi32, #tpu.memory_space<vmem>>) semaphore(%dma_start3A_80 : memref<!tpu.dma_semaphore, #tpu.memory_space<semaphore_mem>>)
    %add3A_81 = arith.constant 16 : i32
    %add3A_82 = arith.addi %mul3A_2, %add3A_81 : i32
    %dma_start3A_83 = arith.constant 5 : i32
    %dma_start3A_84 = arith.constant 16 : i32
    %dma_start3A_85 = arith.constant 0 : i32
    %dma_start3A_86 = arith.constant 0 : i32
    %dma_start3A_87 = tpu.memref_slice %arg8[%dma_start3A_84, %dma_start3A_85, %dma_start3A_86] : memref<24x4x1024xf32, #tpu.memory_space<vmem>> -> memref<8x4x1024xf32, #tpu.memory_space<vmem>>
    %dma_start3A_88 = arith.constant 0 : i32
    %dma_start3A_89 = arith.constant 0 : i32
    %dma_start3A_90 = tpu.memref_slice %arg2[%add3A_82, %dma_start3A_88, %dma_start3A_89] : memref<2048x4x1024xf32, #tpu.memory_space<hbm>> -> memref<8x4x1024xf32, #tpu.memory_space<hbm>>
    %dma_start3A_91 = tpu.memref_slice %arg9[%dma_start3A_83] : memref<9x!tpu.dma_semaphore, #tpu.memory_space<semaphore_mem>> -> memref<1x!tpu.dma_semaphore, #tpu.memory_space<semaphore_mem>>
    %dma_start3A_92 = tpu.memref_squeeze %dma_start3A_91 : memref<1x!tpu.dma_semaphore, #tpu.memory_space<semaphore_mem>> -> memref<!tpu.dma_semaphore, #tpu.memory_space<semaphore_mem>>
    %dma_start3A_93 = arith.constant 16 : i32
    %dma_start3A_94 = arith.constant 0 : i32
    %dma_start3A_95 = arith.constant 0 : i32
    %dma_start3A_96 = tpu.memref_slice %arg8[%dma_start3A_93, %dma_start3A_94, %dma_start3A_95] : memref<24x4x1024xf32, #tpu.memory_space<vmem>> -> memref<8x4x1024xf32, #tpu.memory_space<vmem>>
    %dma_start3A_97 = arith.constant 0 : i32
    %dma_start3A_98 = arith.constant 0 : i32
    %dma_start3A_99 = tpu.memref_slice %arg2[%add3A_82, %dma_start3A_97, %dma_start3A_98] : memref<2048x4x1024xf32, #tpu.memory_space<hbm>> -> memref<8x4x1024xf32, #tpu.memory_space<hbm>>
    tpu.enqueue_dma source(%dma_start3A_99 : memref<8x4x1024xf32, #tpu.memory_space<hbm>>) target(%dma_start3A_96 : memref<8x4x1024xf32, #tpu.memory_space<vmem>>) target_semaphore(%dma_start3A_92 : memref<!tpu.dma_semaphore, #tpu.memory_space<semaphore_mem>>)
    %dma_wait3A = arith.constant 0 : i32
    %dma_wait3A_100 = arith.constant 0 : i32
    %dma_wait3A_101 = arith.constant 0 : i32
    %dma_wait3A_102 = arith.constant 0 : i32
    %dma_wait3A_103 = tpu.memref_slice %arg7[%dma_wait3A_101, %dma_wait3A_102] : memref<24x1024xf32, #tpu.memory_space<vmem>> -> memref<8x1024xf32, #tpu.memory_space<vmem>>
    %dma_wait3A_104 = arith.constant 0 : i32
    %dma_wait3A_105 = tpu.memref_slice %arg6[%dma_wait3A, %dma_wait3A_104] : memref<8x8xi32, #tpu.memory_space<vmem>> -> memref<1x8xi32, #tpu.memory_space<vmem>>
    %dma_wait3A_106 = tpu.memref_squeeze %dma_wait3A_105 : memref<1x8xi32, #tpu.memory_space<vmem>> -> memref<8xi32, #tpu.memory_space<vmem>>
    %dma_wait3A_107 = arith.constant 0 : i32
    %dma_wait3A_108 = arith.constant 0 : i32
    %dma_wait3A_109 = tpu.memref_slice %arg4[%dma_wait3A_107, %dma_wait3A_108] : memref<2048x1024xf32, #tpu.memory_space<hbm>> -> memref<2048x1024xf32, #tpu.memory_space<hbm>>
    %dma_wait3A_110 = tpu.memref_slice %arg9[%dma_wait3A_100] : memref<9x!tpu.dma_semaphore, #tpu.memory_space<semaphore_mem>> -> memref<1x!tpu.dma_semaphore, #tpu.memory_space<semaphore_mem>>
    %dma_wait3A_111 = tpu.memref_squeeze %dma_wait3A_110 : memref<1x!tpu.dma_semaphore, #tpu.memory_space<semaphore_mem>> -> memref<!tpu.dma_semaphore, #tpu.memory_space<semaphore_mem>>
    tpu.wait_indirect_dma semaphore(%dma_wait3A_111 : memref<!tpu.dma_semaphore, #tpu.memory_space<semaphore_mem>>) src(%dma_wait3A_109 : memref<2048x1024xf32, #tpu.memory_space<hbm>>) dst(%dma_wait3A_103 : memref<8x1024xf32, #tpu.memory_space<vmem>>)
    %dma_wait3A_112 = arith.constant 3 : i32
    %dma_wait3A_113 = arith.constant 0 : i32
    %dma_wait3A_114 = arith.constant 0 : i32
    %dma_wait3A_115 = arith.constant 0 : i32
    %dma_wait3A_116 = tpu.memref_slice %arg8[%dma_wait3A_113, %dma_wait3A_114, %dma_wait3A_115] : memref<24x4x1024xf32, #tpu.memory_space<vmem>> -> memref<8x4x1024xf32, #tpu.memory_space<vmem>>
    %dma_wait3A_117 = arith.constant 0 : i32
    %dma_wait3A_118 = arith.constant 0 : i32
    %dma_wait3A_119 = tpu.memref_slice %arg2[%add3A_4, %dma_wait3A_117, %dma_wait3A_118] : memref<2048x4x1024xf32, #tpu.memory_space<hbm>> -> memref<8x4x1024xf32, #tpu.memory_space<hbm>>
    %dma_wait3A_120 = tpu.memref_slice %arg9[%dma_wait3A_112] : memref<9x!tpu.dma_semaphore, #tpu.memory_space<semaphore_mem>> -> memref<1x!tpu.dma_semaphore, #tpu.memory_space<semaphore_mem>>
    %dma_wait3A_121 = tpu.memref_squeeze %dma_wait3A_120 : memref<1x!tpu.dma_semaphore, #tpu.memory_space<semaphore_mem>> -> memref<!tpu.dma_semaphore, #tpu.memory_space<semaphore_mem>>
    %dma_wait3A_122 = arith.constant 0 : i32
    %dma_wait3A_123 = arith.constant 0 : i32
    %dma_wait3A_124 = arith.constant 0 : i32
    %dma_wait3A_125 = tpu.memref_slice %arg8[%dma_wait3A_122, %dma_wait3A_123, %dma_wait3A_124] : memref<24x4x1024xf32, #tpu.memory_space<vmem>> -> memref<8x4x1024xf32, #tpu.memory_space<vmem>>
    %dma_wait3A_126 = arith.constant 0 : i32
    %dma_wait3A_127 = arith.constant 0 : i32
    %dma_wait3A_128 = tpu.memref_slice %arg2[%add3A_4, %dma_wait3A_126, %dma_wait3A_127] : memref<2048x4x1024xf32, #tpu.memory_space<hbm>> -> memref<8x4x1024xf32, #tpu.memory_space<hbm>>
    tpu.wait_dma2 semaphore(%dma_wait3A_121 : memref<!tpu.dma_semaphore, #tpu.memory_space<semaphore_mem>>) src(%dma_wait3A_128 : memref<8x4x1024xf32, #tpu.memory_space<hbm>>) dst(%dma_wait3A_125 : memref<8x4x1024xf32, #tpu.memory_space<vmem>>)
    %parallel_loop3A = arith.constant 0 : i32
    %parallel_loop3A_129 = arith.constant 512 : i32
    %parallel_loop3A_130 = arith.constant 1 : i32
    scf.for %parallel_loop3A_810 = %parallel_loop3A to %parallel_loop3A_129 step %parallel_loop3A_130  : i32 {
      %parallel_loop3A_811 = arith.constant 64 : i32
      %parallel_loop3A_812 = arith.divsi %parallel_loop3A_810, %parallel_loop3A_811 : i32
      %parallel_loop3A_813 = arith.constant 0 : i32
      %parallel_loop3A_814 = arith.cmpi sgt, %parallel_loop3A_810, %parallel_loop3A_813 : i32
      %parallel_loop3A_815 = arith.extui %parallel_loop3A_814 : i1 to i32
      %parallel_loop3A_816 = arith.constant 0 : i32
      %parallel_loop3A_817 = arith.cmpi slt, %parallel_loop3A_810, %parallel_loop3A_816 : i32
      %parallel_loop3A_818 = arith.extui %parallel_loop3A_817 : i1 to i32
      %parallel_loop3A_819 = arith.subi %parallel_loop3A_815, %parallel_loop3A_818 : i32
      %parallel_loop3A_820 = arith.constant 0 : i32
      %parallel_loop3A_821 = arith.cmpi sgt, %parallel_loop3A_811, %parallel_loop3A_820 : i32
      %parallel_loop3A_822 = arith.extui %parallel_loop3A_821 : i1 to i32
      %parallel_loop3A_823 = arith.constant 0 : i32
      %parallel_loop3A_824 = arith.cmpi slt, %parallel_loop3A_811, %parallel_loop3A_823 : i32
      %parallel_loop3A_825 = arith.extui %parallel_loop3A_824 : i1 to i32
      %parallel_loop3A_826 = arith.subi %parallel_loop3A_822, %parallel_loop3A_825 : i32
      %parallel_loop3A_827 = arith.cmpi ne, %parallel_loop3A_819, %parallel_loop3A_826 : i32
      %parallel_loop3A_828 = arith.remsi %parallel_loop3A_810, %parallel_loop3A_811 : i32
      %parallel_loop3A_829 = arith.constant 0 : i32
      %parallel_loop3A_830 = arith.cmpi ne, %parallel_loop3A_828, %parallel_loop3A_829 : i32
      %parallel_loop3A_831 = arith.andi %parallel_loop3A_827, %parallel_loop3A_830 : i1
      %parallel_loop3A_832 = arith.constant 1 : i32
      %parallel_loop3A_833 = arith.subi %parallel_loop3A_812, %parallel_loop3A_832 : i32
      %parallel_loop3A_834 = arith.select %parallel_loop3A_831, %parallel_loop3A_833, %parallel_loop3A_812 : i32
      %parallel_loop3A_835 = arith.constant 64 : i32
      %parallel_loop3A_836 = arith.muli %parallel_loop3A_834, %parallel_loop3A_835 : i32
      %parallel_loop3A_837 = arith.subi %parallel_loop3A_810, %parallel_loop3A_836 : i32
      %parallel_loop3A_838 = arith.constant 16 : i32
      %parallel_loop3A_839 = arith.muli %parallel_loop3A_837, %parallel_loop3A_838 : i32
      %parallel_loop3A_840 = arith.constant 0 : i32
      %parallel_loop3A_841 = arith.addi %parallel_loop3A_840, %parallel_loop3A_834 : i32
      %parallel_loop3A_842 = arith.index_cast %parallel_loop3A_841 : i32 to index
      %parallel_loop3A_843 = arith.index_cast %parallel_loop3A_839 : i32 to index
      %parallel_loop3A_844 = tpu.vector_load %arg7[%parallel_loop3A_842, %parallel_loop3A_843] {strides = array<i32>} : memref<24x1024xf32, #tpu.memory_space<vmem>>, vector<1x16xf32>,
      %parallel_loop3A_845 = vector.shape_cast %parallel_loop3A_844 : vector<1x16xf32> to vector<16xf32>
      %parallel_loop3A_846 = arith.constant 0 : i32
      %parallel_loop3A_847 = arith.addi %parallel_loop3A_846, %parallel_loop3A_834 : i32
      %parallel_loop3A_848 = arith.constant 0 : i32
      %parallel_loop3A_849 = arith.index_cast %parallel_loop3A_847 : i32 to index
      %parallel_loop3A_850 = arith.index_cast %parallel_loop3A_848 : i32 to index
      %parallel_loop3A_851 = arith.index_cast %parallel_loop3A_839 : i32 to index
      %parallel_loop3A_852 = tpu.vector_load %arg8[%parallel_loop3A_849, %parallel_loop3A_850, %parallel_loop3A_851] {strides = array<i32>} : memref<24x4x1024xf32, #tpu.memory_space<vmem>>, vector<1x1x16xf32>,
      %parallel_loop3A_853 = vector.shape_cast %parallel_loop3A_852 : vector<1x1x16xf32> to vector<16xf32>
      %parallel_loop3A_854 = vector.shape_cast %parallel_loop3A_845 : vector<16xf32> to vector<1x1x16xf32>
      tpu.vector_store %arg8[%parallel_loop3A_849, %parallel_loop3A_850, %parallel_loop3A_851], %parallel_loop3A_854 {add = true, strides = array<i32>} : memref<24x4x1024xf32, #tpu.memory_space<vmem>>, vector<1x1x16xf32>,
      %parallel_loop3A_855 = arith.constant 0 : i32
      %parallel_loop3A_856 = arith.addi %parallel_loop3A_855, %parallel_loop3A_834 : i32
      %parallel_loop3A_857 = arith.constant 1 : i32
      %parallel_loop3A_858 = arith.index_cast %parallel_loop3A_856 : i32 to index
      %parallel_loop3A_859 = arith.index_cast %parallel_loop3A_857 : i32 to index
      %parallel_loop3A_860 = arith.index_cast %parallel_loop3A_839 : i32 to index
      %parallel_loop3A_861 = tpu.vector_load %arg8[%parallel_loop3A_858, %parallel_loop3A_859, %parallel_loop3A_860] {strides = array<i32>} : memref<24x4x1024xf32, #tpu.memory_space<vmem>>, vector<1x1x16xf32>,
      %parallel_loop3A_862 = vector.shape_cast %parallel_loop3A_861 : vector<1x1x16xf32> to vector<16xf32>
      %parallel_loop3A_863 = vector.shape_cast %parallel_loop3A_845 : vector<16xf32> to vector<1x1x16xf32>
      tpu.vector_store %arg8[%parallel_loop3A_858, %parallel_loop3A_859, %parallel_loop3A_860], %parallel_loop3A_863 {add = true, strides = array<i32>} : memref<24x4x1024xf32, #tpu.memory_space<vmem>>, vector<1x1x16xf32>,
      %parallel_loop3A_864 = arith.constant 0 : i32
      %parallel_loop3A_865 = arith.addi %parallel_loop3A_864, %parallel_loop3A_834 : i32
      %parallel_loop3A_866 = arith.constant 2 : i32
      %parallel_loop3A_867 = arith.index_cast %parallel_loop3A_865 : i32 to index
      %parallel_loop3A_868 = arith.index_cast %parallel_loop3A_866 : i32 to index
      %parallel_loop3A_869 = arith.index_cast %parallel_loop3A_839 : i32 to index
      %parallel_loop3A_870 = tpu.vector_load %arg8[%parallel_loop3A_867, %parallel_loop3A_868, %parallel_loop3A_869] {strides = array<i32>} : memref<24x4x1024xf32, #tpu.memory_space<vmem>>, vector<1x1x16xf32>,
      %parallel_loop3A_871 = vector.shape_cast %parallel_loop3A_870 : vector<1x1x16xf32> to vector<16xf32>
      %parallel_loop3A_872 = vector.shape_cast %parallel_loop3A_845 : vector<16xf32> to vector<1x1x16xf32>
      tpu.vector_store %arg8[%parallel_loop3A_867, %parallel_loop3A_868, %parallel_loop3A_869], %parallel_loop3A_872 {add = true, strides = array<i32>} : memref<24x4x1024xf32, #tpu.memory_space<vmem>>, vector<1x1x16xf32>,
      %parallel_loop3A_873 = arith.constant 0 : i32
      %parallel_loop3A_874 = arith.addi %parallel_loop3A_873, %parallel_loop3A_834 : i32
      %parallel_loop3A_875 = arith.constant 3 : i32
      %parallel_loop3A_876 = arith.index_cast %parallel_loop3A_874 : i32 to index
      %parallel_loop3A_877 = arith.index_cast %parallel_loop3A_875 : i32 to index
      %parallel_loop3A_878 = arith.index_cast %parallel_loop3A_839 : i32 to index
      %parallel_loop3A_879 = tpu.vector_load %arg8[%parallel_loop3A_876, %parallel_loop3A_877, %parallel_loop3A_878] {strides = array<i32>} : memref<24x4x1024xf32, #tpu.memory_space<vmem>>, vector<1x1x16xf32>,
      %parallel_loop3A_880 = vector.shape_cast %parallel_loop3A_879 : vector<1x1x16xf32> to vector<16xf32>
      %parallel_loop3A_881 = vector.shape_cast %parallel_loop3A_845 : vector<16xf32> to vector<1x1x16xf32>
      tpu.vector_store %arg8[%parallel_loop3A_876, %parallel_loop3A_877, %parallel_loop3A_878], %parallel_loop3A_881 {add = true, strides = array<i32>} : memref<24x4x1024xf32, #tpu.memory_space<vmem>>, vector<1x1x16xf32>,
    } {sc.loop_unroll_factor = 8 : i64, sc.parallel_access}
    %add3A_131 = arith.constant 0 : i32
    %add3A_132 = arith.addi %mul3A_2, %add3A_131 : i32
    %dma_start3A_133 = arith.constant 6 : i32
    %dma_start3A_134 = arith.constant 0 : i32
    %dma_start3A_135 = arith.constant 0 : i32
    %dma_start3A_136 = arith.constant 0 : i32
    %dma_start3A_137 = tpu.memref_slice %arg8[%dma_start3A_134, %dma_start3A_135, %dma_start3A_136] : memref<24x4x1024xf32, #tpu.memory_space<vmem>> -> memref<8x4x1024xf32, #tpu.memory_space<vmem>>
    %dma_start3A_138 = arith.constant 0 : i32
    %dma_start3A_139 = arith.constant 0 : i32
    %dma_start3A_140 = tpu.memref_slice %arg5[%add3A_132, %dma_start3A_138, %dma_start3A_139] : memref<2048x4x1024xf32, #tpu.memory_space<hbm>> -> memref<8x4x1024xf32, #tpu.memory_space<hbm>>
    %dma_start3A_141 = tpu.memref_slice %arg9[%dma_start3A_133] : memref<9x!tpu.dma_semaphore, #tpu.memory_space<semaphore_mem>> -> memref<1x!tpu.dma_semaphore, #tpu.memory_space<semaphore_mem>>
    %dma_start3A_142 = tpu.memref_squeeze %dma_start3A_141 : memref<1x!tpu.dma_semaphore, #tpu.memory_space<semaphore_mem>> -> memref<!tpu.dma_semaphore, #tpu.memory_space<semaphore_mem>>
    %dma_start3A_143 = arith.constant 0 : i32
    %dma_start3A_144 = arith.constant 0 : i32
    %dma_start3A_145 = tpu.memref_slice %arg5[%add3A_132, %dma_start3A_143, %dma_start3A_144] : memref<2048x4x1024xf32, #tpu.memory_space<hbm>> -> memref<8x4x1024xf32, #tpu.memory_space<hbm>>
    %dma_start3A_146 = arith.constant 0 : i32
    %dma_start3A_147 = arith.constant 0 : i32
    %dma_start3A_148 = arith.constant 0 : i32
    %dma_start3A_149 = tpu.memref_slice %arg8[%dma_start3A_146, %dma_start3A_147, %dma_start3A_148] : memref<24x4x1024xf32, #tpu.memory_space<vmem>> -> memref<8x4x1024xf32, #tpu.memory_space<vmem>>
    tpu.enqueue_dma source(%dma_start3A_149 : memref<8x4x1024xf32, #tpu.memory_space<vmem>>) target(%dma_start3A_145 : memref<8x4x1024xf32, #tpu.memory_space<hbm>>) target_semaphore(%dma_start3A_142 : memref<!tpu.dma_semaphore, #tpu.memory_space<semaphore_mem>>)
    %dma_start3A_150 = arith.constant 3 : i32
    %dma_start3A_151 = arith.constant 0 : i32
    %dma_start3A_152 = arith.constant 0 : i32
    %dma_start3A_153 = arith.constant 0 : i32
    %dma_start3A_154 = tpu.memref_slice %arg7[%dma_start3A_152, %dma_start3A_153] : memref<24x1024xf32, #tpu.memory_space<vmem>> -> memref<8x1024xf32, #tpu.memory_space<vmem>>
    %dma_start3A_155 = arith.constant 0 : i32
    %dma_start3A_156 = tpu.memref_slice %arg6[%dma_start3A_150, %dma_start3A_155] : memref<8x8xi32, #tpu.memory_space<vmem>> -> memref<1x8xi32, #tpu.memory_space<vmem>>
    %dma_start3A_157 = tpu.memref_squeeze %dma_start3A_156 : memref<1x8xi32, #tpu.memory_space<vmem>> -> memref<8xi32, #tpu.memory_space<vmem>>
    %dma_start3A_158 = arith.constant 0 : i32
    %dma_start3A_159 = arith.constant 0 : i32
    %dma_start3A_160 = tpu.memref_slice %arg4[%dma_start3A_158, %dma_start3A_159] : memref<2048x1024xf32, #tpu.memory_space<hbm>> -> memref<2048x1024xf32, #tpu.memory_space<hbm>>
    %dma_start3A_161 = tpu.memref_slice %arg9[%dma_start3A_151] : memref<9x!tpu.dma_semaphore, #tpu.memory_space<semaphore_mem>> -> memref<1x!tpu.dma_semaphore, #tpu.memory_space<semaphore_mem>>
    %dma_start3A_162 = tpu.memref_squeeze %dma_start3A_161 : memref<1x!tpu.dma_semaphore, #tpu.memory_space<semaphore_mem>> -> memref<!tpu.dma_semaphore, #tpu.memory_space<semaphore_mem>>
    tpu.enqueue_indirect_dma source(%dma_start3A_160 : memref<2048x1024xf32, #tpu.memory_space<hbm>>) target(%dma_start3A_154 : memref<8x1024xf32, #tpu.memory_space<vmem>>) offsets(%dma_start3A_157 : memref<8xi32, #tpu.memory_space<vmem>>) semaphore(%dma_start3A_162 : memref<!tpu.dma_semaphore, #tpu.memory_space<semaphore_mem>>)
    %dma_wait3A_163 = arith.constant 6 : i32
    %dma_wait3A_164 = arith.constant 0 : i32
    %dma_wait3A_165 = arith.constant 0 : i32
    %dma_wait3A_166 = arith.constant 0 : i32
    %dma_wait3A_167 = tpu.memref_slice %arg8[%dma_wait3A_164, %dma_wait3A_165, %dma_wait3A_166] : memref<24x4x1024xf32, #tpu.memory_space<vmem>> -> memref<8x4x1024xf32, #tpu.memory_space<vmem>>
    %dma_wait3A_168 = arith.constant 0 : i32
    %dma_wait3A_169 = arith.constant 0 : i32
    %dma_wait3A_170 = tpu.memref_slice %arg5[%add3A_132, %dma_wait3A_168, %dma_wait3A_169] : memref<2048x4x1024xf32, #tpu.memory_space<hbm>> -> memref<8x4x1024xf32, #tpu.memory_space<hbm>>
    %dma_wait3A_171 = tpu.memref_slice %arg9[%dma_wait3A_163] : memref<9x!tpu.dma_semaphore, #tpu.memory_space<semaphore_mem>> -> memref<1x!tpu.dma_semaphore, #tpu.memory_space<semaphore_mem>>
    %dma_wait3A_172 = tpu.memref_squeeze %dma_wait3A_171 : memref<1x!tpu.dma_semaphore, #tpu.memory_space<semaphore_mem>> -> memref<!tpu.dma_semaphore, #tpu.memory_space<semaphore_mem>>
    %dma_wait3A_173 = arith.constant 0 : i32
    %dma_wait3A_174 = arith.constant 0 : i32
    %dma_wait3A_175 = tpu.memref_slice %arg5[%add3A_132, %dma_wait3A_173, %dma_wait3A_174] : memref<2048x4x1024xf32, #tpu.memory_space<hbm>> -> memref<8x4x1024xf32, #tpu.memory_space<hbm>>
    %dma_wait3A_176 = arith.constant 0 : i32
    %dma_wait3A_177 = arith.constant 0 : i32
    %dma_wait3A_178 = arith.constant 0 : i32
    %dma_wait3A_179 = tpu.memref_slice %arg8[%dma_wait3A_176, %dma_wait3A_177, %dma_wait3A_178] : memref<24x4x1024xf32, #tpu.memory_space<vmem>> -> memref<8x4x1024xf32, #tpu.memory_space<vmem>>
    tpu.wait_dma2 semaphore(%dma_wait3A_172 : memref<!tpu.dma_semaphore, #tpu.memory_space<semaphore_mem>>) src(%dma_wait3A_179 : memref<8x4x1024xf32, #tpu.memory_space<vmem>>) dst(%dma_wait3A_175 : memref<8x4x1024xf32, #tpu.memory_space<hbm>>)
    %add3A_180 = arith.constant 24 : i32
    %add3A_181 = arith.addi %mul3A_2, %add3A_180 : i32
    %dma_start3A_182 = arith.constant 3 : i32
    %dma_start3A_183 = arith.constant 0 : i32
    %dma_start3A_184 = arith.constant 0 : i32
    %dma_start3A_185 = arith.constant 0 : i32
    %dma_start3A_186 = tpu.memref_slice %arg8[%dma_start3A_183, %dma_start3A_184, %dma_start3A_185] : memref<24x4x1024xf32, #tpu.memory_space<vmem>> -> memref<8x4x1024xf32, #tpu.memory_space<vmem>>
    %dma_start3A_187 = arith.constant 0 : i32
    %dma_start3A_188 = arith.constant 0 : i32
    %dma_start3A_189 = tpu.memref_slice %arg2[%add3A_181, %dma_start3A_187, %dma_start3A_188] : memref<2048x4x1024xf32, #tpu.memory_space<hbm>> -> memref<8x4x1024xf32, #tpu.memory_space<hbm>>
    %dma_start3A_190 = tpu.memref_slice %arg9[%dma_start3A_182] : memref<9x!tpu.dma_semaphore, #tpu.memory_space<semaphore_mem>> -> memref<1x!tpu.dma_semaphore, #tpu.memory_space<semaphore_mem>>
    %dma_start3A_191 = tpu.memref_squeeze %dma_start3A_190 : memref<1x!tpu.dma_semaphore, #tpu.memory_space<semaphore_mem>> -> memref<!tpu.dma_semaphore, #tpu.memory_space<semaphore_mem>>
    %dma_start3A_192 = arith.constant 0 : i32
    %dma_start3A_193 = arith.constant 0 : i32
    %dma_start3A_194 = arith.constant 0 : i32
    %dma_start3A_195 = tpu.memref_slice %arg8[%dma_start3A_192, %dma_start3A_193, %dma_start3A_194] : memref<24x4x1024xf32, #tpu.memory_space<vmem>> -> memref<8x4x1024xf32, #tpu.memory_space<vmem>>
    %dma_start3A_196 = arith.constant 0 : i32
    %dma_start3A_197 = arith.constant 0 : i32
    %dma_start3A_198 = tpu.memref_slice %arg2[%add3A_181, %dma_start3A_196, %dma_start3A_197] : memref<2048x4x1024xf32, #tpu.memory_space<hbm>> -> memref<8x4x1024xf32, #tpu.memory_space<hbm>>
    tpu.enqueue_dma source(%dma_start3A_198 : memref<8x4x1024xf32, #tpu.memory_space<hbm>>) target(%dma_start3A_195 : memref<8x4x1024xf32, #tpu.memory_space<vmem>>) target_semaphore(%dma_start3A_191 : memref<!tpu.dma_semaphore, #tpu.memory_space<semaphore_mem>>)
    %dma_wait3A_199 = arith.constant 1 : i32
    %dma_wait3A_200 = arith.constant 1 : i32
    %dma_wait3A_201 = arith.constant 8 : i32
    %dma_wait3A_202 = arith.constant 0 : i32
    %dma_wait3A_203 = tpu.memref_slice %arg7[%dma_wait3A_201, %dma_wait3A_202] : memref<24x1024xf32, #tpu.memory_space<vmem>> -> memref<8x1024xf32, #tpu.memory_space<vmem>>
    %dma_wait3A_204 = arith.constant 0 : i32
    %dma_wait3A_205 = tpu.memref_slice %arg6[%dma_wait3A_199, %dma_wait3A_204] : memref<8x8xi32, #tpu.memory_space<vmem>> -> memref<1x8xi32, #tpu.memory_space<vmem>>
    %dma_wait3A_206 = tpu.memref_squeeze %dma_wait3A_205 : memref<1x8xi32, #tpu.memory_space<vmem>> -> memref<8xi32, #tpu.memory_space<vmem>>
    %dma_wait3A_207 = arith.constant 0 : i32
    %dma_wait3A_208 = arith.constant 0 : i32
    %dma_wait3A_209 = tpu.memref_slice %arg4[%dma_wait3A_207, %dma_wait3A_208] : memref<2048x1024xf32, #tpu.memory_space<hbm>> -> memref<2048x1024xf32, #tpu.memory_space<hbm>>
    %dma_wait3A_210 = tpu.memref_slice %arg9[%dma_wait3A_200] : memref<9x!tpu.dma_semaphore, #tpu.memory_space<semaphore_mem>> -> memref<1x!tpu.dma_semaphore, #tpu.memory_space<semaphore_mem>>
    %dma_wait3A_211 = tpu.memref_squeeze %dma_wait3A_210 : memref<1x!tpu.dma_semaphore, #tpu.memory_space<semaphore_mem>> -> memref<!tpu.dma_semaphore, #tpu.memory_space<semaphore_mem>>
    tpu.wait_indirect_dma semaphore(%dma_wait3A_211 : memref<!tpu.dma_semaphore, #tpu.memory_space<semaphore_mem>>) src(%dma_wait3A_209 : memref<2048x1024xf32, #tpu.memory_space<hbm>>) dst(%dma_wait3A_203 : memref<8x1024xf32, #tpu.memory_space<vmem>>)
    %dma_wait3A_212 = arith.constant 4 : i32
    %dma_wait3A_213 = arith.constant 8 : i32
    %dma_wait3A_214 = arith.constant 0 : i32
    %dma_wait3A_215 = arith.constant 0 : i32
    %dma_wait3A_216 = tpu.memref_slice %arg8[%dma_wait3A_213, %dma_wait3A_214, %dma_wait3A_215] : memref<24x4x1024xf32, #tpu.memory_space<vmem>> -> memref<8x4x1024xf32, #tpu.memory_space<vmem>>
    %dma_wait3A_217 = arith.constant 0 : i32
    %dma_wait3A_218 = arith.constant 0 : i32
    %dma_wait3A_219 = tpu.memref_slice %arg2[%add3A_50, %dma_wait3A_217, %dma_wait3A_218] : memref<2048x4x1024xf32, #tpu.memory_space<hbm>> -> memref<8x4x1024xf32, #tpu.memory_space<hbm>>
    %dma_wait3A_220 = tpu.memref_slice %arg9[%dma_wait3A_212] : memref<9x!tpu.dma_semaphore, #tpu.memory_space<semaphore_mem>> -> memref<1x!tpu.dma_semaphore, #tpu.memory_space<semaphore_mem>>
    %dma_wait3A_221 = tpu.memref_squeeze %dma_wait3A_220 : memref<1x!tpu.dma_semaphore, #tpu.memory_space<semaphore_mem>> -> memref<!tpu.dma_semaphore, #tpu.memory_space<semaphore_mem>>
    %dma_wait3A_222 = arith.constant 8 : i32
    %dma_wait3A_223 = arith.constant 0 : i32
    %dma_wait3A_224 = arith.constant 0 : i32
    %dma_wait3A_225 = tpu.memref_slice %arg8[%dma_wait3A_222, %dma_wait3A_223, %dma_wait3A_224] : memref<24x4x1024xf32, #tpu.memory_space<vmem>> -> memref<8x4x1024xf32, #tpu.memory_space<vmem>>
    %dma_wait3A_226 = arith.constant 0 : i32
    %dma_wait3A_227 = arith.constant 0 : i32
    %dma_wait3A_228 = tpu.memref_slice %arg2[%add3A_50, %dma_wait3A_226, %dma_wait3A_227] : memref<2048x4x1024xf32, #tpu.memory_space<hbm>> -> memref<8x4x1024xf32, #tpu.memory_space<hbm>>
    tpu.wait_dma2 semaphore(%dma_wait3A_221 : memref<!tpu.dma_semaphore, #tpu.memory_space<semaphore_mem>>) src(%dma_wait3A_228 : memref<8x4x1024xf32, #tpu.memory_space<hbm>>) dst(%dma_wait3A_225 : memref<8x4x1024xf32, #tpu.memory_space<vmem>>)
    %parallel_loop3A_229 = arith.constant 0 : i32
    %parallel_loop3A_230 = arith.constant 512 : i32
    %parallel_loop3A_231 = arith.constant 1 : i32
    scf.for %parallel_loop3A_810 = %parallel_loop3A_229 to %parallel_loop3A_230 step %parallel_loop3A_231  : i32 {
      %parallel_loop3A_811 = arith.constant 64 : i32
      %parallel_loop3A_812 = arith.divsi %parallel_loop3A_810, %parallel_loop3A_811 : i32
      %parallel_loop3A_813 = arith.constant 0 : i32
      %parallel_loop3A_814 = arith.cmpi sgt, %parallel_loop3A_810, %parallel_loop3A_813 : i32
      %parallel_loop3A_815 = arith.extui %parallel_loop3A_814 : i1 to i32
      %parallel_loop3A_816 = arith.constant 0 : i32
      %parallel_loop3A_817 = arith.cmpi slt, %parallel_loop3A_810, %parallel_loop3A_816 : i32
      %parallel_loop3A_818 = arith.extui %parallel_loop3A_817 : i1 to i32
      %parallel_loop3A_819 = arith.subi %parallel_loop3A_815, %parallel_loop3A_818 : i32
      %parallel_loop3A_820 = arith.constant 0 : i32
      %parallel_loop3A_821 = arith.cmpi sgt, %parallel_loop3A_811, %parallel_loop3A_820 : i32
      %parallel_loop3A_822 = arith.extui %parallel_loop3A_821 : i1 to i32
      %parallel_loop3A_823 = arith.constant 0 : i32
      %parallel_loop3A_824 = arith.cmpi slt, %parallel_loop3A_811, %parallel_loop3A_823 : i32
      %parallel_loop3A_825 = arith.extui %parallel_loop3A_824 : i1 to i32
      %parallel_loop3A_826 = arith.subi %parallel_loop3A_822, %parallel_loop3A_825 : i32
      %parallel_loop3A_827 = arith.cmpi ne, %parallel_loop3A_819, %parallel_loop3A_826 : i32
      %parallel_loop3A_828 = arith.remsi %parallel_loop3A_810, %parallel_loop3A_811 : i32
      %parallel_loop3A_829 = arith.constant 0 : i32
      %parallel_loop3A_830 = arith.cmpi ne, %parallel_loop3A_828, %parallel_loop3A_829 : i32
      %parallel_loop3A_831 = arith.andi %parallel_loop3A_827, %parallel_loop3A_830 : i1
      %parallel_loop3A_832 = arith.constant 1 : i32
      %parallel_loop3A_833 = arith.subi %parallel_loop3A_812, %parallel_loop3A_832 : i32
      %parallel_loop3A_834 = arith.select %parallel_loop3A_831, %parallel_loop3A_833, %parallel_loop3A_812 : i32
      %parallel_loop3A_835 = arith.constant 64 : i32
      %parallel_loop3A_836 = arith.muli %parallel_loop3A_834, %parallel_loop3A_835 : i32
      %parallel_loop3A_837 = arith.subi %parallel_loop3A_810, %parallel_loop3A_836 : i32
      %parallel_loop3A_838 = arith.constant 16 : i32
      %parallel_loop3A_839 = arith.muli %parallel_loop3A_837, %parallel_loop3A_838 : i32
      %parallel_loop3A_840 = arith.constant 8 : i32
      %parallel_loop3A_841 = arith.addi %parallel_loop3A_840, %parallel_loop3A_834 : i32
      %parallel_loop3A_842 = arith.index_cast %parallel_loop3A_841 : i32 to index
      %parallel_loop3A_843 = arith.index_cast %parallel_loop3A_839 : i32 to index
      %parallel_loop3A_844 = tpu.vector_load %arg7[%parallel_loop3A_842, %parallel_loop3A_843] {strides = array<i32>} : memref<24x1024xf32, #tpu.memory_space<vmem>>, vector<1x16xf32>,
      %parallel_loop3A_845 = vector.shape_cast %parallel_loop3A_844 : vector<1x16xf32> to vector<16xf32>
      %parallel_loop3A_846 = arith.constant 8 : i32
      %parallel_loop3A_847 = arith.addi %parallel_loop3A_846, %parallel_loop3A_834 : i32
      %parallel_loop3A_848 = arith.constant 0 : i32
      %parallel_loop3A_849 = arith.index_cast %parallel_loop3A_847 : i32 to index
      %parallel_loop3A_850 = arith.index_cast %parallel_loop3A_848 : i32 to index
      %parallel_loop3A_851 = arith.index_cast %parallel_loop3A_839 : i32 to index
      %parallel_loop3A_852 = tpu.vector_load %arg8[%parallel_loop3A_849, %parallel_loop3A_850, %parallel_loop3A_851] {strides = array<i32>} : memref<24x4x1024xf32, #tpu.memory_space<vmem>>, vector<1x1x16xf32>,
      %parallel_loop3A_853 = vector.shape_cast %parallel_loop3A_852 : vector<1x1x16xf32> to vector<16xf32>
      %parallel_loop3A_854 = vector.shape_cast %parallel_loop3A_845 : vector<16xf32> to vector<1x1x16xf32>
      tpu.vector_store %arg8[%parallel_loop3A_849, %parallel_loop3A_850, %parallel_loop3A_851], %parallel_loop3A_854 {add = true, strides = array<i32>} : memref<24x4x1024xf32, #tpu.memory_space<vmem>>, vector<1x1x16xf32>,
      %parallel_loop3A_855 = arith.constant 8 : i32
      %parallel_loop3A_856 = arith.addi %parallel_loop3A_855, %parallel_loop3A_834 : i32
      %parallel_loop3A_857 = arith.constant 1 : i32
      %parallel_loop3A_858 = arith.index_cast %parallel_loop3A_856 : i32 to index
      %parallel_loop3A_859 = arith.index_cast %parallel_loop3A_857 : i32 to index
      %parallel_loop3A_860 = arith.index_cast %parallel_loop3A_839 : i32 to index
      %parallel_loop3A_861 = tpu.vector_load %arg8[%parallel_loop3A_858, %parallel_loop3A_859, %parallel_loop3A_860] {strides = array<i32>} : memref<24x4x1024xf32, #tpu.memory_space<vmem>>, vector<1x1x16xf32>,
      %parallel_loop3A_862 = vector.shape_cast %parallel_loop3A_861 : vector<1x1x16xf32> to vector<16xf32>
      %parallel_loop3A_863 = vector.shape_cast %parallel_loop3A_845 : vector<16xf32> to vector<1x1x16xf32>
      tpu.vector_store %arg8[%parallel_loop3A_858, %parallel_loop3A_859, %parallel_loop3A_860], %parallel_loop3A_863 {add = true, strides = array<i32>} : memref<24x4x1024xf32, #tpu.memory_space<vmem>>, vector<1x1x16xf32>,
      %parallel_loop3A_864 = arith.constant 8 : i32
      %parallel_loop3A_865 = arith.addi %parallel_loop3A_864, %parallel_loop3A_834 : i32
      %parallel_loop3A_866 = arith.constant 2 : i32
      %parallel_loop3A_867 = arith.index_cast %parallel_loop3A_865 : i32 to index
      %parallel_loop3A_868 = arith.index_cast %parallel_loop3A_866 : i32 to index
      %parallel_loop3A_869 = arith.index_cast %parallel_loop3A_839 : i32 to index
      %parallel_loop3A_870 = tpu.vector_load %arg8[%parallel_loop3A_867, %parallel_loop3A_868, %parallel_loop3A_869] {strides = array<i32>} : memref<24x4x1024xf32, #tpu.memory_space<vmem>>, vector<1x1x16xf32>,
      %parallel_loop3A_871 = vector.shape_cast %parallel_loop3A_870 : vector<1x1x16xf32> to vector<16xf32>
      %parallel_loop3A_872 = vector.shape_cast %parallel_loop3A_845 : vector<16xf32> to vector<1x1x16xf32>
      tpu.vector_store %arg8[%parallel_loop3A_867, %parallel_loop3A_868, %parallel_loop3A_869], %parallel_loop3A_872 {add = true, strides = array<i32>} : memref<24x4x1024xf32, #tpu.memory_space<vmem>>, vector<1x1x16xf32>,
      %parallel_loop3A_873 = arith.constant 8 : i32
      %parallel_loop3A_874 = arith.addi %parallel_loop3A_873, %parallel_loop3A_834 : i32
      %parallel_loop3A_875 = arith.constant 3 : i32
      %parallel_loop3A_876 = arith.index_cast %parallel_loop3A_874 : i32 to index
      %parallel_loop3A_877 = arith.index_cast %parallel_loop3A_875 : i32 to index
      %parallel_loop3A_878 = arith.index_cast %parallel_loop3A_839 : i32 to index
      %parallel_loop3A_879 = tpu.vector_load %arg8[%parallel_loop3A_876, %parallel_loop3A_877, %parallel_loop3A_878] {strides = array<i32>} : memref<24x4x1024xf32, #tpu.memory_space<vmem>>, vector<1x1x16xf32>,
      %parallel_loop3A_880 = vector.shape_cast %parallel_loop3A_879 : vector<1x1x16xf32> to vector<16xf32>
      %parallel_loop3A_881 = vector.shape_cast %parallel_loop3A_845 : vector<16xf32> to vector<1x1x16xf32>
      tpu.vector_store %arg8[%parallel_loop3A_876, %parallel_loop3A_877, %parallel_loop3A_878], %parallel_loop3A_881 {add = true, strides = array<i32>} : memref<24x4x1024xf32, #tpu.memory_space<vmem>>, vector<1x1x16xf32>,
    } {sc.loop_unroll_factor = 8 : i64, sc.parallel_access}
    %add3A_232 = arith.constant 8 : i32
    %add3A_233 = arith.addi %mul3A_2, %add3A_232 : i32
    %dma_start3A_234 = arith.constant 7 : i32
    %dma_start3A_235 = arith.constant 8 : i32
    %dma_start3A_236 = arith.constant 0 : i32
    %dma_start3A_237 = arith.constant 0 : i32
    %dma_start3A_238 = tpu.memref_slice %arg8[%dma_start3A_235, %dma_start3A_236, %dma_start3A_237] : memref<24x4x1024xf32, #tpu.memory_space<vmem>> -> memref<8x4x1024xf32, #tpu.memory_space<vmem>>
    %dma_start3A_239 = arith.constant 0 : i32
    %dma_start3A_240 = arith.constant 0 : i32
    %dma_start3A_241 = tpu.memref_slice %arg5[%add3A_233, %dma_start3A_239, %dma_start3A_240] : memref<2048x4x1024xf32, #tpu.memory_space<hbm>> -> memref<8x4x1024xf32, #tpu.memory_space<hbm>>
    %dma_start3A_242 = tpu.memref_slice %arg9[%dma_start3A_234] : memref<9x!tpu.dma_semaphore, #tpu.memory_space<semaphore_mem>> -> memref<1x!tpu.dma_semaphore, #tpu.memory_space<semaphore_mem>>
    %dma_start3A_243 = tpu.memref_squeeze %dma_start3A_242 : memref<1x!tpu.dma_semaphore, #tpu.memory_space<semaphore_mem>> -> memref<!tpu.dma_semaphore, #tpu.memory_space<semaphore_mem>>
    %dma_start3A_244 = arith.constant 0 : i32
    %dma_start3A_245 = arith.constant 0 : i32
    %dma_start3A_246 = tpu.memref_slice %arg5[%add3A_233, %dma_start3A_244, %dma_start3A_245] : memref<2048x4x1024xf32, #tpu.memory_space<hbm>> -> memref<8x4x1024xf32, #tpu.memory_space<hbm>>
    %dma_start3A_247 = arith.constant 8 : i32
    %dma_start3A_248 = arith.constant 0 : i32
    %dma_start3A_249 = arith.constant 0 : i32
    %dma_start3A_250 = tpu.memref_slice %arg8[%dma_start3A_247, %dma_start3A_248, %dma_start3A_249] : memref<24x4x1024xf32, #tpu.memory_space<vmem>> -> memref<8x4x1024xf32, #tpu.memory_space<vmem>>
    tpu.enqueue_dma source(%dma_start3A_250 : memref<8x4x1024xf32, #tpu.memory_space<vmem>>) target(%dma_start3A_246 : memref<8x4x1024xf32, #tpu.memory_space<hbm>>) target_semaphore(%dma_start3A_243 : memref<!tpu.dma_semaphore, #tpu.memory_space<semaphore_mem>>)
    %dma_start3A_251 = arith.constant 4 : i32
    %dma_start3A_252 = arith.constant 1 : i32
    %dma_start3A_253 = arith.constant 8 : i32
    %dma_start3A_254 = arith.constant 0 : i32
    %dma_start3A_255 = tpu.memref_slice %arg7[%dma_start3A_253, %dma_start3A_254] : memref<24x1024xf32, #tpu.memory_space<vmem>> -> memref<8x1024xf32, #tpu.memory_space<vmem>>
    %dma_start3A_256 = arith.constant 0 : i32
    %dma_start3A_257 = tpu.memref_slice %arg6[%dma_start3A_251, %dma_start3A_256] : memref<8x8xi32, #tpu.memory_space<vmem>> -> memref<1x8xi32, #tpu.memory_space<vmem>>
    %dma_start3A_258 = tpu.memref_squeeze %dma_start3A_257 : memref<1x8xi32, #tpu.memory_space<vmem>> -> memref<8xi32, #tpu.memory_space<vmem>>
    %dma_start3A_259 = arith.constant 0 : i32
    %dma_start3A_260 = arith.constant 0 : i32
    %dma_start3A_261 = tpu.memref_slice %arg4[%dma_start3A_259, %dma_start3A_260] : memref<2048x1024xf32, #tpu.memory_space<hbm>> -> memref<2048x1024xf32, #tpu.memory_space<hbm>>
    %dma_start3A_262 = tpu.memref_slice %arg9[%dma_start3A_252] : memref<9x!tpu.dma_semaphore, #tpu.memory_space<semaphore_mem>> -> memref<1x!tpu.dma_semaphore, #tpu.memory_space<semaphore_mem>>
    %dma_start3A_263 = tpu.memref_squeeze %dma_start3A_262 : memref<1x!tpu.dma_semaphore, #tpu.memory_space<semaphore_mem>> -> memref<!tpu.dma_semaphore, #tpu.memory_space<semaphore_mem>>
    tpu.enqueue_indirect_dma source(%dma_start3A_261 : memref<2048x1024xf32, #tpu.memory_space<hbm>>) target(%dma_start3A_255 : memref<8x1024xf32, #tpu.memory_space<vmem>>) offsets(%dma_start3A_258 : memref<8xi32, #tpu.memory_space<vmem>>) semaphore(%dma_start3A_263 : memref<!tpu.dma_semaphore, #tpu.memory_space<semaphore_mem>>)
    %dma_wait3A_264 = arith.constant 7 : i32
    %dma_wait3A_265 = arith.constant 8 : i32
    %dma_wait3A_266 = arith.constant 0 : i32
    %dma_wait3A_267 = arith.constant 0 : i32
    %dma_wait3A_268 = tpu.memref_slice %arg8[%dma_wait3A_265, %dma_wait3A_266, %dma_wait3A_267] : memref<24x4x1024xf32, #tpu.memory_space<vmem>> -> memref<8x4x1024xf32, #tpu.memory_space<vmem>>
    %dma_wait3A_269 = arith.constant 0 : i32
    %dma_wait3A_270 = arith.constant 0 : i32
    %dma_wait3A_271 = tpu.memref_slice %arg5[%add3A_233, %dma_wait3A_269, %dma_wait3A_270] : memref<2048x4x1024xf32, #tpu.memory_space<hbm>> -> memref<8x4x1024xf32, #tpu.memory_space<hbm>>
    %dma_wait3A_272 = tpu.memref_slice %arg9[%dma_wait3A_264] : memref<9x!tpu.dma_semaphore, #tpu.memory_space<semaphore_mem>> -> memref<1x!tpu.dma_semaphore, #tpu.memory_space<semaphore_mem>>
    %dma_wait3A_273 = tpu.memref_squeeze %dma_wait3A_272 : memref<1x!tpu.dma_semaphore, #tpu.memory_space<semaphore_mem>> -> memref<!tpu.dma_semaphore, #tpu.memory_space<semaphore_mem>>
    %dma_wait3A_274 = arith.constant 0 : i32
    %dma_wait3A_275 = arith.constant 0 : i32
    %dma_wait3A_276 = tpu.memref_slice %arg5[%add3A_233, %dma_wait3A_274, %dma_wait3A_275] : memref<2048x4x1024xf32, #tpu.memory_space<hbm>> -> memref<8x4x1024xf32, #tpu.memory_space<hbm>>
    %dma_wait3A_277 = arith.constant 8 : i32
    %dma_wait3A_278 = arith.constant 0 : i32
    %dma_wait3A_279 = arith.constant 0 : i32
    %dma_wait3A_280 = tpu.memref_slice %arg8[%dma_wait3A_277, %dma_wait3A_278, %dma_wait3A_279] : memref<24x4x1024xf32, #tpu.memory_space<vmem>> -> memref<8x4x1024xf32, #tpu.memory_space<vmem>>
    tpu.wait_dma2 semaphore(%dma_wait3A_273 : memref<!tpu.dma_semaphore, #tpu.memory_space<semaphore_mem>>) src(%dma_wait3A_280 : memref<8x4x1024xf32, #tpu.memory_space<vmem>>) dst(%dma_wait3A_276 : memref<8x4x1024xf32, #tpu.memory_space<hbm>>)
    %add3A_281 = arith.constant 32 : i32
    %add3A_282 = arith.addi %mul3A_2, %add3A_281 : i32
    %dma_start3A_283 = arith.constant 4 : i32
    %dma_start3A_284 = arith.constant 8 : i32
    %dma_start3A_285 = arith.constant 0 : i32
    %dma_start3A_286 = arith.constant 0 : i32
    %dma_start3A_287 = tpu.memref_slice %arg8[%dma_start3A_284, %dma_start3A_285, %dma_start3A_286] : memref<24x4x1024xf32, #tpu.memory_space<vmem>> -> memref<8x4x1024xf32, #tpu.memory_space<vmem>>
    %dma_start3A_288 = arith.constant 0 : i32
    %dma_start3A_289 = arith.constant 0 : i32
    %dma_start3A_290 = tpu.memref_slice %arg2[%add3A_282, %dma_start3A_288, %dma_start3A_289] : memref<2048x4x1024xf32, #tpu.memory_space<hbm>> -> memref<8x4x1024xf32, #tpu.memory_space<hbm>>
    %dma_start3A_291 = tpu.memref_slice %arg9[%dma_start3A_283] : memref<9x!tpu.dma_semaphore, #tpu.memory_space<semaphore_mem>> -> memref<1x!tpu.dma_semaphore, #tpu.memory_space<semaphore_mem>>
    %dma_start3A_292 = tpu.memref_squeeze %dma_start3A_291 : memref<1x!tpu.dma_semaphore, #tpu.memory_space<semaphore_mem>> -> memref<!tpu.dma_semaphore, #tpu.memory_space<semaphore_mem>>
    %dma_start3A_293 = arith.constant 8 : i32
    %dma_start3A_294 = arith.constant 0 : i32
    %dma_start3A_295 = arith.constant 0 : i32
    %dma_start3A_296 = tpu.memref_slice %arg8[%dma_start3A_293, %dma_start3A_294, %dma_start3A_295] : memref<24x4x1024xf32, #tpu.memory_space<vmem>> -> memref<8x4x1024xf32, #tpu.memory_space<vmem>>
    %dma_start3A_297 = arith.constant 0 : i32
    %dma_start3A_298 = arith.constant 0 : i32
    %dma_start3A_299 = tpu.memref_slice %arg2[%add3A_282, %dma_start3A_297, %dma_start3A_298] : memref<2048x4x1024xf32, #tpu.memory_space<hbm>> -> memref<8x4x1024xf32, #tpu.memory_space<hbm>>
    tpu.enqueue_dma source(%dma_start3A_299 : memref<8x4x1024xf32, #tpu.memory_space<hbm>>) target(%dma_start3A_296 : memref<8x4x1024xf32, #tpu.memory_space<vmem>>) target_semaphore(%dma_start3A_292 : memref<!tpu.dma_semaphore, #tpu.memory_space<semaphore_mem>>)
    %dma_wait3A_300 = arith.constant 2 : i32
    %dma_wait3A_301 = arith.constant 2 : i32
    %dma_wait3A_302 = arith.constant 16 : i32
    %dma_wait3A_303 = arith.constant 0 : i32
    %dma_wait3A_304 = tpu.memref_slice %arg7[%dma_wait3A_302, %dma_wait3A_303] : memref<24x1024xf32, #tpu.memory_space<vmem>> -> memref<8x1024xf32, #tpu.memory_space<vmem>>
    %dma_wait3A_305 = arith.constant 0 : i32
    %dma_wait3A_306 = tpu.memref_slice %arg6[%dma_wait3A_300, %dma_wait3A_305] : memref<8x8xi32, #tpu.memory_space<vmem>> -> memref<1x8xi32, #tpu.memory_space<vmem>>
    %dma_wait3A_307 = tpu.memref_squeeze %dma_wait3A_306 : memref<1x8xi32, #tpu.memory_space<vmem>> -> memref<8xi32, #tpu.memory_space<vmem>>
    %dma_wait3A_308 = arith.constant 0 : i32
    %dma_wait3A_309 = arith.constant 0 : i32
    %dma_wait3A_310 = tpu.memref_slice %arg4[%dma_wait3A_308, %dma_wait3A_309] : memref<2048x1024xf32, #tpu.memory_space<hbm>> -> memref<2048x1024xf32, #tpu.memory_space<hbm>>
    %dma_wait3A_311 = tpu.memref_slice %arg9[%dma_wait3A_301] : memref<9x!tpu.dma_semaphore, #tpu.memory_space<semaphore_mem>> -> memref<1x!tpu.dma_semaphore, #tpu.memory_space<semaphore_mem>>
    %dma_wait3A_312 = tpu.memref_squeeze %dma_wait3A_311 : memref<1x!tpu.dma_semaphore, #tpu.memory_space<semaphore_mem>> -> memref<!tpu.dma_semaphore, #tpu.memory_space<semaphore_mem>>
    tpu.wait_indirect_dma semaphore(%dma_wait3A_312 : memref<!tpu.dma_semaphore, #tpu.memory_space<semaphore_mem>>) src(%dma_wait3A_310 : memref<2048x1024xf32, #tpu.memory_space<hbm>>) dst(%dma_wait3A_304 : memref<8x1024xf32, #tpu.memory_space<vmem>>)
    %dma_wait3A_313 = arith.constant 5 : i32
    %dma_wait3A_314 = arith.constant 16 : i32
    %dma_wait3A_315 = arith.constant 0 : i32
    %dma_wait3A_316 = arith.constant 0 : i32
    %dma_wait3A_317 = tpu.memref_slice %arg8[%dma_wait3A_314, %dma_wait3A_315, %dma_wait3A_316] : memref<24x4x1024xf32, #tpu.memory_space<vmem>> -> memref<8x4x1024xf32, #tpu.memory_space<vmem>>
    %dma_wait3A_318 = arith.constant 0 : i32
    %dma_wait3A_319 = arith.constant 0 : i32
    %dma_wait3A_320 = tpu.memref_slice %arg2[%add3A_82, %dma_wait3A_318, %dma_wait3A_319] : memref<2048x4x1024xf32, #tpu.memory_space<hbm>> -> memref<8x4x1024xf32, #tpu.memory_space<hbm>>
    %dma_wait3A_321 = tpu.memref_slice %arg9[%dma_wait3A_313] : memref<9x!tpu.dma_semaphore, #tpu.memory_space<semaphore_mem>> -> memref<1x!tpu.dma_semaphore, #tpu.memory_space<semaphore_mem>>
    %dma_wait3A_322 = tpu.memref_squeeze %dma_wait3A_321 : memref<1x!tpu.dma_semaphore, #tpu.memory_space<semaphore_mem>> -> memref<!tpu.dma_semaphore, #tpu.memory_space<semaphore_mem>>
    %dma_wait3A_323 = arith.constant 16 : i32
    %dma_wait3A_324 = arith.constant 0 : i32
    %dma_wait3A_325 = arith.constant 0 : i32
    %dma_wait3A_326 = tpu.memref_slice %arg8[%dma_wait3A_323, %dma_wait3A_324, %dma_wait3A_325] : memref<24x4x1024xf32, #tpu.memory_space<vmem>> -> memref<8x4x1024xf32, #tpu.memory_space<vmem>>
    %dma_wait3A_327 = arith.constant 0 : i32
    %dma_wait3A_328 = arith.constant 0 : i32
    %dma_wait3A_329 = tpu.memref_slice %arg2[%add3A_82, %dma_wait3A_327, %dma_wait3A_328] : memref<2048x4x1024xf32, #tpu.memory_space<hbm>> -> memref<8x4x1024xf32, #tpu.memory_space<hbm>>
    tpu.wait_dma2 semaphore(%dma_wait3A_322 : memref<!tpu.dma_semaphore, #tpu.memory_space<semaphore_mem>>) src(%dma_wait3A_329 : memref<8x4x1024xf32, #tpu.memory_space<hbm>>) dst(%dma_wait3A_326 : memref<8x4x1024xf32, #tpu.memory_space<vmem>>)
    %parallel_loop3A_330 = arith.constant 0 : i32
    %parallel_loop3A_331 = arith.constant 512 : i32
    %parallel_loop3A_332 = arith.constant 1 : i32
    scf.for %parallel_loop3A_810 = %parallel_loop3A_330 to %parallel_loop3A_331 step %parallel_loop3A_332  : i32 {
      %parallel_loop3A_811 = arith.constant 64 : i32
      %parallel_loop3A_812 = arith.divsi %parallel_loop3A_810, %parallel_loop3A_811 : i32
      %parallel_loop3A_813 = arith.constant 0 : i32
      %parallel_loop3A_814 = arith.cmpi sgt, %parallel_loop3A_810, %parallel_loop3A_813 : i32
      %parallel_loop3A_815 = arith.extui %parallel_loop3A_814 : i1 to i32
      %parallel_loop3A_816 = arith.constant 0 : i32
      %parallel_loop3A_817 = arith.cmpi slt, %parallel_loop3A_810, %parallel_loop3A_816 : i32
      %parallel_loop3A_818 = arith.extui %parallel_loop3A_817 : i1 to i32
      %parallel_loop3A_819 = arith.subi %parallel_loop3A_815, %parallel_loop3A_818 : i32
      %parallel_loop3A_820 = arith.constant 0 : i32
      %parallel_loop3A_821 = arith.cmpi sgt, %parallel_loop3A_811, %parallel_loop3A_820 : i32
      %parallel_loop3A_822 = arith.extui %parallel_loop3A_821 : i1 to i32
      %parallel_loop3A_823 = arith.constant 0 : i32
      %parallel_loop3A_824 = arith.cmpi slt, %parallel_loop3A_811, %parallel_loop3A_823 : i32
      %parallel_loop3A_825 = arith.extui %parallel_loop3A_824 : i1 to i32
      %parallel_loop3A_826 = arith.subi %parallel_loop3A_822, %parallel_loop3A_825 : i32
      %parallel_loop3A_827 = arith.cmpi ne, %parallel_loop3A_819, %parallel_loop3A_826 : i32
      %parallel_loop3A_828 = arith.remsi %parallel_loop3A_810, %parallel_loop3A_811 : i32
      %parallel_loop3A_829 = arith.constant 0 : i32
      %parallel_loop3A_830 = arith.cmpi ne, %parallel_loop3A_828, %parallel_loop3A_829 : i32
      %parallel_loop3A_831 = arith.andi %parallel_loop3A_827, %parallel_loop3A_830 : i1
      %parallel_loop3A_832 = arith.constant 1 : i32
      %parallel_loop3A_833 = arith.subi %parallel_loop3A_812, %parallel_loop3A_832 : i32
      %parallel_loop3A_834 = arith.select %parallel_loop3A_831, %parallel_loop3A_833, %parallel_loop3A_812 : i32
      %parallel_loop3A_835 = arith.constant 64 : i32
      %parallel_loop3A_836 = arith.muli %parallel_loop3A_834, %parallel_loop3A_835 : i32
      %parallel_loop3A_837 = arith.subi %parallel_loop3A_810, %parallel_loop3A_836 : i32
      %parallel_loop3A_838 = arith.constant 16 : i32
      %parallel_loop3A_839 = arith.muli %parallel_loop3A_837, %parallel_loop3A_838 : i32
      %parallel_loop3A_840 = arith.constant 16 : i32
      %parallel_loop3A_841 = arith.addi %parallel_loop3A_840, %parallel_loop3A_834 : i32
      %parallel_loop3A_842 = arith.index_cast %parallel_loop3A_841 : i32 to index
      %parallel_loop3A_843 = arith.index_cast %parallel_loop3A_839 : i32 to index
      %parallel_loop3A_844 = tpu.vector_load %arg7[%parallel_loop3A_842, %parallel_loop3A_843] {strides = array<i32>} : memref<24x1024xf32, #tpu.memory_space<vmem>>, vector<1x16xf32>,
      %parallel_loop3A_845 = vector.shape_cast %parallel_loop3A_844 : vector<1x16xf32> to vector<16xf32>
      %parallel_loop3A_846 = arith.constant 16 : i32
      %parallel_loop3A_847 = arith.addi %parallel_loop3A_846, %parallel_loop3A_834 : i32
      %parallel_loop3A_848 = arith.constant 0 : i32
      %parallel_loop3A_849 = arith.index_cast %parallel_loop3A_847 : i32 to index
      %parallel_loop3A_850 = arith.index_cast %parallel_loop3A_848 : i32 to index
      %parallel_loop3A_851 = arith.index_cast %parallel_loop3A_839 : i32 to index
      %parallel_loop3A_852 = tpu.vector_load %arg8[%parallel_loop3A_849, %parallel_loop3A_850, %parallel_loop3A_851] {strides = array<i32>} : memref<24x4x1024xf32, #tpu.memory_space<vmem>>, vector<1x1x16xf32>,
      %parallel_loop3A_853 = vector.shape_cast %parallel_loop3A_852 : vector<1x1x16xf32> to vector<16xf32>
      %parallel_loop3A_854 = vector.shape_cast %parallel_loop3A_845 : vector<16xf32> to vector<1x1x16xf32>
      tpu.vector_store %arg8[%parallel_loop3A_849, %parallel_loop3A_850, %parallel_loop3A_851], %parallel_loop3A_854 {add = true, strides = array<i32>} : memref<24x4x1024xf32, #tpu.memory_space<vmem>>, vector<1x1x16xf32>,
      %parallel_loop3A_855 = arith.constant 16 : i32
      %parallel_loop3A_856 = arith.addi %parallel_loop3A_855, %parallel_loop3A_834 : i32
      %parallel_loop3A_857 = arith.constant 1 : i32
      %parallel_loop3A_858 = arith.index_cast %parallel_loop3A_856 : i32 to index
      %parallel_loop3A_859 = arith.index_cast %parallel_loop3A_857 : i32 to index
      %parallel_loop3A_860 = arith.index_cast %parallel_loop3A_839 : i32 to index
      %parallel_loop3A_861 = tpu.vector_load %arg8[%parallel_loop3A_858, %parallel_loop3A_859, %parallel_loop3A_860] {strides = array<i32>} : memref<24x4x1024xf32, #tpu.memory_space<vmem>>, vector<1x1x16xf32>,
      %parallel_loop3A_862 = vector.shape_cast %parallel_loop3A_861 : vector<1x1x16xf32> to vector<16xf32>
      %parallel_loop3A_863 = vector.shape_cast %parallel_loop3A_845 : vector<16xf32> to vector<1x1x16xf32>
      tpu.vector_store %arg8[%parallel_loop3A_858, %parallel_loop3A_859, %parallel_loop3A_860], %parallel_loop3A_863 {add = true, strides = array<i32>} : memref<24x4x1024xf32, #tpu.memory_space<vmem>>, vector<1x1x16xf32>,
      %parallel_loop3A_864 = arith.constant 16 : i32
      %parallel_loop3A_865 = arith.addi %parallel_loop3A_864, %parallel_loop3A_834 : i32
      %parallel_loop3A_866 = arith.constant 2 : i32
      %parallel_loop3A_867 = arith.index_cast %parallel_loop3A_865 : i32 to index
      %parallel_loop3A_868 = arith.index_cast %parallel_loop3A_866 : i32 to index
      %parallel_loop3A_869 = arith.index_cast %parallel_loop3A_839 : i32 to index
      %parallel_loop3A_870 = tpu.vector_load %arg8[%parallel_loop3A_867, %parallel_loop3A_868, %parallel_loop3A_869] {strides = array<i32>} : memref<24x4x1024xf32, #tpu.memory_space<vmem>>, vector<1x1x16xf32>,
      %parallel_loop3A_871 = vector.shape_cast %parallel_loop3A_870 : vector<1x1x16xf32> to vector<16xf32>
      %parallel_loop3A_872 = vector.shape_cast %parallel_loop3A_845 : vector<16xf32> to vector<1x1x16xf32>
      tpu.vector_store %arg8[%parallel_loop3A_867, %parallel_loop3A_868, %parallel_loop3A_869], %parallel_loop3A_872 {add = true, strides = array<i32>} : memref<24x4x1024xf32, #tpu.memory_space<vmem>>, vector<1x1x16xf32>,
      %parallel_loop3A_873 = arith.constant 16 : i32
      %parallel_loop3A_874 = arith.addi %parallel_loop3A_873, %parallel_loop3A_834 : i32
      %parallel_loop3A_875 = arith.constant 3 : i32
      %parallel_loop3A_876 = arith.index_cast %parallel_loop3A_874 : i32 to index
      %parallel_loop3A_877 = arith.index_cast %parallel_loop3A_875 : i32 to index
      %parallel_loop3A_878 = arith.index_cast %parallel_loop3A_839 : i32 to index
      %parallel_loop3A_879 = tpu.vector_load %arg8[%parallel_loop3A_876, %parallel_loop3A_877, %parallel_loop3A_878] {strides = array<i32>} : memref<24x4x1024xf32, #tpu.memory_space<vmem>>, vector<1x1x16xf32>,
      %parallel_loop3A_880 = vector.shape_cast %parallel_loop3A_879 : vector<1x1x16xf32> to vector<16xf32>
      %parallel_loop3A_881 = vector.shape_cast %parallel_loop3A_845 : vector<16xf32> to vector<1x1x16xf32>
      tpu.vector_store %arg8[%parallel_loop3A_876, %parallel_loop3A_877, %parallel_loop3A_878], %parallel_loop3A_881 {add = true, strides = array<i32>} : memref<24x4x1024xf32, #tpu.memory_space<vmem>>, vector<1x1x16xf32>,
    } {sc.loop_unroll_factor = 8 : i64, sc.parallel_access}
    %add3A_333 = arith.constant 16 : i32
    %add3A_334 = arith.addi %mul3A_2, %add3A_333 : i32
    %dma_start3A_335 = arith.constant 8 : i32
    %dma_start3A_336 = arith.constant 16 : i32
    %dma_start3A_337 = arith.constant 0 : i32
    %dma_start3A_338 = arith.constant 0 : i32
    %dma_start3A_339 = tpu.memref_slice %arg8[%dma_start3A_336, %dma_start3A_337, %dma_start3A_338] : memref<24x4x1024xf32, #tpu.memory_space<vmem>> -> memref<8x4x1024xf32, #tpu.memory_space<vmem>>
    %dma_start3A_340 = arith.constant 0 : i32
    %dma_start3A_341 = arith.constant 0 : i32
    %dma_start3A_342 = tpu.memref_slice %arg5[%add3A_334, %dma_start3A_340, %dma_start3A_341] : memref<2048x4x1024xf32, #tpu.memory_space<hbm>> -> memref<8x4x1024xf32, #tpu.memory_space<hbm>>
    %dma_start3A_343 = tpu.memref_slice %arg9[%dma_start3A_335] : memref<9x!tpu.dma_semaphore, #tpu.memory_space<semaphore_mem>> -> memref<1x!tpu.dma_semaphore, #tpu.memory_space<semaphore_mem>>
    %dma_start3A_344 = tpu.memref_squeeze %dma_start3A_343 : memref<1x!tpu.dma_semaphore, #tpu.memory_space<semaphore_mem>> -> memref<!tpu.dma_semaphore, #tpu.memory_space<semaphore_mem>>
    %dma_start3A_345 = arith.constant 0 : i32
    %dma_start3A_346 = arith.constant 0 : i32
    %dma_start3A_347 = tpu.memref_slice %arg5[%add3A_334, %dma_start3A_345, %dma_start3A_346] : memref<2048x4x1024xf32, #tpu.memory_space<hbm>> -> memref<8x4x1024xf32, #tpu.memory_space<hbm>>
    %dma_start3A_348 = arith.constant 16 : i32
    %dma_start3A_349 = arith.constant 0 : i32
    %dma_start3A_350 = arith.constant 0 : i32
    %dma_start3A_351 = tpu.memref_slice %arg8[%dma_start3A_348, %dma_start3A_349, %dma_start3A_350] : memref<24x4x1024xf32, #tpu.memory_space<vmem>> -> memref<8x4x1024xf32, #tpu.memory_space<vmem>>
    tpu.enqueue_dma source(%dma_start3A_351 : memref<8x4x1024xf32, #tpu.memory_space<vmem>>) target(%dma_start3A_347 : memref<8x4x1024xf32, #tpu.memory_space<hbm>>) target_semaphore(%dma_start3A_344 : memref<!tpu.dma_semaphore, #tpu.memory_space<semaphore_mem>>)
    %dma_start3A_352 = arith.constant 5 : i32
    %dma_start3A_353 = arith.constant 2 : i32
    %dma_start3A_354 = arith.constant 16 : i32
    %dma_start3A_355 = arith.constant 0 : i32
    %dma_start3A_356 = tpu.memref_slice %arg7[%dma_start3A_354, %dma_start3A_355] : memref<24x1024xf32, #tpu.memory_space<vmem>> -> memref<8x1024xf32, #tpu.memory_space<vmem>>
    %dma_start3A_357 = arith.constant 0 : i32
    %dma_start3A_358 = tpu.memref_slice %arg6[%dma_start3A_352, %dma_start3A_357] : memref<8x8xi32, #tpu.memory_space<vmem>> -> memref<1x8xi32, #tpu.memory_space<vmem>>
    %dma_start3A_359 = tpu.memref_squeeze %dma_start3A_358 : memref<1x8xi32, #tpu.memory_space<vmem>> -> memref<8xi32, #tpu.memory_space<vmem>>
    %dma_start3A_360 = arith.constant 0 : i32
    %dma_start3A_361 = arith.constant 0 : i32
    %dma_start3A_362 = tpu.memref_slice %arg4[%dma_start3A_360, %dma_start3A_361] : memref<2048x1024xf32, #tpu.memory_space<hbm>> -> memref<2048x1024xf32, #tpu.memory_space<hbm>>
    %dma_start3A_363 = tpu.memref_slice %arg9[%dma_start3A_353] : memref<9x!tpu.dma_semaphore, #tpu.memory_space<semaphore_mem>> -> memref<1x!tpu.dma_semaphore, #tpu.memory_space<semaphore_mem>>
    %dma_start3A_364 = tpu.memref_squeeze %dma_start3A_363 : memref<1x!tpu.dma_semaphore, #tpu.memory_space<semaphore_mem>> -> memref<!tpu.dma_semaphore, #tpu.memory_space<semaphore_mem>>
    tpu.enqueue_indirect_dma source(%dma_start3A_362 : memref<2048x1024xf32, #tpu.memory_space<hbm>>) target(%dma_start3A_356 : memref<8x1024xf32, #tpu.memory_space<vmem>>) offsets(%dma_start3A_359 : memref<8xi32, #tpu.memory_space<vmem>>) semaphore(%dma_start3A_364 : memref<!tpu.dma_semaphore, #tpu.memory_space<semaphore_mem>>)
    %dma_wait3A_365 = arith.constant 8 : i32
    %dma_wait3A_366 = arith.constant 16 : i32
    %dma_wait3A_367 = arith.constant 0 : i32
    %dma_wait3A_368 = arith.constant 0 : i32
    %dma_wait3A_369 = tpu.memref_slice %arg8[%dma_wait3A_366, %dma_wait3A_367, %dma_wait3A_368] : memref<24x4x1024xf32, #tpu.memory_space<vmem>> -> memref<8x4x1024xf32, #tpu.memory_space<vmem>>
    %dma_wait3A_370 = arith.constant 0 : i32
    %dma_wait3A_371 = arith.constant 0 : i32
    %dma_wait3A_372 = tpu.memref_slice %arg5[%add3A_334, %dma_wait3A_370, %dma_wait3A_371] : memref<2048x4x1024xf32, #tpu.memory_space<hbm>> -> memref<8x4x1024xf32, #tpu.memory_space<hbm>>
    %dma_wait3A_373 = tpu.memref_slice %arg9[%dma_wait3A_365] : memref<9x!tpu.dma_semaphore, #tpu.memory_space<semaphore_mem>> -> memref<1x!tpu.dma_semaphore, #tpu.memory_space<semaphore_mem>>
    %dma_wait3A_374 = tpu.memref_squeeze %dma_wait3A_373 : memref<1x!tpu.dma_semaphore, #tpu.memory_space<semaphore_mem>> -> memref<!tpu.dma_semaphore, #tpu.memory_space<semaphore_mem>>
    %dma_wait3A_375 = arith.constant 0 : i32
    %dma_wait3A_376 = arith.constant 0 : i32
    %dma_wait3A_377 = tpu.memref_slice %arg5[%add3A_334, %dma_wait3A_375, %dma_wait3A_376] : memref<2048x4x1024xf32, #tpu.memory_space<hbm>> -> memref<8x4x1024xf32, #tpu.memory_space<hbm>>
    %dma_wait3A_378 = arith.constant 16 : i32
    %dma_wait3A_379 = arith.constant 0 : i32
    %dma_wait3A_380 = arith.constant 0 : i32
    %dma_wait3A_381 = tpu.memref_slice %arg8[%dma_wait3A_378, %dma_wait3A_379, %dma_wait3A_380] : memref<24x4x1024xf32, #tpu.memory_space<vmem>> -> memref<8x4x1024xf32, #tpu.memory_space<vmem>>
    tpu.wait_dma2 semaphore(%dma_wait3A_374 : memref<!tpu.dma_semaphore, #tpu.memory_space<semaphore_mem>>) src(%dma_wait3A_381 : memref<8x4x1024xf32, #tpu.memory_space<vmem>>) dst(%dma_wait3A_377 : memref<8x4x1024xf32, #tpu.memory_space<hbm>>)
    %add3A_382 = arith.constant 40 : i32
    %add3A_383 = arith.addi %mul3A_2, %add3A_382 : i32
    %dma_start3A_384 = arith.constant 5 : i32
    %dma_start3A_385 = arith.constant 16 : i32
    %dma_start3A_386 = arith.constant 0 : i32
    %dma_start3A_387 = arith.constant 0 : i32
    %dma_start3A_388 = tpu.memref_slice %arg8[%dma_start3A_385, %dma_start3A_386, %dma_start3A_387] : memref<24x4x1024xf32, #tpu.memory_space<vmem>> -> memref<8x4x1024xf32, #tpu.memory_space<vmem>>
    %dma_start3A_389 = arith.constant 0 : i32
    %dma_start3A_390 = arith.constant 0 : i32
    %dma_start3A_391 = tpu.memref_slice %arg2[%add3A_383, %dma_start3A_389, %dma_start3A_390] : memref<2048x4x1024xf32, #tpu.memory_space<hbm>> -> memref<8x4x1024xf32, #tpu.memory_space<hbm>>
    %dma_start3A_392 = tpu.memref_slice %arg9[%dma_start3A_384] : memref<9x!tpu.dma_semaphore, #tpu.memory_space<semaphore_mem>> -> memref<1x!tpu.dma_semaphore, #tpu.memory_space<semaphore_mem>>
    %dma_start3A_393 = tpu.memref_squeeze %dma_start3A_392 : memref<1x!tpu.dma_semaphore, #tpu.memory_space<semaphore_mem>> -> memref<!tpu.dma_semaphore, #tpu.memory_space<semaphore_mem>>
    %dma_start3A_394 = arith.constant 16 : i32
    %dma_start3A_395 = arith.constant 0 : i32
    %dma_start3A_396 = arith.constant 0 : i32
    %dma_start3A_397 = tpu.memref_slice %arg8[%dma_start3A_394, %dma_start3A_395, %dma_start3A_396] : memref<24x4x1024xf32, #tpu.memory_space<vmem>> -> memref<8x4x1024xf32, #tpu.memory_space<vmem>>
    %dma_start3A_398 = arith.constant 0 : i32
    %dma_start3A_399 = arith.constant 0 : i32
    %dma_start3A_400 = tpu.memref_slice %arg2[%add3A_383, %dma_start3A_398, %dma_start3A_399] : memref<2048x4x1024xf32, #tpu.memory_space<hbm>> -> memref<8x4x1024xf32, #tpu.memory_space<hbm>>
    tpu.enqueue_dma source(%dma_start3A_400 : memref<8x4x1024xf32, #tpu.memory_space<hbm>>) target(%dma_start3A_397 : memref<8x4x1024xf32, #tpu.memory_space<vmem>>) target_semaphore(%dma_start3A_393 : memref<!tpu.dma_semaphore, #tpu.memory_space<semaphore_mem>>)
    %dma_wait3A_401 = arith.constant 3 : i32
    %dma_wait3A_402 = arith.constant 0 : i32
    %dma_wait3A_403 = arith.constant 0 : i32
    %dma_wait3A_404 = arith.constant 0 : i32
    %dma_wait3A_405 = tpu.memref_slice %arg7[%dma_wait3A_403, %dma_wait3A_404] : memref<24x1024xf32, #tpu.memory_space<vmem>> -> memref<8x1024xf32, #tpu.memory_space<vmem>>
    %dma_wait3A_406 = arith.constant 0 : i32
    %dma_wait3A_407 = tpu.memref_slice %arg6[%dma_wait3A_401, %dma_wait3A_406] : memref<8x8xi32, #tpu.memory_space<vmem>> -> memref<1x8xi32, #tpu.memory_space<vmem>>
    %dma_wait3A_408 = tpu.memref_squeeze %dma_wait3A_407 : memref<1x8xi32, #tpu.memory_space<vmem>> -> memref<8xi32, #tpu.memory_space<vmem>>
    %dma_wait3A_409 = arith.constant 0 : i32
    %dma_wait3A_410 = arith.constant 0 : i32
    %dma_wait3A_411 = tpu.memref_slice %arg4[%dma_wait3A_409, %dma_wait3A_410] : memref<2048x1024xf32, #tpu.memory_space<hbm>> -> memref<2048x1024xf32, #tpu.memory_space<hbm>>
    %dma_wait3A_412 = tpu.memref_slice %arg9[%dma_wait3A_402] : memref<9x!tpu.dma_semaphore, #tpu.memory_space<semaphore_mem>> -> memref<1x!tpu.dma_semaphore, #tpu.memory_space<semaphore_mem>>
    %dma_wait3A_413 = tpu.memref_squeeze %dma_wait3A_412 : memref<1x!tpu.dma_semaphore, #tpu.memory_space<semaphore_mem>> -> memref<!tpu.dma_semaphore, #tpu.memory_space<semaphore_mem>>
    tpu.wait_indirect_dma semaphore(%dma_wait3A_413 : memref<!tpu.dma_semaphore, #tpu.memory_space<semaphore_mem>>) src(%dma_wait3A_411 : memref<2048x1024xf32, #tpu.memory_space<hbm>>) dst(%dma_wait3A_405 : memref<8x1024xf32, #tpu.memory_space<vmem>>)
    %dma_wait3A_414 = arith.constant 3 : i32
    %dma_wait3A_415 = arith.constant 0 : i32
    %dma_wait3A_416 = arith.constant 0 : i32
    %dma_wait3A_417 = arith.constant 0 : i32
    %dma_wait3A_418 = tpu.memref_slice %arg8[%dma_wait3A_415, %dma_wait3A_416, %dma_wait3A_417] : memref<24x4x1024xf32, #tpu.memory_space<vmem>> -> memref<8x4x1024xf32, #tpu.memory_space<vmem>>
    %dma_wait3A_419 = arith.constant 0 : i32
    %dma_wait3A_420 = arith.constant 0 : i32
    %dma_wait3A_421 = tpu.memref_slice %arg2[%add3A_181, %dma_wait3A_419, %dma_wait3A_420] : memref<2048x4x1024xf32, #tpu.memory_space<hbm>> -> memref<8x4x1024xf32, #tpu.memory_space<hbm>>
    %dma_wait3A_422 = tpu.memref_slice %arg9[%dma_wait3A_414] : memref<9x!tpu.dma_semaphore, #tpu.memory_space<semaphore_mem>> -> memref<1x!tpu.dma_semaphore, #tpu.memory_space<semaphore_mem>>
    %dma_wait3A_423 = tpu.memref_squeeze %dma_wait3A_422 : memref<1x!tpu.dma_semaphore, #tpu.memory_space<semaphore_mem>> -> memref<!tpu.dma_semaphore, #tpu.memory_space<semaphore_mem>>
    %dma_wait3A_424 = arith.constant 0 : i32
    %dma_wait3A_425 = arith.constant 0 : i32
    %dma_wait3A_426 = arith.constant 0 : i32
    %dma_wait3A_427 = tpu.memref_slice %arg8[%dma_wait3A_424, %dma_wait3A_425, %dma_wait3A_426] : memref<24x4x1024xf32, #tpu.memory_space<vmem>> -> memref<8x4x1024xf32, #tpu.memory_space<vmem>>
    %dma_wait3A_428 = arith.constant 0 : i32
    %dma_wait3A_429 = arith.constant 0 : i32
    %dma_wait3A_430 = tpu.memref_slice %arg2[%add3A_181, %dma_wait3A_428, %dma_wait3A_429] : memref<2048x4x1024xf32, #tpu.memory_space<hbm>> -> memref<8x4x1024xf32, #tpu.memory_space<hbm>>
    tpu.wait_dma2 semaphore(%dma_wait3A_423 : memref<!tpu.dma_semaphore, #tpu.memory_space<semaphore_mem>>) src(%dma_wait3A_430 : memref<8x4x1024xf32, #tpu.memory_space<hbm>>) dst(%dma_wait3A_427 : memref<8x4x1024xf32, #tpu.memory_space<vmem>>)
    %parallel_loop3A_431 = arith.constant 0 : i32
    %parallel_loop3A_432 = arith.constant 512 : i32
    %parallel_loop3A_433 = arith.constant 1 : i32
    scf.for %parallel_loop3A_810 = %parallel_loop3A_431 to %parallel_loop3A_432 step %parallel_loop3A_433  : i32 {
      %parallel_loop3A_811 = arith.constant 64 : i32
      %parallel_loop3A_812 = arith.divsi %parallel_loop3A_810, %parallel_loop3A_811 : i32
      %parallel_loop3A_813 = arith.constant 0 : i32
      %parallel_loop3A_814 = arith.cmpi sgt, %parallel_loop3A_810, %parallel_loop3A_813 : i32
      %parallel_loop3A_815 = arith.extui %parallel_loop3A_814 : i1 to i32
      %parallel_loop3A_816 = arith.constant 0 : i32
      %parallel_loop3A_817 = arith.cmpi slt, %parallel_loop3A_810, %parallel_loop3A_816 : i32
      %parallel_loop3A_818 = arith.extui %parallel_loop3A_817 : i1 to i32
      %parallel_loop3A_819 = arith.subi %parallel_loop3A_815, %parallel_loop3A_818 : i32
      %parallel_loop3A_820 = arith.constant 0 : i32
      %parallel_loop3A_821 = arith.cmpi sgt, %parallel_loop3A_811, %parallel_loop3A_820 : i32
      %parallel_loop3A_822 = arith.extui %parallel_loop3A_821 : i1 to i32
      %parallel_loop3A_823 = arith.constant 0 : i32
      %parallel_loop3A_824 = arith.cmpi slt, %parallel_loop3A_811, %parallel_loop3A_823 : i32
      %parallel_loop3A_825 = arith.extui %parallel_loop3A_824 : i1 to i32
      %parallel_loop3A_826 = arith.subi %parallel_loop3A_822, %parallel_loop3A_825 : i32
      %parallel_loop3A_827 = arith.cmpi ne, %parallel_loop3A_819, %parallel_loop3A_826 : i32
      %parallel_loop3A_828 = arith.remsi %parallel_loop3A_810, %parallel_loop3A_811 : i32
      %parallel_loop3A_829 = arith.constant 0 : i32
      %parallel_loop3A_830 = arith.cmpi ne, %parallel_loop3A_828, %parallel_loop3A_829 : i32
      %parallel_loop3A_831 = arith.andi %parallel_loop3A_827, %parallel_loop3A_830 : i1
      %parallel_loop3A_832 = arith.constant 1 : i32
      %parallel_loop3A_833 = arith.subi %parallel_loop3A_812, %parallel_loop3A_832 : i32
      %parallel_loop3A_834 = arith.select %parallel_loop3A_831, %parallel_loop3A_833, %parallel_loop3A_812 : i32
      %parallel_loop3A_835 = arith.constant 64 : i32
      %parallel_loop3A_836 = arith.muli %parallel_loop3A_834, %parallel_loop3A_835 : i32
      %parallel_loop3A_837 = arith.subi %parallel_loop3A_810, %parallel_loop3A_836 : i32
      %parallel_loop3A_838 = arith.constant 16 : i32
      %parallel_loop3A_839 = arith.muli %parallel_loop3A_837, %parallel_loop3A_838 : i32
      %parallel_loop3A_840 = arith.constant 0 : i32
      %parallel_loop3A_841 = arith.addi %parallel_loop3A_840, %parallel_loop3A_834 : i32
      %parallel_loop3A_842 = arith.index_cast %parallel_loop3A_841 : i32 to index
      %parallel_loop3A_843 = arith.index_cast %parallel_loop3A_839 : i32 to index
      %parallel_loop3A_844 = tpu.vector_load %arg7[%parallel_loop3A_842, %parallel_loop3A_843] {strides = array<i32>} : memref<24x1024xf32, #tpu.memory_space<vmem>>, vector<1x16xf32>,
      %parallel_loop3A_845 = vector.shape_cast %parallel_loop3A_844 : vector<1x16xf32> to vector<16xf32>
      %parallel_loop3A_846 = arith.constant 0 : i32
      %parallel_loop3A_847 = arith.addi %parallel_loop3A_846, %parallel_loop3A_834 : i32
      %parallel_loop3A_848 = arith.constant 0 : i32
      %parallel_loop3A_849 = arith.index_cast %parallel_loop3A_847 : i32 to index
      %parallel_loop3A_850 = arith.index_cast %parallel_loop3A_848 : i32 to index
      %parallel_loop3A_851 = arith.index_cast %parallel_loop3A_839 : i32 to index
      %parallel_loop3A_852 = tpu.vector_load %arg8[%parallel_loop3A_849, %parallel_loop3A_850, %parallel_loop3A_851] {strides = array<i32>} : memref<24x4x1024xf32, #tpu.memory_space<vmem>>, vector<1x1x16xf32>,
      %parallel_loop3A_853 = vector.shape_cast %parallel_loop3A_852 : vector<1x1x16xf32> to vector<16xf32>
      %parallel_loop3A_854 = vector.shape_cast %parallel_loop3A_845 : vector<16xf32> to vector<1x1x16xf32>
      tpu.vector_store %arg8[%parallel_loop3A_849, %parallel_loop3A_850, %parallel_loop3A_851], %parallel_loop3A_854 {add = true, strides = array<i32>} : memref<24x4x1024xf32, #tpu.memory_space<vmem>>, vector<1x1x16xf32>,
      %parallel_loop3A_855 = arith.constant 0 : i32
      %parallel_loop3A_856 = arith.addi %parallel_loop3A_855, %parallel_loop3A_834 : i32
      %parallel_loop3A_857 = arith.constant 1 : i32
      %parallel_loop3A_858 = arith.index_cast %parallel_loop3A_856 : i32 to index
      %parallel_loop3A_859 = arith.index_cast %parallel_loop3A_857 : i32 to index
      %parallel_loop3A_860 = arith.index_cast %parallel_loop3A_839 : i32 to index
      %parallel_loop3A_861 = tpu.vector_load %arg8[%parallel_loop3A_858, %parallel_loop3A_859, %parallel_loop3A_860] {strides = array<i32>} : memref<24x4x1024xf32, #tpu.memory_space<vmem>>, vector<1x1x16xf32>,
      %parallel_loop3A_862 = vector.shape_cast %parallel_loop3A_861 : vector<1x1x16xf32> to vector<16xf32>
      %parallel_loop3A_863 = vector.shape_cast %parallel_loop3A_845 : vector<16xf32> to vector<1x1x16xf32>
      tpu.vector_store %arg8[%parallel_loop3A_858, %parallel_loop3A_859, %parallel_loop3A_860], %parallel_loop3A_863 {add = true, strides = array<i32>} : memref<24x4x1024xf32, #tpu.memory_space<vmem>>, vector<1x1x16xf32>,
      %parallel_loop3A_864 = arith.constant 0 : i32
      %parallel_loop3A_865 = arith.addi %parallel_loop3A_864, %parallel_loop3A_834 : i32
      %parallel_loop3A_866 = arith.constant 2 : i32
      %parallel_loop3A_867 = arith.index_cast %parallel_loop3A_865 : i32 to index
      %parallel_loop3A_868 = arith.index_cast %parallel_loop3A_866 : i32 to index
      %parallel_loop3A_869 = arith.index_cast %parallel_loop3A_839 : i32 to index
      %parallel_loop3A_870 = tpu.vector_load %arg8[%parallel_loop3A_867, %parallel_loop3A_868, %parallel_loop3A_869] {strides = array<i32>} : memref<24x4x1024xf32, #tpu.memory_space<vmem>>, vector<1x1x16xf32>,
      %parallel_loop3A_871 = vector.shape_cast %parallel_loop3A_870 : vector<1x1x16xf32> to vector<16xf32>
      %parallel_loop3A_872 = vector.shape_cast %parallel_loop3A_845 : vector<16xf32> to vector<1x1x16xf32>
      tpu.vector_store %arg8[%parallel_loop3A_867, %parallel_loop3A_868, %parallel_loop3A_869], %parallel_loop3A_872 {add = true, strides = array<i32>} : memref<24x4x1024xf32, #tpu.memory_space<vmem>>, vector<1x1x16xf32>,
      %parallel_loop3A_873 = arith.constant 0 : i32
      %parallel_loop3A_874 = arith.addi %parallel_loop3A_873, %parallel_loop3A_834 : i32
      %parallel_loop3A_875 = arith.constant 3 : i32
      %parallel_loop3A_876 = arith.index_cast %parallel_loop3A_874 : i32 to index
      %parallel_loop3A_877 = arith.index_cast %parallel_loop3A_875 : i32 to index
      %parallel_loop3A_878 = arith.index_cast %parallel_loop3A_839 : i32 to index
      %parallel_loop3A_879 = tpu.vector_load %arg8[%parallel_loop3A_876, %parallel_loop3A_877, %parallel_loop3A_878] {strides = array<i32>} : memref<24x4x1024xf32, #tpu.memory_space<vmem>>, vector<1x1x16xf32>,
      %parallel_loop3A_880 = vector.shape_cast %parallel_loop3A_879 : vector<1x1x16xf32> to vector<16xf32>
      %parallel_loop3A_881 = vector.shape_cast %parallel_loop3A_845 : vector<16xf32> to vector<1x1x16xf32>
      tpu.vector_store %arg8[%parallel_loop3A_876, %parallel_loop3A_877, %parallel_loop3A_878], %parallel_loop3A_881 {add = true, strides = array<i32>} : memref<24x4x1024xf32, #tpu.memory_space<vmem>>, vector<1x1x16xf32>,
    } {sc.loop_unroll_factor = 8 : i64, sc.parallel_access}
    %add3A_434 = arith.constant 24 : i32
    %add3A_435 = arith.addi %mul3A_2, %add3A_434 : i32
    %dma_start3A_436 = arith.constant 6 : i32
    %dma_start3A_437 = arith.constant 0 : i32
    %dma_start3A_438 = arith.constant 0 : i32
    %dma_start3A_439 = arith.constant 0 : i32
    %dma_start3A_440 = tpu.memref_slice %arg8[%dma_start3A_437, %dma_start3A_438, %dma_start3A_439] : memref<24x4x1024xf32, #tpu.memory_space<vmem>> -> memref<8x4x1024xf32, #tpu.memory_space<vmem>>
    %dma_start3A_441 = arith.constant 0 : i32
    %dma_start3A_442 = arith.constant 0 : i32
    %dma_start3A_443 = tpu.memref_slice %arg5[%add3A_435, %dma_start3A_441, %dma_start3A_442] : memref<2048x4x1024xf32, #tpu.memory_space<hbm>> -> memref<8x4x1024xf32, #tpu.memory_space<hbm>>
    %dma_start3A_444 = tpu.memref_slice %arg9[%dma_start3A_436] : memref<9x!tpu.dma_semaphore, #tpu.memory_space<semaphore_mem>> -> memref<1x!tpu.dma_semaphore, #tpu.memory_space<semaphore_mem>>
    %dma_start3A_445 = tpu.memref_squeeze %dma_start3A_444 : memref<1x!tpu.dma_semaphore, #tpu.memory_space<semaphore_mem>> -> memref<!tpu.dma_semaphore, #tpu.memory_space<semaphore_mem>>
    %dma_start3A_446 = arith.constant 0 : i32
    %dma_start3A_447 = arith.constant 0 : i32
    %dma_start3A_448 = tpu.memref_slice %arg5[%add3A_435, %dma_start3A_446, %dma_start3A_447] : memref<2048x4x1024xf32, #tpu.memory_space<hbm>> -> memref<8x4x1024xf32, #tpu.memory_space<hbm>>
    %dma_start3A_449 = arith.constant 0 : i32
    %dma_start3A_450 = arith.constant 0 : i32
    %dma_start3A_451 = arith.constant 0 : i32
    %dma_start3A_452 = tpu.memref_slice %arg8[%dma_start3A_449, %dma_start3A_450, %dma_start3A_451] : memref<24x4x1024xf32, #tpu.memory_space<vmem>> -> memref<8x4x1024xf32, #tpu.memory_space<vmem>>
    tpu.enqueue_dma source(%dma_start3A_452 : memref<8x4x1024xf32, #tpu.memory_space<vmem>>) target(%dma_start3A_448 : memref<8x4x1024xf32, #tpu.memory_space<hbm>>) target_semaphore(%dma_start3A_445 : memref<!tpu.dma_semaphore, #tpu.memory_space<semaphore_mem>>)
    %dma_start3A_453 = arith.constant 6 : i32
    %dma_start3A_454 = arith.constant 0 : i32
    %dma_start3A_455 = arith.constant 0 : i32
    %dma_start3A_456 = arith.constant 0 : i32
    %dma_start3A_457 = tpu.memref_slice %arg7[%dma_start3A_455, %dma_start3A_456] : memref<24x1024xf32, #tpu.memory_space<vmem>> -> memref<8x1024xf32, #tpu.memory_space<vmem>>
    %dma_start3A_458 = arith.constant 0 : i32
    %dma_start3A_459 = tpu.memref_slice %arg6[%dma_start3A_453, %dma_start3A_458] : memref<8x8xi32, #tpu.memory_space<vmem>> -> memref<1x8xi32, #tpu.memory_space<vmem>>
    %dma_start3A_460 = tpu.memref_squeeze %dma_start3A_459 : memref<1x8xi32, #tpu.memory_space<vmem>> -> memref<8xi32, #tpu.memory_space<vmem>>
    %dma_start3A_461 = arith.constant 0 : i32
    %dma_start3A_462 = arith.constant 0 : i32
    %dma_start3A_463 = tpu.memref_slice %arg4[%dma_start3A_461, %dma_start3A_462] : memref<2048x1024xf32, #tpu.memory_space<hbm>> -> memref<2048x1024xf32, #tpu.memory_space<hbm>>
    %dma_start3A_464 = tpu.memref_slice %arg9[%dma_start3A_454] : memref<9x!tpu.dma_semaphore, #tpu.memory_space<semaphore_mem>> -> memref<1x!tpu.dma_semaphore, #tpu.memory_space<semaphore_mem>>
    %dma_start3A_465 = tpu.memref_squeeze %dma_start3A_464 : memref<1x!tpu.dma_semaphore, #tpu.memory_space<semaphore_mem>> -> memref<!tpu.dma_semaphore, #tpu.memory_space<semaphore_mem>>
    tpu.enqueue_indirect_dma source(%dma_start3A_463 : memref<2048x1024xf32, #tpu.memory_space<hbm>>) target(%dma_start3A_457 : memref<8x1024xf32, #tpu.memory_space<vmem>>) offsets(%dma_start3A_460 : memref<8xi32, #tpu.memory_space<vmem>>) semaphore(%dma_start3A_465 : memref<!tpu.dma_semaphore, #tpu.memory_space<semaphore_mem>>)
    %dma_wait3A_466 = arith.constant 6 : i32
    %dma_wait3A_467 = arith.constant 0 : i32
    %dma_wait3A_468 = arith.constant 0 : i32
    %dma_wait3A_469 = arith.constant 0 : i32
    %dma_wait3A_470 = tpu.memref_slice %arg8[%dma_wait3A_467, %dma_wait3A_468, %dma_wait3A_469] : memref<24x4x1024xf32, #tpu.memory_space<vmem>> -> memref<8x4x1024xf32, #tpu.memory_space<vmem>>
    %dma_wait3A_471 = arith.constant 0 : i32
    %dma_wait3A_472 = arith.constant 0 : i32
    %dma_wait3A_473 = tpu.memref_slice %arg5[%add3A_435, %dma_wait3A_471, %dma_wait3A_472] : memref<2048x4x1024xf32, #tpu.memory_space<hbm>> -> memref<8x4x1024xf32, #tpu.memory_space<hbm>>
    %dma_wait3A_474 = tpu.memref_slice %arg9[%dma_wait3A_466] : memref<9x!tpu.dma_semaphore, #tpu.memory_space<semaphore_mem>> -> memref<1x!tpu.dma_semaphore, #tpu.memory_space<semaphore_mem>>
    %dma_wait3A_475 = tpu.memref_squeeze %dma_wait3A_474 : memref<1x!tpu.dma_semaphore, #tpu.memory_space<semaphore_mem>> -> memref<!tpu.dma_semaphore, #tpu.memory_space<semaphore_mem>>
    %dma_wait3A_476 = arith.constant 0 : i32
    %dma_wait3A_477 = arith.constant 0 : i32
    %dma_wait3A_478 = tpu.memref_slice %arg5[%add3A_435, %dma_wait3A_476, %dma_wait3A_477] : memref<2048x4x1024xf32, #tpu.memory_space<hbm>> -> memref<8x4x1024xf32, #tpu.memory_space<hbm>>
    %dma_wait3A_479 = arith.constant 0 : i32
    %dma_wait3A_480 = arith.constant 0 : i32
    %dma_wait3A_481 = arith.constant 0 : i32
    %dma_wait3A_482 = tpu.memref_slice %arg8[%dma_wait3A_479, %dma_wait3A_480, %dma_wait3A_481] : memref<24x4x1024xf32, #tpu.memory_space<vmem>> -> memref<8x4x1024xf32, #tpu.memory_space<vmem>>
    tpu.wait_dma2 semaphore(%dma_wait3A_475 : memref<!tpu.dma_semaphore, #tpu.memory_space<semaphore_mem>>) src(%dma_wait3A_482 : memref<8x4x1024xf32, #tpu.memory_space<vmem>>) dst(%dma_wait3A_478 : memref<8x4x1024xf32, #tpu.memory_space<hbm>>)
    %add3A_483 = arith.constant 48 : i32
    %add3A_484 = arith.addi %mul3A_2, %add3A_483 : i32
    %dma_start3A_485 = arith.constant 3 : i32
    %dma_start3A_486 = arith.constant 0 : i32
    %dma_start3A_487 = arith.constant 0 : i32
    %dma_start3A_488 = arith.constant 0 : i32
    %dma_start3A_489 = tpu.memref_slice %arg8[%dma_start3A_486, %dma_start3A_487, %dma_start3A_488] : memref<24x4x1024xf32, #tpu.memory_space<vmem>> -> memref<8x4x1024xf32, #tpu.memory_space<vmem>>
    %dma_start3A_490 = arith.constant 0 : i32
    %dma_start3A_491 = arith.constant 0 : i32
    %dma_start3A_492 = tpu.memref_slice %arg2[%add3A_484, %dma_start3A_490, %dma_start3A_491] : memref<2048x4x1024xf32, #tpu.memory_space<hbm>> -> memref<8x4x1024xf32, #tpu.memory_space<hbm>>
    %dma_start3A_493 = tpu.memref_slice %arg9[%dma_start3A_485] : memref<9x!tpu.dma_semaphore, #tpu.memory_space<semaphore_mem>> -> memref<1x!tpu.dma_semaphore, #tpu.memory_space<semaphore_mem>>
    %dma_start3A_494 = tpu.memref_squeeze %dma_start3A_493 : memref<1x!tpu.dma_semaphore, #tpu.memory_space<semaphore_mem>> -> memref<!tpu.dma_semaphore, #tpu.memory_space<semaphore_mem>>
    %dma_start3A_495 = arith.constant 0 : i32
    %dma_start3A_496 = arith.constant 0 : i32
    %dma_start3A_497 = arith.constant 0 : i32
    %dma_start3A_498 = tpu.memref_slice %arg8[%dma_start3A_495, %dma_start3A_496, %dma_start3A_497] : memref<24x4x1024xf32, #tpu.memory_space<vmem>> -> memref<8x4x1024xf32, #tpu.memory_space<vmem>>
    %dma_start3A_499 = arith.constant 0 : i32
    %dma_start3A_500 = arith.constant 0 : i32
    %dma_start3A_501 = tpu.memref_slice %arg2[%add3A_484, %dma_start3A_499, %dma_start3A_500] : memref<2048x4x1024xf32, #tpu.memory_space<hbm>> -> memref<8x4x1024xf32, #tpu.memory_space<hbm>>
    tpu.enqueue_dma source(%dma_start3A_501 : memref<8x4x1024xf32, #tpu.memory_space<hbm>>) target(%dma_start3A_498 : memref<8x4x1024xf32, #tpu.memory_space<vmem>>) target_semaphore(%dma_start3A_494 : memref<!tpu.dma_semaphore, #tpu.memory_space<semaphore_mem>>)
    %dma_wait3A_502 = arith.constant 4 : i32
    %dma_wait3A_503 = arith.constant 1 : i32
    %dma_wait3A_504 = arith.constant 8 : i32
    %dma_wait3A_505 = arith.constant 0 : i32
    %dma_wait3A_506 = tpu.memref_slice %arg7[%dma_wait3A_504, %dma_wait3A_505] : memref<24x1024xf32, #tpu.memory_space<vmem>> -> memref<8x1024xf32, #tpu.memory_space<vmem>>
    %dma_wait3A_507 = arith.constant 0 : i32
    %dma_wait3A_508 = tpu.memref_slice %arg6[%dma_wait3A_502, %dma_wait3A_507] : memref<8x8xi32, #tpu.memory_space<vmem>> -> memref<1x8xi32, #tpu.memory_space<vmem>>
    %dma_wait3A_509 = tpu.memref_squeeze %dma_wait3A_508 : memref<1x8xi32, #tpu.memory_space<vmem>> -> memref<8xi32, #tpu.memory_space<vmem>>
    %dma_wait3A_510 = arith.constant 0 : i32
    %dma_wait3A_511 = arith.constant 0 : i32
    %dma_wait3A_512 = tpu.memref_slice %arg4[%dma_wait3A_510, %dma_wait3A_511] : memref<2048x1024xf32, #tpu.memory_space<hbm>> -> memref<2048x1024xf32, #tpu.memory_space<hbm>>
    %dma_wait3A_513 = tpu.memref_slice %arg9[%dma_wait3A_503] : memref<9x!tpu.dma_semaphore, #tpu.memory_space<semaphore_mem>> -> memref<1x!tpu.dma_semaphore, #tpu.memory_space<semaphore_mem>>
    %dma_wait3A_514 = tpu.memref_squeeze %dma_wait3A_513 : memref<1x!tpu.dma_semaphore, #tpu.memory_space<semaphore_mem>> -> memref<!tpu.dma_semaphore, #tpu.memory_space<semaphore_mem>>
    tpu.wait_indirect_dma semaphore(%dma_wait3A_514 : memref<!tpu.dma_semaphore, #tpu.memory_space<semaphore_mem>>) src(%dma_wait3A_512 : memref<2048x1024xf32, #tpu.memory_space<hbm>>) dst(%dma_wait3A_506 : memref<8x1024xf32, #tpu.memory_space<vmem>>)
    %dma_wait3A_515 = arith.constant 4 : i32
    %dma_wait3A_516 = arith.constant 8 : i32
    %dma_wait3A_517 = arith.constant 0 : i32
    %dma_wait3A_518 = arith.constant 0 : i32
    %dma_wait3A_519 = tpu.memref_slice %arg8[%dma_wait3A_516, %dma_wait3A_517, %dma_wait3A_518] : memref<24x4x1024xf32, #tpu.memory_space<vmem>> -> memref<8x4x1024xf32, #tpu.memory_space<vmem>>
    %dma_wait3A_520 = arith.constant 0 : i32
    %dma_wait3A_521 = arith.constant 0 : i32
    %dma_wait3A_522 = tpu.memref_slice %arg2[%add3A_282, %dma_wait3A_520, %dma_wait3A_521] : memref<2048x4x1024xf32, #tpu.memory_space<hbm>> -> memref<8x4x1024xf32, #tpu.memory_space<hbm>>
    %dma_wait3A_523 = tpu.memref_slice %arg9[%dma_wait3A_515] : memref<9x!tpu.dma_semaphore, #tpu.memory_space<semaphore_mem>> -> memref<1x!tpu.dma_semaphore, #tpu.memory_space<semaphore_mem>>
    %dma_wait3A_524 = tpu.memref_squeeze %dma_wait3A_523 : memref<1x!tpu.dma_semaphore, #tpu.memory_space<semaphore_mem>> -> memref<!tpu.dma_semaphore, #tpu.memory_space<semaphore_mem>>
    %dma_wait3A_525 = arith.constant 8 : i32
    %dma_wait3A_526 = arith.constant 0 : i32
    %dma_wait3A_527 = arith.constant 0 : i32
    %dma_wait3A_528 = tpu.memref_slice %arg8[%dma_wait3A_525, %dma_wait3A_526, %dma_wait3A_527] : memref<24x4x1024xf32, #tpu.memory_space<vmem>> -> memref<8x4x1024xf32, #tpu.memory_space<vmem>>
    %dma_wait3A_529 = arith.constant 0 : i32
    %dma_wait3A_530 = arith.constant 0 : i32
    %dma_wait3A_531 = tpu.memref_slice %arg2[%add3A_282, %dma_wait3A_529, %dma_wait3A_530] : memref<2048x4x1024xf32, #tpu.memory_space<hbm>> -> memref<8x4x1024xf32, #tpu.memory_space<hbm>>
    tpu.wait_dma2 semaphore(%dma_wait3A_524 : memref<!tpu.dma_semaphore, #tpu.memory_space<semaphore_mem>>) src(%dma_wait3A_531 : memref<8x4x1024xf32, #tpu.memory_space<hbm>>) dst(%dma_wait3A_528 : memref<8x4x1024xf32, #tpu.memory_space<vmem>>)
    %parallel_loop3A_532 = arith.constant 0 : i32
    %parallel_loop3A_533 = arith.constant 512 : i32
    %parallel_loop3A_534 = arith.constant 1 : i32
    scf.for %parallel_loop3A_810 = %parallel_loop3A_532 to %parallel_loop3A_533 step %parallel_loop3A_534  : i32 {
      %parallel_loop3A_811 = arith.constant 64 : i32
      %parallel_loop3A_812 = arith.divsi %parallel_loop3A_810, %parallel_loop3A_811 : i32
      %parallel_loop3A_813 = arith.constant 0 : i32
      %parallel_loop3A_814 = arith.cmpi sgt, %parallel_loop3A_810, %parallel_loop3A_813 : i32
      %parallel_loop3A_815 = arith.extui %parallel_loop3A_814 : i1 to i32
      %parallel_loop3A_816 = arith.constant 0 : i32
      %parallel_loop3A_817 = arith.cmpi slt, %parallel_loop3A_810, %parallel_loop3A_816 : i32
      %parallel_loop3A_818 = arith.extui %parallel_loop3A_817 : i1 to i32
      %parallel_loop3A_819 = arith.subi %parallel_loop3A_815, %parallel_loop3A_818 : i32
      %parallel_loop3A_820 = arith.constant 0 : i32
      %parallel_loop3A_821 = arith.cmpi sgt, %parallel_loop3A_811, %parallel_loop3A_820 : i32
      %parallel_loop3A_822 = arith.extui %parallel_loop3A_821 : i1 to i32
      %parallel_loop3A_823 = arith.constant 0 : i32
      %parallel_loop3A_824 = arith.cmpi slt, %parallel_loop3A_811, %parallel_loop3A_823 : i32
      %parallel_loop3A_825 = arith.extui %parallel_loop3A_824 : i1 to i32
      %parallel_loop3A_826 = arith.subi %parallel_loop3A_822, %parallel_loop3A_825 : i32
      %parallel_loop3A_827 = arith.cmpi ne, %parallel_loop3A_819, %parallel_loop3A_826 : i32
      %parallel_loop3A_828 = arith.remsi %parallel_loop3A_810, %parallel_loop3A_811 : i32
      %parallel_loop3A_829 = arith.constant 0 : i32
      %parallel_loop3A_830 = arith.cmpi ne, %parallel_loop3A_828, %parallel_loop3A_829 : i32
      %parallel_loop3A_831 = arith.andi %parallel_loop3A_827, %parallel_loop3A_830 : i1
      %parallel_loop3A_832 = arith.constant 1 : i32
      %parallel_loop3A_833 = arith.subi %parallel_loop3A_812, %parallel_loop3A_832 : i32
      %parallel_loop3A_834 = arith.select %parallel_loop3A_831, %parallel_loop3A_833, %parallel_loop3A_812 : i32
      %parallel_loop3A_835 = arith.constant 64 : i32
      %parallel_loop3A_836 = arith.muli %parallel_loop3A_834, %parallel_loop3A_835 : i32
      %parallel_loop3A_837 = arith.subi %parallel_loop3A_810, %parallel_loop3A_836 : i32
      %parallel_loop3A_838 = arith.constant 16 : i32
      %parallel_loop3A_839 = arith.muli %parallel_loop3A_837, %parallel_loop3A_838 : i32
      %parallel_loop3A_840 = arith.constant 8 : i32
      %parallel_loop3A_841 = arith.addi %parallel_loop3A_840, %parallel_loop3A_834 : i32
      %parallel_loop3A_842 = arith.index_cast %parallel_loop3A_841 : i32 to index
      %parallel_loop3A_843 = arith.index_cast %parallel_loop3A_839 : i32 to index
      %parallel_loop3A_844 = tpu.vector_load %arg7[%parallel_loop3A_842, %parallel_loop3A_843] {strides = array<i32>} : memref<24x1024xf32, #tpu.memory_space<vmem>>, vector<1x16xf32>,
      %parallel_loop3A_845 = vector.shape_cast %parallel_loop3A_844 : vector<1x16xf32> to vector<16xf32>
      %parallel_loop3A_846 = arith.constant 8 : i32
      %parallel_loop3A_847 = arith.addi %parallel_loop3A_846, %parallel_loop3A_834 : i32
      %parallel_loop3A_848 = arith.constant 0 : i32
      %parallel_loop3A_849 = arith.index_cast %parallel_loop3A_847 : i32 to index
      %parallel_loop3A_850 = arith.index_cast %parallel_loop3A_848 : i32 to index
      %parallel_loop3A_851 = arith.index_cast %parallel_loop3A_839 : i32 to index
      %parallel_loop3A_852 = tpu.vector_load %arg8[%parallel_loop3A_849, %parallel_loop3A_850, %parallel_loop3A_851] {strides = array<i32>} : memref<24x4x1024xf32, #tpu.memory_space<vmem>>, vector<1x1x16xf32>,
      %parallel_loop3A_853 = vector.shape_cast %parallel_loop3A_852 : vector<1x1x16xf32> to vector<16xf32>
      %parallel_loop3A_854 = vector.shape_cast %parallel_loop3A_845 : vector<16xf32> to vector<1x1x16xf32>
      tpu.vector_store %arg8[%parallel_loop3A_849, %parallel_loop3A_850, %parallel_loop3A_851], %parallel_loop3A_854 {add = true, strides = array<i32>} : memref<24x4x1024xf32, #tpu.memory_space<vmem>>, vector<1x1x16xf32>,
      %parallel_loop3A_855 = arith.constant 8 : i32
      %parallel_loop3A_856 = arith.addi %parallel_loop3A_855, %parallel_loop3A_834 : i32
      %parallel_loop3A_857 = arith.constant 1 : i32
      %parallel_loop3A_858 = arith.index_cast %parallel_loop3A_856 : i32 to index
      %parallel_loop3A_859 = arith.index_cast %parallel_loop3A_857 : i32 to index
      %parallel_loop3A_860 = arith.index_cast %parallel_loop3A_839 : i32 to index
      %parallel_loop3A_861 = tpu.vector_load %arg8[%parallel_loop3A_858, %parallel_loop3A_859, %parallel_loop3A_860] {strides = array<i32>} : memref<24x4x1024xf32, #tpu.memory_space<vmem>>, vector<1x1x16xf32>,
      %parallel_loop3A_862 = vector.shape_cast %parallel_loop3A_861 : vector<1x1x16xf32> to vector<16xf32>
      %parallel_loop3A_863 = vector.shape_cast %parallel_loop3A_845 : vector<16xf32> to vector<1x1x16xf32>
      tpu.vector_store %arg8[%parallel_loop3A_858, %parallel_loop3A_859, %parallel_loop3A_860], %parallel_loop3A_863 {add = true, strides = array<i32>} : memref<24x4x1024xf32, #tpu.memory_space<vmem>>, vector<1x1x16xf32>,
      %parallel_loop3A_864 = arith.constant 8 : i32
      %parallel_loop3A_865 = arith.addi %parallel_loop3A_864, %parallel_loop3A_834 : i32
      %parallel_loop3A_866 = arith.constant 2 : i32
      %parallel_loop3A_867 = arith.index_cast %parallel_loop3A_865 : i32 to index
      %parallel_loop3A_868 = arith.index_cast %parallel_loop3A_866 : i32 to index
      %parallel_loop3A_869 = arith.index_cast %parallel_loop3A_839 : i32 to index
      %parallel_loop3A_870 = tpu.vector_load %arg8[%parallel_loop3A_867, %parallel_loop3A_868, %parallel_loop3A_869] {strides = array<i32>} : memref<24x4x1024xf32, #tpu.memory_space<vmem>>, vector<1x1x16xf32>,
      %parallel_loop3A_871 = vector.shape_cast %parallel_loop3A_870 : vector<1x1x16xf32> to vector<16xf32>
      %parallel_loop3A_872 = vector.shape_cast %parallel_loop3A_845 : vector<16xf32> to vector<1x1x16xf32>
      tpu.vector_store %arg8[%parallel_loop3A_867, %parallel_loop3A_868, %parallel_loop3A_869], %parallel_loop3A_872 {add = true, strides = array<i32>} : memref<24x4x1024xf32, #tpu.memory_space<vmem>>, vector<1x1x16xf32>,
      %parallel_loop3A_873 = arith.constant 8 : i32
      %parallel_loop3A_874 = arith.addi %parallel_loop3A_873, %parallel_loop3A_834 : i32
      %parallel_loop3A_875 = arith.constant 3 : i32
      %parallel_loop3A_876 = arith.index_cast %parallel_loop3A_874 : i32 to index
      %parallel_loop3A_877 = arith.index_cast %parallel_loop3A_875 : i32 to index
      %parallel_loop3A_878 = arith.index_cast %parallel_loop3A_839 : i32 to index
      %parallel_loop3A_879 = tpu.vector_load %arg8[%parallel_loop3A_876, %parallel_loop3A_877, %parallel_loop3A_878] {strides = array<i32>} : memref<24x4x1024xf32, #tpu.memory_space<vmem>>, vector<1x1x16xf32>,
      %parallel_loop3A_880 = vector.shape_cast %parallel_loop3A_879 : vector<1x1x16xf32> to vector<16xf32>
      %parallel_loop3A_881 = vector.shape_cast %parallel_loop3A_845 : vector<16xf32> to vector<1x1x16xf32>
      tpu.vector_store %arg8[%parallel_loop3A_876, %parallel_loop3A_877, %parallel_loop3A_878], %parallel_loop3A_881 {add = true, strides = array<i32>} : memref<24x4x1024xf32, #tpu.memory_space<vmem>>, vector<1x1x16xf32>,
    } {sc.loop_unroll_factor = 8 : i64, sc.parallel_access}
    %add3A_535 = arith.constant 32 : i32
    %add3A_536 = arith.addi %mul3A_2, %add3A_535 : i32
    %dma_start3A_537 = arith.constant 7 : i32
    %dma_start3A_538 = arith.constant 8 : i32
    %dma_start3A_539 = arith.constant 0 : i32
    %dma_start3A_540 = arith.constant 0 : i32
    %dma_start3A_541 = tpu.memref_slice %arg8[%dma_start3A_538, %dma_start3A_539, %dma_start3A_540] : memref<24x4x1024xf32, #tpu.memory_space<vmem>> -> memref<8x4x1024xf32, #tpu.memory_space<vmem>>
    %dma_start3A_542 = arith.constant 0 : i32
    %dma_start3A_543 = arith.constant 0 : i32
    %dma_start3A_544 = tpu.memref_slice %arg5[%add3A_536, %dma_start3A_542, %dma_start3A_543] : memref<2048x4x1024xf32, #tpu.memory_space<hbm>> -> memref<8x4x1024xf32, #tpu.memory_space<hbm>>
    %dma_start3A_545 = tpu.memref_slice %arg9[%dma_start3A_537] : memref<9x!tpu.dma_semaphore, #tpu.memory_space<semaphore_mem>> -> memref<1x!tpu.dma_semaphore, #tpu.memory_space<semaphore_mem>>
    %dma_start3A_546 = tpu.memref_squeeze %dma_start3A_545 : memref<1x!tpu.dma_semaphore, #tpu.memory_space<semaphore_mem>> -> memref<!tpu.dma_semaphore, #tpu.memory_space<semaphore_mem>>
    %dma_start3A_547 = arith.constant 0 : i32
    %dma_start3A_548 = arith.constant 0 : i32
    %dma_start3A_549 = tpu.memref_slice %arg5[%add3A_536, %dma_start3A_547, %dma_start3A_548] : memref<2048x4x1024xf32, #tpu.memory_space<hbm>> -> memref<8x4x1024xf32, #tpu.memory_space<hbm>>
    %dma_start3A_550 = arith.constant 8 : i32
    %dma_start3A_551 = arith.constant 0 : i32
    %dma_start3A_552 = arith.constant 0 : i32
    %dma_start3A_553 = tpu.memref_slice %arg8[%dma_start3A_550, %dma_start3A_551, %dma_start3A_552] : memref<24x4x1024xf32, #tpu.memory_space<vmem>> -> memref<8x4x1024xf32, #tpu.memory_space<vmem>>
    tpu.enqueue_dma source(%dma_start3A_553 : memref<8x4x1024xf32, #tpu.memory_space<vmem>>) target(%dma_start3A_549 : memref<8x4x1024xf32, #tpu.memory_space<hbm>>) target_semaphore(%dma_start3A_546 : memref<!tpu.dma_semaphore, #tpu.memory_space<semaphore_mem>>)
    %dma_start3A_554 = arith.constant 7 : i32
    %dma_start3A_555 = arith.constant 1 : i32
    %dma_start3A_556 = arith.constant 8 : i32
    %dma_start3A_557 = arith.constant 0 : i32
    %dma_start3A_558 = tpu.memref_slice %arg7[%dma_start3A_556, %dma_start3A_557] : memref<24x1024xf32, #tpu.memory_space<vmem>> -> memref<8x1024xf32, #tpu.memory_space<vmem>>
    %dma_start3A_559 = arith.constant 0 : i32
    %dma_start3A_560 = tpu.memref_slice %arg6[%dma_start3A_554, %dma_start3A_559] : memref<8x8xi32, #tpu.memory_space<vmem>> -> memref<1x8xi32, #tpu.memory_space<vmem>>
    %dma_start3A_561 = tpu.memref_squeeze %dma_start3A_560 : memref<1x8xi32, #tpu.memory_space<vmem>> -> memref<8xi32, #tpu.memory_space<vmem>>
    %dma_start3A_562 = arith.constant 0 : i32
    %dma_start3A_563 = arith.constant 0 : i32
    %dma_start3A_564 = tpu.memref_slice %arg4[%dma_start3A_562, %dma_start3A_563] : memref<2048x1024xf32, #tpu.memory_space<hbm>> -> memref<2048x1024xf32, #tpu.memory_space<hbm>>
    %dma_start3A_565 = tpu.memref_slice %arg9[%dma_start3A_555] : memref<9x!tpu.dma_semaphore, #tpu.memory_space<semaphore_mem>> -> memref<1x!tpu.dma_semaphore, #tpu.memory_space<semaphore_mem>>
    %dma_start3A_566 = tpu.memref_squeeze %dma_start3A_565 : memref<1x!tpu.dma_semaphore, #tpu.memory_space<semaphore_mem>> -> memref<!tpu.dma_semaphore, #tpu.memory_space<semaphore_mem>>
    tpu.enqueue_indirect_dma source(%dma_start3A_564 : memref<2048x1024xf32, #tpu.memory_space<hbm>>) target(%dma_start3A_558 : memref<8x1024xf32, #tpu.memory_space<vmem>>) offsets(%dma_start3A_561 : memref<8xi32, #tpu.memory_space<vmem>>) semaphore(%dma_start3A_566 : memref<!tpu.dma_semaphore, #tpu.memory_space<semaphore_mem>>)
    %dma_wait3A_567 = arith.constant 7 : i32
    %dma_wait3A_568 = arith.constant 8 : i32
    %dma_wait3A_569 = arith.constant 0 : i32
    %dma_wait3A_570 = arith.constant 0 : i32
    %dma_wait3A_571 = tpu.memref_slice %arg8[%dma_wait3A_568, %dma_wait3A_569, %dma_wait3A_570] : memref<24x4x1024xf32, #tpu.memory_space<vmem>> -> memref<8x4x1024xf32, #tpu.memory_space<vmem>>
    %dma_wait3A_572 = arith.constant 0 : i32
    %dma_wait3A_573 = arith.constant 0 : i32
    %dma_wait3A_574 = tpu.memref_slice %arg5[%add3A_536, %dma_wait3A_572, %dma_wait3A_573] : memref<2048x4x1024xf32, #tpu.memory_space<hbm>> -> memref<8x4x1024xf32, #tpu.memory_space<hbm>>
    %dma_wait3A_575 = tpu.memref_slice %arg9[%dma_wait3A_567] : memref<9x!tpu.dma_semaphore, #tpu.memory_space<semaphore_mem>> -> memref<1x!tpu.dma_semaphore, #tpu.memory_space<semaphore_mem>>
    %dma_wait3A_576 = tpu.memref_squeeze %dma_wait3A_575 : memref<1x!tpu.dma_semaphore, #tpu.memory_space<semaphore_mem>> -> memref<!tpu.dma_semaphore, #tpu.memory_space<semaphore_mem>>
    %dma_wait3A_577 = arith.constant 0 : i32
    %dma_wait3A_578 = arith.constant 0 : i32
    %dma_wait3A_579 = tpu.memref_slice %arg5[%add3A_536, %dma_wait3A_577, %dma_wait3A_578] : memref<2048x4x1024xf32, #tpu.memory_space<hbm>> -> memref<8x4x1024xf32, #tpu.memory_space<hbm>>
    %dma_wait3A_580 = arith.constant 8 : i32
    %dma_wait3A_581 = arith.constant 0 : i32
    %dma_wait3A_582 = arith.constant 0 : i32
    %dma_wait3A_583 = tpu.memref_slice %arg8[%dma_wait3A_580, %dma_wait3A_581, %dma_wait3A_582] : memref<24x4x1024xf32, #tpu.memory_space<vmem>> -> memref<8x4x1024xf32, #tpu.memory_space<vmem>>
    tpu.wait_dma2 semaphore(%dma_wait3A_576 : memref<!tpu.dma_semaphore, #tpu.memory_space<semaphore_mem>>) src(%dma_wait3A_583 : memref<8x4x1024xf32, #tpu.memory_space<vmem>>) dst(%dma_wait3A_579 : memref<8x4x1024xf32, #tpu.memory_space<hbm>>)
    %add3A_584 = arith.constant 56 : i32
    %add3A_585 = arith.addi %mul3A_2, %add3A_584 : i32
    %dma_start3A_586 = arith.constant 4 : i32
    %dma_start3A_587 = arith.constant 8 : i32
    %dma_start3A_588 = arith.constant 0 : i32
    %dma_start3A_589 = arith.constant 0 : i32
    %dma_start3A_590 = tpu.memref_slice %arg8[%dma_start3A_587, %dma_start3A_588, %dma_start3A_589] : memref<24x4x1024xf32, #tpu.memory_space<vmem>> -> memref<8x4x1024xf32, #tpu.memory_space<vmem>>
    %dma_start3A_591 = arith.constant 0 : i32
    %dma_start3A_592 = arith.constant 0 : i32
    %dma_start3A_593 = tpu.memref_slice %arg2[%add3A_585, %dma_start3A_591, %dma_start3A_592] : memref<2048x4x1024xf32, #tpu.memory_space<hbm>> -> memref<8x4x1024xf32, #tpu.memory_space<hbm>>
    %dma_start3A_594 = tpu.memref_slice %arg9[%dma_start3A_586] : memref<9x!tpu.dma_semaphore, #tpu.memory_space<semaphore_mem>> -> memref<1x!tpu.dma_semaphore, #tpu.memory_space<semaphore_mem>>
    %dma_start3A_595 = tpu.memref_squeeze %dma_start3A_594 : memref<1x!tpu.dma_semaphore, #tpu.memory_space<semaphore_mem>> -> memref<!tpu.dma_semaphore, #tpu.memory_space<semaphore_mem>>
    %dma_start3A_596 = arith.constant 8 : i32
    %dma_start3A_597 = arith.constant 0 : i32
    %dma_start3A_598 = arith.constant 0 : i32
    %dma_start3A_599 = tpu.memref_slice %arg8[%dma_start3A_596, %dma_start3A_597, %dma_start3A_598] : memref<24x4x1024xf32, #tpu.memory_space<vmem>> -> memref<8x4x1024xf32, #tpu.memory_space<vmem>>
    %dma_start3A_600 = arith.constant 0 : i32
    %dma_start3A_601 = arith.constant 0 : i32
    %dma_start3A_602 = tpu.memref_slice %arg2[%add3A_585, %dma_start3A_600, %dma_start3A_601] : memref<2048x4x1024xf32, #tpu.memory_space<hbm>> -> memref<8x4x1024xf32, #tpu.memory_space<hbm>>
    tpu.enqueue_dma source(%dma_start3A_602 : memref<8x4x1024xf32, #tpu.memory_space<hbm>>) target(%dma_start3A_599 : memref<8x4x1024xf32, #tpu.memory_space<vmem>>) target_semaphore(%dma_start3A_595 : memref<!tpu.dma_semaphore, #tpu.memory_space<semaphore_mem>>)
    %dma_wait3A_603 = arith.constant 5 : i32
    %dma_wait3A_604 = arith.constant 2 : i32
    %dma_wait3A_605 = arith.constant 16 : i32
    %dma_wait3A_606 = arith.constant 0 : i32
    %dma_wait3A_607 = tpu.memref_slice %arg7[%dma_wait3A_605, %dma_wait3A_606] : memref<24x1024xf32, #tpu.memory_space<vmem>> -> memref<8x1024xf32, #tpu.memory_space<vmem>>
    %dma_wait3A_608 = arith.constant 0 : i32
    %dma_wait3A_609 = tpu.memref_slice %arg6[%dma_wait3A_603, %dma_wait3A_608] : memref<8x8xi32, #tpu.memory_space<vmem>> -> memref<1x8xi32, #tpu.memory_space<vmem>>
    %dma_wait3A_610 = tpu.memref_squeeze %dma_wait3A_609 : memref<1x8xi32, #tpu.memory_space<vmem>> -> memref<8xi32, #tpu.memory_space<vmem>>
    %dma_wait3A_611 = arith.constant 0 : i32
    %dma_wait3A_612 = arith.constant 0 : i32
    %dma_wait3A_613 = tpu.memref_slice %arg4[%dma_wait3A_611, %dma_wait3A_612] : memref<2048x1024xf32, #tpu.memory_space<hbm>> -> memref<2048x1024xf32, #tpu.memory_space<hbm>>
    %dma_wait3A_614 = tpu.memref_slice %arg9[%dma_wait3A_604] : memref<9x!tpu.dma_semaphore, #tpu.memory_space<semaphore_mem>> -> memref<1x!tpu.dma_semaphore, #tpu.memory_space<semaphore_mem>>
    %dma_wait3A_615 = tpu.memref_squeeze %dma_wait3A_614 : memref<1x!tpu.dma_semaphore, #tpu.memory_space<semaphore_mem>> -> memref<!tpu.dma_semaphore, #tpu.memory_space<semaphore_mem>>
    tpu.wait_indirect_dma semaphore(%dma_wait3A_615 : memref<!tpu.dma_semaphore, #tpu.memory_space<semaphore_mem>>) src(%dma_wait3A_613 : memref<2048x1024xf32, #tpu.memory_space<hbm>>) dst(%dma_wait3A_607 : memref<8x1024xf32, #tpu.memory_space<vmem>>)
    %dma_wait3A_616 = arith.constant 5 : i32
    %dma_wait3A_617 = arith.constant 16 : i32
    %dma_wait3A_618 = arith.constant 0 : i32
    %dma_wait3A_619 = arith.constant 0 : i32
    %dma_wait3A_620 = tpu.memref_slice %arg8[%dma_wait3A_617, %dma_wait3A_618, %dma_wait3A_619] : memref<24x4x1024xf32, #tpu.memory_space<vmem>> -> memref<8x4x1024xf32, #tpu.memory_space<vmem>>
    %dma_wait3A_621 = arith.constant 0 : i32
    %dma_wait3A_622 = arith.constant 0 : i32
    %dma_wait3A_623 = tpu.memref_slice %arg2[%add3A_383, %dma_wait3A_621, %dma_wait3A_622] : memref<2048x4x1024xf32, #tpu.memory_space<hbm>> -> memref<8x4x1024xf32, #tpu.memory_space<hbm>>
    %dma_wait3A_624 = tpu.memref_slice %arg9[%dma_wait3A_616] : memref<9x!tpu.dma_semaphore, #tpu.memory_space<semaphore_mem>> -> memref<1x!tpu.dma_semaphore, #tpu.memory_space<semaphore_mem>>
    %dma_wait3A_625 = tpu.memref_squeeze %dma_wait3A_624 : memref<1x!tpu.dma_semaphore, #tpu.memory_space<semaphore_mem>> -> memref<!tpu.dma_semaphore, #tpu.memory_space<semaphore_mem>>
    %dma_wait3A_626 = arith.constant 16 : i32
    %dma_wait3A_627 = arith.constant 0 : i32
    %dma_wait3A_628 = arith.constant 0 : i32
    %dma_wait3A_629 = tpu.memref_slice %arg8[%dma_wait3A_626, %dma_wait3A_627, %dma_wait3A_628] : memref<24x4x1024xf32, #tpu.memory_space<vmem>> -> memref<8x4x1024xf32, #tpu.memory_space<vmem>>
    %dma_wait3A_630 = arith.constant 0 : i32
    %dma_wait3A_631 = arith.constant 0 : i32
    %dma_wait3A_632 = tpu.memref_slice %arg2[%add3A_383, %dma_wait3A_630, %dma_wait3A_631] : memref<2048x4x1024xf32, #tpu.memory_space<hbm>> -> memref<8x4x1024xf32, #tpu.memory_space<hbm>>
    tpu.wait_dma2 semaphore(%dma_wait3A_625 : memref<!tpu.dma_semaphore, #tpu.memory_space<semaphore_mem>>) src(%dma_wait3A_632 : memref<8x4x1024xf32, #tpu.memory_space<hbm>>) dst(%dma_wait3A_629 : memref<8x4x1024xf32, #tpu.memory_space<vmem>>)
    %parallel_loop3A_633 = arith.constant 0 : i32
    %parallel_loop3A_634 = arith.constant 512 : i32
    %parallel_loop3A_635 = arith.constant 1 : i32
    scf.for %parallel_loop3A_810 = %parallel_loop3A_633 to %parallel_loop3A_634 step %parallel_loop3A_635  : i32 {
      %parallel_loop3A_811 = arith.constant 64 : i32
      %parallel_loop3A_812 = arith.divsi %parallel_loop3A_810, %parallel_loop3A_811 : i32
      %parallel_loop3A_813 = arith.constant 0 : i32
      %parallel_loop3A_814 = arith.cmpi sgt, %parallel_loop3A_810, %parallel_loop3A_813 : i32
      %parallel_loop3A_815 = arith.extui %parallel_loop3A_814 : i1 to i32
      %parallel_loop3A_816 = arith.constant 0 : i32
      %parallel_loop3A_817 = arith.cmpi slt, %parallel_loop3A_810, %parallel_loop3A_816 : i32
      %parallel_loop3A_818 = arith.extui %parallel_loop3A_817 : i1 to i32
      %parallel_loop3A_819 = arith.subi %parallel_loop3A_815, %parallel_loop3A_818 : i32
      %parallel_loop3A_820 = arith.constant 0 : i32
      %parallel_loop3A_821 = arith.cmpi sgt, %parallel_loop3A_811, %parallel_loop3A_820 : i32
      %parallel_loop3A_822 = arith.extui %parallel_loop3A_821 : i1 to i32
      %parallel_loop3A_823 = arith.constant 0 : i32
      %parallel_loop3A_824 = arith.cmpi slt, %parallel_loop3A_811, %parallel_loop3A_823 : i32
      %parallel_loop3A_825 = arith.extui %parallel_loop3A_824 : i1 to i32
      %parallel_loop3A_826 = arith.subi %parallel_loop3A_822, %parallel_loop3A_825 : i32
      %parallel_loop3A_827 = arith.cmpi ne, %parallel_loop3A_819, %parallel_loop3A_826 : i32
      %parallel_loop3A_828 = arith.remsi %parallel_loop3A_810, %parallel_loop3A_811 : i32
      %parallel_loop3A_829 = arith.constant 0 : i32
      %parallel_loop3A_830 = arith.cmpi ne, %parallel_loop3A_828, %parallel_loop3A_829 : i32
      %parallel_loop3A_831 = arith.andi %parallel_loop3A_827, %parallel_loop3A_830 : i1
      %parallel_loop3A_832 = arith.constant 1 : i32
      %parallel_loop3A_833 = arith.subi %parallel_loop3A_812, %parallel_loop3A_832 : i32
      %parallel_loop3A_834 = arith.select %parallel_loop3A_831, %parallel_loop3A_833, %parallel_loop3A_812 : i32
      %parallel_loop3A_835 = arith.constant 64 : i32
      %parallel_loop3A_836 = arith.muli %parallel_loop3A_834, %parallel_loop3A_835 : i32
      %parallel_loop3A_837 = arith.subi %parallel_loop3A_810, %parallel_loop3A_836 : i32
      %parallel_loop3A_838 = arith.constant 16 : i32
      %parallel_loop3A_839 = arith.muli %parallel_loop3A_837, %parallel_loop3A_838 : i32
      %parallel_loop3A_840 = arith.constant 16 : i32
      %parallel_loop3A_841 = arith.addi %parallel_loop3A_840, %parallel_loop3A_834 : i32
      %parallel_loop3A_842 = arith.index_cast %parallel_loop3A_841 : i32 to index
      %parallel_loop3A_843 = arith.index_cast %parallel_loop3A_839 : i32 to index
      %parallel_loop3A_844 = tpu.vector_load %arg7[%parallel_loop3A_842, %parallel_loop3A_843] {strides = array<i32>} : memref<24x1024xf32, #tpu.memory_space<vmem>>, vector<1x16xf32>,
      %parallel_loop3A_845 = vector.shape_cast %parallel_loop3A_844 : vector<1x16xf32> to vector<16xf32>
      %parallel_loop3A_846 = arith.constant 16 : i32
      %parallel_loop3A_847 = arith.addi %parallel_loop3A_846, %parallel_loop3A_834 : i32
      %parallel_loop3A_848 = arith.constant 0 : i32
      %parallel_loop3A_849 = arith.index_cast %parallel_loop3A_847 : i32 to index
      %parallel_loop3A_850 = arith.index_cast %parallel_loop3A_848 : i32 to index
      %parallel_loop3A_851 = arith.index_cast %parallel_loop3A_839 : i32 to index
      %parallel_loop3A_852 = tpu.vector_load %arg8[%parallel_loop3A_849, %parallel_loop3A_850, %parallel_loop3A_851] {strides = array<i32>} : memref<24x4x1024xf32, #tpu.memory_space<vmem>>, vector<1x1x16xf32>,
      %parallel_loop3A_853 = vector.shape_cast %parallel_loop3A_852 : vector<1x1x16xf32> to vector<16xf32>
      %parallel_loop3A_854 = vector.shape_cast %parallel_loop3A_845 : vector<16xf32> to vector<1x1x16xf32>
      tpu.vector_store %arg8[%parallel_loop3A_849, %parallel_loop3A_850, %parallel_loop3A_851], %parallel_loop3A_854 {add = true, strides = array<i32>} : memref<24x4x1024xf32, #tpu.memory_space<vmem>>, vector<1x1x16xf32>,
      %parallel_loop3A_855 = arith.constant 16 : i32
      %parallel_loop3A_856 = arith.addi %parallel_loop3A_855, %parallel_loop3A_834 : i32
      %parallel_loop3A_857 = arith.constant 1 : i32
      %parallel_loop3A_858 = arith.index_cast %parallel_loop3A_856 : i32 to index
      %parallel_loop3A_859 = arith.index_cast %parallel_loop3A_857 : i32 to index
      %parallel_loop3A_860 = arith.index_cast %parallel_loop3A_839 : i32 to index
      %parallel_loop3A_861 = tpu.vector_load %arg8[%parallel_loop3A_858, %parallel_loop3A_859, %parallel_loop3A_860] {strides = array<i32>} : memref<24x4x1024xf32, #tpu.memory_space<vmem>>, vector<1x1x16xf32>,
      %parallel_loop3A_862 = vector.shape_cast %parallel_loop3A_861 : vector<1x1x16xf32> to vector<16xf32>
      %parallel_loop3A_863 = vector.shape_cast %parallel_loop3A_845 : vector<16xf32> to vector<1x1x16xf32>
      tpu.vector_store %arg8[%parallel_loop3A_858, %parallel_loop3A_859, %parallel_loop3A_860], %parallel_loop3A_863 {add = true, strides = array<i32>} : memref<24x4x1024xf32, #tpu.memory_space<vmem>>, vector<1x1x16xf32>,
      %parallel_loop3A_864 = arith.constant 16 : i32
      %parallel_loop3A_865 = arith.addi %parallel_loop3A_864, %parallel_loop3A_834 : i32
      %parallel_loop3A_866 = arith.constant 2 : i32
      %parallel_loop3A_867 = arith.index_cast %parallel_loop3A_865 : i32 to index
      %parallel_loop3A_868 = arith.index_cast %parallel_loop3A_866 : i32 to index
      %parallel_loop3A_869 = arith.index_cast %parallel_loop3A_839 : i32 to index
      %parallel_loop3A_870 = tpu.vector_load %arg8[%parallel_loop3A_867, %parallel_loop3A_868, %parallel_loop3A_869] {strides = array<i32>} : memref<24x4x1024xf32, #tpu.memory_space<vmem>>, vector<1x1x16xf32>,
      %parallel_loop3A_871 = vector.shape_cast %parallel_loop3A_870 : vector<1x1x16xf32> to vector<16xf32>
      %parallel_loop3A_872 = vector.shape_cast %parallel_loop3A_845 : vector<16xf32> to vector<1x1x16xf32>
      tpu.vector_store %arg8[%parallel_loop3A_867, %parallel_loop3A_868, %parallel_loop3A_869], %parallel_loop3A_872 {add = true, strides = array<i32>} : memref<24x4x1024xf32, #tpu.memory_space<vmem>>, vector<1x1x16xf32>,
      %parallel_loop3A_873 = arith.constant 16 : i32
      %parallel_loop3A_874 = arith.addi %parallel_loop3A_873, %parallel_loop3A_834 : i32
      %parallel_loop3A_875 = arith.constant 3 : i32
      %parallel_loop3A_876 = arith.index_cast %parallel_loop3A_874 : i32 to index
      %parallel_loop3A_877 = arith.index_cast %parallel_loop3A_875 : i32 to index
      %parallel_loop3A_878 = arith.index_cast %parallel_loop3A_839 : i32 to index
      %parallel_loop3A_879 = tpu.vector_load %arg8[%parallel_loop3A_876, %parallel_loop3A_877, %parallel_loop3A_878] {strides = array<i32>} : memref<24x4x1024xf32, #tpu.memory_space<vmem>>, vector<1x1x16xf32>,
      %parallel_loop3A_880 = vector.shape_cast %parallel_loop3A_879 : vector<1x1x16xf32> to vector<16xf32>
      %parallel_loop3A_881 = vector.shape_cast %parallel_loop3A_845 : vector<16xf32> to vector<1x1x16xf32>
      tpu.vector_store %arg8[%parallel_loop3A_876, %parallel_loop3A_877, %parallel_loop3A_878], %parallel_loop3A_881 {add = true, strides = array<i32>} : memref<24x4x1024xf32, #tpu.memory_space<vmem>>, vector<1x1x16xf32>,
    } {sc.loop_unroll_factor = 8 : i64, sc.parallel_access}
    %add3A_636 = arith.constant 40 : i32
    %add3A_637 = arith.addi %mul3A_2, %add3A_636 : i32
    %dma_start3A_638 = arith.constant 8 : i32
    %dma_start3A_639 = arith.constant 16 : i32
    %dma_start3A_640 = arith.constant 0 : i32
    %dma_start3A_641 = arith.constant 0 : i32
    %dma_start3A_642 = tpu.memref_slice %arg8[%dma_start3A_639, %dma_start3A_640, %dma_start3A_641] : memref<24x4x1024xf32, #tpu.memory_space<vmem>> -> memref<8x4x1024xf32, #tpu.memory_space<vmem>>
    %dma_start3A_643 = arith.constant 0 : i32
    %dma_start3A_644 = arith.constant 0 : i32
    %dma_start3A_645 = tpu.memref_slice %arg5[%add3A_637, %dma_start3A_643, %dma_start3A_644] : memref<2048x4x1024xf32, #tpu.memory_space<hbm>> -> memref<8x4x1024xf32, #tpu.memory_space<hbm>>
    %dma_start3A_646 = tpu.memref_slice %arg9[%dma_start3A_638] : memref<9x!tpu.dma_semaphore, #tpu.memory_space<semaphore_mem>> -> memref<1x!tpu.dma_semaphore, #tpu.memory_space<semaphore_mem>>
    %dma_start3A_647 = tpu.memref_squeeze %dma_start3A_646 : memref<1x!tpu.dma_semaphore, #tpu.memory_space<semaphore_mem>> -> memref<!tpu.dma_semaphore, #tpu.memory_space<semaphore_mem>>
    %dma_start3A_648 = arith.constant 0 : i32
    %dma_start3A_649 = arith.constant 0 : i32
    %dma_start3A_650 = tpu.memref_slice %arg5[%add3A_637, %dma_start3A_648, %dma_start3A_649] : memref<2048x4x1024xf32, #tpu.memory_space<hbm>> -> memref<8x4x1024xf32, #tpu.memory_space<hbm>>
    %dma_start3A_651 = arith.constant 16 : i32
    %dma_start3A_652 = arith.constant 0 : i32
    %dma_start3A_653 = arith.constant 0 : i32
    %dma_start3A_654 = tpu.memref_slice %arg8[%dma_start3A_651, %dma_start3A_652, %dma_start3A_653] : memref<24x4x1024xf32, #tpu.memory_space<vmem>> -> memref<8x4x1024xf32, #tpu.memory_space<vmem>>
    tpu.enqueue_dma source(%dma_start3A_654 : memref<8x4x1024xf32, #tpu.memory_space<vmem>>) target(%dma_start3A_650 : memref<8x4x1024xf32, #tpu.memory_space<hbm>>) target_semaphore(%dma_start3A_647 : memref<!tpu.dma_semaphore, #tpu.memory_space<semaphore_mem>>)
    %dma_wait3A_655 = arith.constant 6 : i32
    %dma_wait3A_656 = arith.constant 0 : i32
    %dma_wait3A_657 = arith.constant 0 : i32
    %dma_wait3A_658 = arith.constant 0 : i32
    %dma_wait3A_659 = tpu.memref_slice %arg7[%dma_wait3A_657, %dma_wait3A_658] : memref<24x1024xf32, #tpu.memory_space<vmem>> -> memref<8x1024xf32, #tpu.memory_space<vmem>>
    %dma_wait3A_660 = arith.constant 0 : i32
    %dma_wait3A_661 = tpu.memref_slice %arg6[%dma_wait3A_655, %dma_wait3A_660] : memref<8x8xi32, #tpu.memory_space<vmem>> -> memref<1x8xi32, #tpu.memory_space<vmem>>
    %dma_wait3A_662 = tpu.memref_squeeze %dma_wait3A_661 : memref<1x8xi32, #tpu.memory_space<vmem>> -> memref<8xi32, #tpu.memory_space<vmem>>
    %dma_wait3A_663 = arith.constant 0 : i32
    %dma_wait3A_664 = arith.constant 0 : i32
    %dma_wait3A_665 = tpu.memref_slice %arg4[%dma_wait3A_663, %dma_wait3A_664] : memref<2048x1024xf32, #tpu.memory_space<hbm>> -> memref<2048x1024xf32, #tpu.memory_space<hbm>>
    %dma_wait3A_666 = tpu.memref_slice %arg9[%dma_wait3A_656] : memref<9x!tpu.dma_semaphore, #tpu.memory_space<semaphore_mem>> -> memref<1x!tpu.dma_semaphore, #tpu.memory_space<semaphore_mem>>
    %dma_wait3A_667 = tpu.memref_squeeze %dma_wait3A_666 : memref<1x!tpu.dma_semaphore, #tpu.memory_space<semaphore_mem>> -> memref<!tpu.dma_semaphore, #tpu.memory_space<semaphore_mem>>
    tpu.wait_indirect_dma semaphore(%dma_wait3A_667 : memref<!tpu.dma_semaphore, #tpu.memory_space<semaphore_mem>>) src(%dma_wait3A_665 : memref<2048x1024xf32, #tpu.memory_space<hbm>>) dst(%dma_wait3A_659 : memref<8x1024xf32, #tpu.memory_space<vmem>>)
    %dma_wait3A_668 = arith.constant 3 : i32
    %dma_wait3A_669 = arith.constant 0 : i32
    %dma_wait3A_670 = arith.constant 0 : i32
    %dma_wait3A_671 = arith.constant 0 : i32
    %dma_wait3A_672 = tpu.memref_slice %arg8[%dma_wait3A_669, %dma_wait3A_670, %dma_wait3A_671] : memref<24x4x1024xf32, #tpu.memory_space<vmem>> -> memref<8x4x1024xf32, #tpu.memory_space<vmem>>
    %dma_wait3A_673 = arith.constant 0 : i32
    %dma_wait3A_674 = arith.constant 0 : i32
    %dma_wait3A_675 = tpu.memref_slice %arg2[%add3A_484, %dma_wait3A_673, %dma_wait3A_674] : memref<2048x4x1024xf32, #tpu.memory_space<hbm>> -> memref<8x4x1024xf32, #tpu.memory_space<hbm>>
    %dma_wait3A_676 = tpu.memref_slice %arg9[%dma_wait3A_668] : memref<9x!tpu.dma_semaphore, #tpu.memory_space<semaphore_mem>> -> memref<1x!tpu.dma_semaphore, #tpu.memory_space<semaphore_mem>>
    %dma_wait3A_677 = tpu.memref_squeeze %dma_wait3A_676 : memref<1x!tpu.dma_semaphore, #tpu.memory_space<semaphore_mem>> -> memref<!tpu.dma_semaphore, #tpu.memory_space<semaphore_mem>>
    %dma_wait3A_678 = arith.constant 0 : i32
    %dma_wait3A_679 = arith.constant 0 : i32
    %dma_wait3A_680 = arith.constant 0 : i32
    %dma_wait3A_681 = tpu.memref_slice %arg8[%dma_wait3A_678, %dma_wait3A_679, %dma_wait3A_680] : memref<24x4x1024xf32, #tpu.memory_space<vmem>> -> memref<8x4x1024xf32, #tpu.memory_space<vmem>>
    %dma_wait3A_682 = arith.constant 0 : i32
    %dma_wait3A_683 = arith.constant 0 : i32
    %dma_wait3A_684 = tpu.memref_slice %arg2[%add3A_484, %dma_wait3A_682, %dma_wait3A_683] : memref<2048x4x1024xf32, #tpu.memory_space<hbm>> -> memref<8x4x1024xf32, #tpu.memory_space<hbm>>
    tpu.wait_dma2 semaphore(%dma_wait3A_677 : memref<!tpu.dma_semaphore, #tpu.memory_space<semaphore_mem>>) src(%dma_wait3A_684 : memref<8x4x1024xf32, #tpu.memory_space<hbm>>) dst(%dma_wait3A_681 : memref<8x4x1024xf32, #tpu.memory_space<vmem>>)
    %parallel_loop3A_685 = arith.constant 0 : i32
    %parallel_loop3A_686 = arith.constant 512 : i32
    %parallel_loop3A_687 = arith.constant 1 : i32
    scf.for %parallel_loop3A_810 = %parallel_loop3A_685 to %parallel_loop3A_686 step %parallel_loop3A_687  : i32 {
      %parallel_loop3A_811 = arith.constant 64 : i32
      %parallel_loop3A_812 = arith.divsi %parallel_loop3A_810, %parallel_loop3A_811 : i32
      %parallel_loop3A_813 = arith.constant 0 : i32
      %parallel_loop3A_814 = arith.cmpi sgt, %parallel_loop3A_810, %parallel_loop3A_813 : i32
      %parallel_loop3A_815 = arith.extui %parallel_loop3A_814 : i1 to i32
      %parallel_loop3A_816 = arith.constant 0 : i32
      %parallel_loop3A_817 = arith.cmpi slt, %parallel_loop3A_810, %parallel_loop3A_816 : i32
      %parallel_loop3A_818 = arith.extui %parallel_loop3A_817 : i1 to i32
      %parallel_loop3A_819 = arith.subi %parallel_loop3A_815, %parallel_loop3A_818 : i32
      %parallel_loop3A_820 = arith.constant 0 : i32
      %parallel_loop3A_821 = arith.cmpi sgt, %parallel_loop3A_811, %parallel_loop3A_820 : i32
      %parallel_loop3A_822 = arith.extui %parallel_loop3A_821 : i1 to i32
      %parallel_loop3A_823 = arith.constant 0 : i32
      %parallel_loop3A_824 = arith.cmpi slt, %parallel_loop3A_811, %parallel_loop3A_823 : i32
      %parallel_loop3A_825 = arith.extui %parallel_loop3A_824 : i1 to i32
      %parallel_loop3A_826 = arith.subi %parallel_loop3A_822, %parallel_loop3A_825 : i32
      %parallel_loop3A_827 = arith.cmpi ne, %parallel_loop3A_819, %parallel_loop3A_826 : i32
      %parallel_loop3A_828 = arith.remsi %parallel_loop3A_810, %parallel_loop3A_811 : i32
      %parallel_loop3A_829 = arith.constant 0 : i32
      %parallel_loop3A_830 = arith.cmpi ne, %parallel_loop3A_828, %parallel_loop3A_829 : i32
      %parallel_loop3A_831 = arith.andi %parallel_loop3A_827, %parallel_loop3A_830 : i1
      %parallel_loop3A_832 = arith.constant 1 : i32
      %parallel_loop3A_833 = arith.subi %parallel_loop3A_812, %parallel_loop3A_832 : i32
      %parallel_loop3A_834 = arith.select %parallel_loop3A_831, %parallel_loop3A_833, %parallel_loop3A_812 : i32
      %parallel_loop3A_835 = arith.constant 64 : i32
      %parallel_loop3A_836 = arith.muli %parallel_loop3A_834, %parallel_loop3A_835 : i32
      %parallel_loop3A_837 = arith.subi %parallel_loop3A_810, %parallel_loop3A_836 : i32
      %parallel_loop3A_838 = arith.constant 16 : i32
      %parallel_loop3A_839 = arith.muli %parallel_loop3A_837, %parallel_loop3A_838 : i32
      %parallel_loop3A_840 = arith.constant 0 : i32
      %parallel_loop3A_841 = arith.addi %parallel_loop3A_840, %parallel_loop3A_834 : i32
      %parallel_loop3A_842 = arith.index_cast %parallel_loop3A_841 : i32 to index
      %parallel_loop3A_843 = arith.index_cast %parallel_loop3A_839 : i32 to index
      %parallel_loop3A_844 = tpu.vector_load %arg7[%parallel_loop3A_842, %parallel_loop3A_843] {strides = array<i32>} : memref<24x1024xf32, #tpu.memory_space<vmem>>, vector<1x16xf32>,
      %parallel_loop3A_845 = vector.shape_cast %parallel_loop3A_844 : vector<1x16xf32> to vector<16xf32>
      %parallel_loop3A_846 = arith.constant 0 : i32
      %parallel_loop3A_847 = arith.addi %parallel_loop3A_846, %parallel_loop3A_834 : i32
      %parallel_loop3A_848 = arith.constant 0 : i32
      %parallel_loop3A_849 = arith.index_cast %parallel_loop3A_847 : i32 to index
      %parallel_loop3A_850 = arith.index_cast %parallel_loop3A_848 : i32 to index
      %parallel_loop3A_851 = arith.index_cast %parallel_loop3A_839 : i32 to index
      %parallel_loop3A_852 = tpu.vector_load %arg8[%parallel_loop3A_849, %parallel_loop3A_850, %parallel_loop3A_851] {strides = array<i32>} : memref<24x4x1024xf32, #tpu.memory_space<vmem>>, vector<1x1x16xf32>,
      %parallel_loop3A_853 = vector.shape_cast %parallel_loop3A_852 : vector<1x1x16xf32> to vector<16xf32>
      %parallel_loop3A_854 = vector.shape_cast %parallel_loop3A_845 : vector<16xf32> to vector<1x1x16xf32>
      tpu.vector_store %arg8[%parallel_loop3A_849, %parallel_loop3A_850, %parallel_loop3A_851], %parallel_loop3A_854 {add = true, strides = array<i32>} : memref<24x4x1024xf32, #tpu.memory_space<vmem>>, vector<1x1x16xf32>,
      %parallel_loop3A_855 = arith.constant 0 : i32
      %parallel_loop3A_856 = arith.addi %parallel_loop3A_855, %parallel_loop3A_834 : i32
      %parallel_loop3A_857 = arith.constant 1 : i32
      %parallel_loop3A_858 = arith.index_cast %parallel_loop3A_856 : i32 to index
      %parallel_loop3A_859 = arith.index_cast %parallel_loop3A_857 : i32 to index
      %parallel_loop3A_860 = arith.index_cast %parallel_loop3A_839 : i32 to index
      %parallel_loop3A_861 = tpu.vector_load %arg8[%parallel_loop3A_858, %parallel_loop3A_859, %parallel_loop3A_860] {strides = array<i32>} : memref<24x4x1024xf32, #tpu.memory_space<vmem>>, vector<1x1x16xf32>,
      %parallel_loop3A_862 = vector.shape_cast %parallel_loop3A_861 : vector<1x1x16xf32> to vector<16xf32>
      %parallel_loop3A_863 = vector.shape_cast %parallel_loop3A_845 : vector<16xf32> to vector<1x1x16xf32>
      tpu.vector_store %arg8[%parallel_loop3A_858, %parallel_loop3A_859, %parallel_loop3A_860], %parallel_loop3A_863 {add = true, strides = array<i32>} : memref<24x4x1024xf32, #tpu.memory_space<vmem>>, vector<1x1x16xf32>,
      %parallel_loop3A_864 = arith.constant 0 : i32
      %parallel_loop3A_865 = arith.addi %parallel_loop3A_864, %parallel_loop3A_834 : i32
      %parallel_loop3A_866 = arith.constant 2 : i32
      %parallel_loop3A_867 = arith.index_cast %parallel_loop3A_865 : i32 to index
      %parallel_loop3A_868 = arith.index_cast %parallel_loop3A_866 : i32 to index
      %parallel_loop3A_869 = arith.index_cast %parallel_loop3A_839 : i32 to index
      %parallel_loop3A_870 = tpu.vector_load %arg8[%parallel_loop3A_867, %parallel_loop3A_868, %parallel_loop3A_869] {strides = array<i32>} : memref<24x4x1024xf32, #tpu.memory_space<vmem>>, vector<1x1x16xf32>,
      %parallel_loop3A_871 = vector.shape_cast %parallel_loop3A_870 : vector<1x1x16xf32> to vector<16xf32>
      %parallel_loop3A_872 = vector.shape_cast %parallel_loop3A_845 : vector<16xf32> to vector<1x1x16xf32>
      tpu.vector_store %arg8[%parallel_loop3A_867, %parallel_loop3A_868, %parallel_loop3A_869], %parallel_loop3A_872 {add = true, strides = array<i32>} : memref<24x4x1024xf32, #tpu.memory_space<vmem>>, vector<1x1x16xf32>,
      %parallel_loop3A_873 = arith.constant 0 : i32
      %parallel_loop3A_874 = arith.addi %parallel_loop3A_873, %parallel_loop3A_834 : i32
      %parallel_loop3A_875 = arith.constant 3 : i32
      %parallel_loop3A_876 = arith.index_cast %parallel_loop3A_874 : i32 to index
      %parallel_loop3A_877 = arith.index_cast %parallel_loop3A_875 : i32 to index
      %parallel_loop3A_878 = arith.index_cast %parallel_loop3A_839 : i32 to index
      %parallel_loop3A_879 = tpu.vector_load %arg8[%parallel_loop3A_876, %parallel_loop3A_877, %parallel_loop3A_878] {strides = array<i32>} : memref<24x4x1024xf32, #tpu.memory_space<vmem>>, vector<1x1x16xf32>,
      %parallel_loop3A_880 = vector.shape_cast %parallel_loop3A_879 : vector<1x1x16xf32> to vector<16xf32>
      %parallel_loop3A_881 = vector.shape_cast %parallel_loop3A_845 : vector<16xf32> to vector<1x1x16xf32>
      tpu.vector_store %arg8[%parallel_loop3A_876, %parallel_loop3A_877, %parallel_loop3A_878], %parallel_loop3A_881 {add = true, strides = array<i32>} : memref<24x4x1024xf32, #tpu.memory_space<vmem>>, vector<1x1x16xf32>,
    } {sc.loop_unroll_factor = 8 : i64, sc.parallel_access}
    %add3A_688 = arith.constant 48 : i32
    %add3A_689 = arith.addi %mul3A_2, %add3A_688 : i32
    %dma_start3A_690 = arith.constant 6 : i32
    %dma_start3A_691 = arith.constant 0 : i32
    %dma_start3A_692 = arith.constant 0 : i32
    %dma_start3A_693 = arith.constant 0 : i32
    %dma_start3A_694 = tpu.memref_slice %arg8[%dma_start3A_691, %dma_start3A_692, %dma_start3A_693] : memref<24x4x1024xf32, #tpu.memory_space<vmem>> -> memref<8x4x1024xf32, #tpu.memory_space<vmem>>
    %dma_start3A_695 = arith.constant 0 : i32
    %dma_start3A_696 = arith.constant 0 : i32
    %dma_start3A_697 = tpu.memref_slice %arg5[%add3A_689, %dma_start3A_695, %dma_start3A_696] : memref<2048x4x1024xf32, #tpu.memory_space<hbm>> -> memref<8x4x1024xf32, #tpu.memory_space<hbm>>
    %dma_start3A_698 = tpu.memref_slice %arg9[%dma_start3A_690] : memref<9x!tpu.dma_semaphore, #tpu.memory_space<semaphore_mem>> -> memref<1x!tpu.dma_semaphore, #tpu.memory_space<semaphore_mem>>
    %dma_start3A_699 = tpu.memref_squeeze %dma_start3A_698 : memref<1x!tpu.dma_semaphore, #tpu.memory_space<semaphore_mem>> -> memref<!tpu.dma_semaphore, #tpu.memory_space<semaphore_mem>>
    %dma_start3A_700 = arith.constant 0 : i32
    %dma_start3A_701 = arith.constant 0 : i32
    %dma_start3A_702 = tpu.memref_slice %arg5[%add3A_689, %dma_start3A_700, %dma_start3A_701] : memref<2048x4x1024xf32, #tpu.memory_space<hbm>> -> memref<8x4x1024xf32, #tpu.memory_space<hbm>>
    %dma_start3A_703 = arith.constant 0 : i32
    %dma_start3A_704 = arith.constant 0 : i32
    %dma_start3A_705 = arith.constant 0 : i32
    %dma_start3A_706 = tpu.memref_slice %arg8[%dma_start3A_703, %dma_start3A_704, %dma_start3A_705] : memref<24x4x1024xf32, #tpu.memory_space<vmem>> -> memref<8x4x1024xf32, #tpu.memory_space<vmem>>
    tpu.enqueue_dma source(%dma_start3A_706 : memref<8x4x1024xf32, #tpu.memory_space<vmem>>) target(%dma_start3A_702 : memref<8x4x1024xf32, #tpu.memory_space<hbm>>) target_semaphore(%dma_start3A_699 : memref<!tpu.dma_semaphore, #tpu.memory_space<semaphore_mem>>)
    %dma_wait3A_707 = arith.constant 7 : i32
    %dma_wait3A_708 = arith.constant 1 : i32
    %dma_wait3A_709 = arith.constant 8 : i32
    %dma_wait3A_710 = arith.constant 0 : i32
    %dma_wait3A_711 = tpu.memref_slice %arg7[%dma_wait3A_709, %dma_wait3A_710] : memref<24x1024xf32, #tpu.memory_space<vmem>> -> memref<8x1024xf32, #tpu.memory_space<vmem>>
    %dma_wait3A_712 = arith.constant 0 : i32
    %dma_wait3A_713 = tpu.memref_slice %arg6[%dma_wait3A_707, %dma_wait3A_712] : memref<8x8xi32, #tpu.memory_space<vmem>> -> memref<1x8xi32, #tpu.memory_space<vmem>>
    %dma_wait3A_714 = tpu.memref_squeeze %dma_wait3A_713 : memref<1x8xi32, #tpu.memory_space<vmem>> -> memref<8xi32, #tpu.memory_space<vmem>>
    %dma_wait3A_715 = arith.constant 0 : i32
    %dma_wait3A_716 = arith.constant 0 : i32
    %dma_wait3A_717 = tpu.memref_slice %arg4[%dma_wait3A_715, %dma_wait3A_716] : memref<2048x1024xf32, #tpu.memory_space<hbm>> -> memref<2048x1024xf32, #tpu.memory_space<hbm>>
    %dma_wait3A_718 = tpu.memref_slice %arg9[%dma_wait3A_708] : memref<9x!tpu.dma_semaphore, #tpu.memory_space<semaphore_mem>> -> memref<1x!tpu.dma_semaphore, #tpu.memory_space<semaphore_mem>>
    %dma_wait3A_719 = tpu.memref_squeeze %dma_wait3A_718 : memref<1x!tpu.dma_semaphore, #tpu.memory_space<semaphore_mem>> -> memref<!tpu.dma_semaphore, #tpu.memory_space<semaphore_mem>>
    tpu.wait_indirect_dma semaphore(%dma_wait3A_719 : memref<!tpu.dma_semaphore, #tpu.memory_space<semaphore_mem>>) src(%dma_wait3A_717 : memref<2048x1024xf32, #tpu.memory_space<hbm>>) dst(%dma_wait3A_711 : memref<8x1024xf32, #tpu.memory_space<vmem>>)
    %dma_wait3A_720 = arith.constant 4 : i32
    %dma_wait3A_721 = arith.constant 8 : i32
    %dma_wait3A_722 = arith.constant 0 : i32
    %dma_wait3A_723 = arith.constant 0 : i32
    %dma_wait3A_724 = tpu.memref_slice %arg8[%dma_wait3A_721, %dma_wait3A_722, %dma_wait3A_723] : memref<24x4x1024xf32, #tpu.memory_space<vmem>> -> memref<8x4x1024xf32, #tpu.memory_space<vmem>>
    %dma_wait3A_725 = arith.constant 0 : i32
    %dma_wait3A_726 = arith.constant 0 : i32
    %dma_wait3A_727 = tpu.memref_slice %arg2[%add3A_585, %dma_wait3A_725, %dma_wait3A_726] : memref<2048x4x1024xf32, #tpu.memory_space<hbm>> -> memref<8x4x1024xf32, #tpu.memory_space<hbm>>
    %dma_wait3A_728 = tpu.memref_slice %arg9[%dma_wait3A_720] : memref<9x!tpu.dma_semaphore, #tpu.memory_space<semaphore_mem>> -> memref<1x!tpu.dma_semaphore, #tpu.memory_space<semaphore_mem>>
    %dma_wait3A_729 = tpu.memref_squeeze %dma_wait3A_728 : memref<1x!tpu.dma_semaphore, #tpu.memory_space<semaphore_mem>> -> memref<!tpu.dma_semaphore, #tpu.memory_space<semaphore_mem>>
    %dma_wait3A_730 = arith.constant 8 : i32
    %dma_wait3A_731 = arith.constant 0 : i32
    %dma_wait3A_732 = arith.constant 0 : i32
    %dma_wait3A_733 = tpu.memref_slice %arg8[%dma_wait3A_730, %dma_wait3A_731, %dma_wait3A_732] : memref<24x4x1024xf32, #tpu.memory_space<vmem>> -> memref<8x4x1024xf32, #tpu.memory_space<vmem>>
    %dma_wait3A_734 = arith.constant 0 : i32
    %dma_wait3A_735 = arith.constant 0 : i32
    %dma_wait3A_736 = tpu.memref_slice %arg2[%add3A_585, %dma_wait3A_734, %dma_wait3A_735] : memref<2048x4x1024xf32, #tpu.memory_space<hbm>> -> memref<8x4x1024xf32, #tpu.memory_space<hbm>>
    tpu.wait_dma2 semaphore(%dma_wait3A_729 : memref<!tpu.dma_semaphore, #tpu.memory_space<semaphore_mem>>) src(%dma_wait3A_736 : memref<8x4x1024xf32, #tpu.memory_space<hbm>>) dst(%dma_wait3A_733 : memref<8x4x1024xf32, #tpu.memory_space<vmem>>)
    %parallel_loop3A_737 = arith.constant 0 : i32
    %parallel_loop3A_738 = arith.constant 512 : i32
    %parallel_loop3A_739 = arith.constant 1 : i32
    scf.for %parallel_loop3A_810 = %parallel_loop3A_737 to %parallel_loop3A_738 step %parallel_loop3A_739  : i32 {
      %parallel_loop3A_811 = arith.constant 64 : i32
      %parallel_loop3A_812 = arith.divsi %parallel_loop3A_810, %parallel_loop3A_811 : i32
      %parallel_loop3A_813 = arith.constant 0 : i32
      %parallel_loop3A_814 = arith.cmpi sgt, %parallel_loop3A_810, %parallel_loop3A_813 : i32
      %parallel_loop3A_815 = arith.extui %parallel_loop3A_814 : i1 to i32
      %parallel_loop3A_816 = arith.constant 0 : i32
      %parallel_loop3A_817 = arith.cmpi slt, %parallel_loop3A_810, %parallel_loop3A_816 : i32
      %parallel_loop3A_818 = arith.extui %parallel_loop3A_817 : i1 to i32
      %parallel_loop3A_819 = arith.subi %parallel_loop3A_815, %parallel_loop3A_818 : i32
      %parallel_loop3A_820 = arith.constant 0 : i32
      %parallel_loop3A_821 = arith.cmpi sgt, %parallel_loop3A_811, %parallel_loop3A_820 : i32
      %parallel_loop3A_822 = arith.extui %parallel_loop3A_821 : i1 to i32
      %parallel_loop3A_823 = arith.constant 0 : i32
      %parallel_loop3A_824 = arith.cmpi slt, %parallel_loop3A_811, %parallel_loop3A_823 : i32
      %parallel_loop3A_825 = arith.extui %parallel_loop3A_824 : i1 to i32
      %parallel_loop3A_826 = arith.subi %parallel_loop3A_822, %parallel_loop3A_825 : i32
      %parallel_loop3A_827 = arith.cmpi ne, %parallel_loop3A_819, %parallel_loop3A_826 : i32
      %parallel_loop3A_828 = arith.remsi %parallel_loop3A_810, %parallel_loop3A_811 : i32
      %parallel_loop3A_829 = arith.constant 0 : i32
      %parallel_loop3A_830 = arith.cmpi ne, %parallel_loop3A_828, %parallel_loop3A_829 : i32
      %parallel_loop3A_831 = arith.andi %parallel_loop3A_827, %parallel_loop3A_830 : i1
      %parallel_loop3A_832 = arith.constant 1 : i32
      %parallel_loop3A_833 = arith.subi %parallel_loop3A_812, %parallel_loop3A_832 : i32
      %parallel_loop3A_834 = arith.select %parallel_loop3A_831, %parallel_loop3A_833, %parallel_loop3A_812 : i32
      %parallel_loop3A_835 = arith.constant 64 : i32
      %parallel_loop3A_836 = arith.muli %parallel_loop3A_834, %parallel_loop3A_835 : i32
      %parallel_loop3A_837 = arith.subi %parallel_loop3A_810, %parallel_loop3A_836 : i32
      %parallel_loop3A_838 = arith.constant 16 : i32
      %parallel_loop3A_839 = arith.muli %parallel_loop3A_837, %parallel_loop3A_838 : i32
      %parallel_loop3A_840 = arith.constant 8 : i32
      %parallel_loop3A_841 = arith.addi %parallel_loop3A_840, %parallel_loop3A_834 : i32
      %parallel_loop3A_842 = arith.index_cast %parallel_loop3A_841 : i32 to index
      %parallel_loop3A_843 = arith.index_cast %parallel_loop3A_839 : i32 to index
      %parallel_loop3A_844 = tpu.vector_load %arg7[%parallel_loop3A_842, %parallel_loop3A_843] {strides = array<i32>} : memref<24x1024xf32, #tpu.memory_space<vmem>>, vector<1x16xf32>,
      %parallel_loop3A_845 = vector.shape_cast %parallel_loop3A_844 : vector<1x16xf32> to vector<16xf32>
      %parallel_loop3A_846 = arith.constant 8 : i32
      %parallel_loop3A_847 = arith.addi %parallel_loop3A_846, %parallel_loop3A_834 : i32
      %parallel_loop3A_848 = arith.constant 0 : i32
      %parallel_loop3A_849 = arith.index_cast %parallel_loop3A_847 : i32 to index
      %parallel_loop3A_850 = arith.index_cast %parallel_loop3A_848 : i32 to index
      %parallel_loop3A_851 = arith.index_cast %parallel_loop3A_839 : i32 to index
      %parallel_loop3A_852 = tpu.vector_load %arg8[%parallel_loop3A_849, %parallel_loop3A_850, %parallel_loop3A_851] {strides = array<i32>} : memref<24x4x1024xf32, #tpu.memory_space<vmem>>, vector<1x1x16xf32>,
      %parallel_loop3A_853 = vector.shape_cast %parallel_loop3A_852 : vector<1x1x16xf32> to vector<16xf32>
      %parallel_loop3A_854 = vector.shape_cast %parallel_loop3A_845 : vector<16xf32> to vector<1x1x16xf32>
      tpu.vector_store %arg8[%parallel_loop3A_849, %parallel_loop3A_850, %parallel_loop3A_851], %parallel_loop3A_854 {add = true, strides = array<i32>} : memref<24x4x1024xf32, #tpu.memory_space<vmem>>, vector<1x1x16xf32>,
      %parallel_loop3A_855 = arith.constant 8 : i32
      %parallel_loop3A_856 = arith.addi %parallel_loop3A_855, %parallel_loop3A_834 : i32
      %parallel_loop3A_857 = arith.constant 1 : i32
      %parallel_loop3A_858 = arith.index_cast %parallel_loop3A_856 : i32 to index
      %parallel_loop3A_859 = arith.index_cast %parallel_loop3A_857 : i32 to index
      %parallel_loop3A_860 = arith.index_cast %parallel_loop3A_839 : i32 to index
      %parallel_loop3A_861 = tpu.vector_load %arg8[%parallel_loop3A_858, %parallel_loop3A_859, %parallel_loop3A_860] {strides = array<i32>} : memref<24x4x1024xf32, #tpu.memory_space<vmem>>, vector<1x1x16xf32>,
      %parallel_loop3A_862 = vector.shape_cast %parallel_loop3A_861 : vector<1x1x16xf32> to vector<16xf32>
      %parallel_loop3A_863 = vector.shape_cast %parallel_loop3A_845 : vector<16xf32> to vector<1x1x16xf32>
      tpu.vector_store %arg8[%parallel_loop3A_858, %parallel_loop3A_859, %parallel_loop3A_860], %parallel_loop3A_863 {add = true, strides = array<i32>} : memref<24x4x1024xf32, #tpu.memory_space<vmem>>, vector<1x1x16xf32>,
      %parallel_loop3A_864 = arith.constant 8 : i32
      %parallel_loop3A_865 = arith.addi %parallel_loop3A_864, %parallel_loop3A_834 : i32
      %parallel_loop3A_866 = arith.constant 2 : i32
      %parallel_loop3A_867 = arith.index_cast %parallel_loop3A_865 : i32 to index
      %parallel_loop3A_868 = arith.index_cast %parallel_loop3A_866 : i32 to index
      %parallel_loop3A_869 = arith.index_cast %parallel_loop3A_839 : i32 to index
      %parallel_loop3A_870 = tpu.vector_load %arg8[%parallel_loop3A_867, %parallel_loop3A_868, %parallel_loop3A_869] {strides = array<i32>} : memref<24x4x1024xf32, #tpu.memory_space<vmem>>, vector<1x1x16xf32>,
      %parallel_loop3A_871 = vector.shape_cast %parallel_loop3A_870 : vector<1x1x16xf32> to vector<16xf32>
      %parallel_loop3A_872 = vector.shape_cast %parallel_loop3A_845 : vector<16xf32> to vector<1x1x16xf32>
      tpu.vector_store %arg8[%parallel_loop3A_867, %parallel_loop3A_868, %parallel_loop3A_869], %parallel_loop3A_872 {add = true, strides = array<i32>} : memref<24x4x1024xf32, #tpu.memory_space<vmem>>, vector<1x1x16xf32>,
      %parallel_loop3A_873 = arith.constant 8 : i32
      %parallel_loop3A_874 = arith.addi %parallel_loop3A_873, %parallel_loop3A_834 : i32
      %parallel_loop3A_875 = arith.constant 3 : i32
      %parallel_loop3A_876 = arith.index_cast %parallel_loop3A_874 : i32 to index
      %parallel_loop3A_877 = arith.index_cast %parallel_loop3A_875 : i32 to index
      %parallel_loop3A_878 = arith.index_cast %parallel_loop3A_839 : i32 to index
      %parallel_loop3A_879 = tpu.vector_load %arg8[%parallel_loop3A_876, %parallel_loop3A_877, %parallel_loop3A_878] {strides = array<i32>} : memref<24x4x1024xf32, #tpu.memory_space<vmem>>, vector<1x1x16xf32>,
      %parallel_loop3A_880 = vector.shape_cast %parallel_loop3A_879 : vector<1x1x16xf32> to vector<16xf32>
      %parallel_loop3A_881 = vector.shape_cast %parallel_loop3A_845 : vector<16xf32> to vector<1x1x16xf32>
      tpu.vector_store %arg8[%parallel_loop3A_876, %parallel_loop3A_877, %parallel_loop3A_878], %parallel_loop3A_881 {add = true, strides = array<i32>} : memref<24x4x1024xf32, #tpu.memory_space<vmem>>, vector<1x1x16xf32>,
    } {sc.loop_unroll_factor = 8 : i64, sc.parallel_access}
    %add3A_740 = arith.constant 56 : i32
    %add3A_741 = arith.addi %mul3A_2, %add3A_740 : i32
    %dma_start3A_742 = arith.constant 7 : i32
    %dma_start3A_743 = arith.constant 8 : i32
    %dma_start3A_744 = arith.constant 0 : i32
    %dma_start3A_745 = arith.constant 0 : i32
    %dma_start3A_746 = tpu.memref_slice %arg8[%dma_start3A_743, %dma_start3A_744, %dma_start3A_745] : memref<24x4x1024xf32, #tpu.memory_space<vmem>> -> memref<8x4x1024xf32, #tpu.memory_space<vmem>>
    %dma_start3A_747 = arith.constant 0 : i32
    %dma_start3A_748 = arith.constant 0 : i32
    %dma_start3A_749 = tpu.memref_slice %arg5[%add3A_741, %dma_start3A_747, %dma_start3A_748] : memref<2048x4x1024xf32, #tpu.memory_space<hbm>> -> memref<8x4x1024xf32, #tpu.memory_space<hbm>>
    %dma_start3A_750 = tpu.memref_slice %arg9[%dma_start3A_742] : memref<9x!tpu.dma_semaphore, #tpu.memory_space<semaphore_mem>> -> memref<1x!tpu.dma_semaphore, #tpu.memory_space<semaphore_mem>>
    %dma_start3A_751 = tpu.memref_squeeze %dma_start3A_750 : memref<1x!tpu.dma_semaphore, #tpu.memory_space<semaphore_mem>> -> memref<!tpu.dma_semaphore, #tpu.memory_space<semaphore_mem>>
    %dma_start3A_752 = arith.constant 0 : i32
    %dma_start3A_753 = arith.constant 0 : i32
    %dma_start3A_754 = tpu.memref_slice %arg5[%add3A_741, %dma_start3A_752, %dma_start3A_753] : memref<2048x4x1024xf32, #tpu.memory_space<hbm>> -> memref<8x4x1024xf32, #tpu.memory_space<hbm>>
    %dma_start3A_755 = arith.constant 8 : i32
    %dma_start3A_756 = arith.constant 0 : i32
    %dma_start3A_757 = arith.constant 0 : i32
    %dma_start3A_758 = tpu.memref_slice %arg8[%dma_start3A_755, %dma_start3A_756, %dma_start3A_757] : memref<24x4x1024xf32, #tpu.memory_space<vmem>> -> memref<8x4x1024xf32, #tpu.memory_space<vmem>>
    tpu.enqueue_dma source(%dma_start3A_758 : memref<8x4x1024xf32, #tpu.memory_space<vmem>>) target(%dma_start3A_754 : memref<8x4x1024xf32, #tpu.memory_space<hbm>>) target_semaphore(%dma_start3A_751 : memref<!tpu.dma_semaphore, #tpu.memory_space<semaphore_mem>>)
    %dma_wait3A_759 = arith.constant 8 : i32
    %dma_wait3A_760 = arith.constant 16 : i32
    %dma_wait3A_761 = arith.constant 0 : i32
    %dma_wait3A_762 = arith.constant 0 : i32
    %dma_wait3A_763 = tpu.memref_slice %arg8[%dma_wait3A_760, %dma_wait3A_761, %dma_wait3A_762] : memref<24x4x1024xf32, #tpu.memory_space<vmem>> -> memref<8x4x1024xf32, #tpu.memory_space<vmem>>
    %dma_wait3A_764 = arith.constant 0 : i32
    %dma_wait3A_765 = arith.constant 0 : i32
    %dma_wait3A_766 = tpu.memref_slice %arg5[%add3A_637, %dma_wait3A_764, %dma_wait3A_765] : memref<2048x4x1024xf32, #tpu.memory_space<hbm>> -> memref<8x4x1024xf32, #tpu.memory_space<hbm>>
    %dma_wait3A_767 = tpu.memref_slice %arg9[%dma_wait3A_759] : memref<9x!tpu.dma_semaphore, #tpu.memory_space<semaphore_mem>> -> memref<1x!tpu.dma_semaphore, #tpu.memory_space<semaphore_mem>>
    %dma_wait3A_768 = tpu.memref_squeeze %dma_wait3A_767 : memref<1x!tpu.dma_semaphore, #tpu.memory_space<semaphore_mem>> -> memref<!tpu.dma_semaphore, #tpu.memory_space<semaphore_mem>>
    %dma_wait3A_769 = arith.constant 0 : i32
    %dma_wait3A_770 = arith.constant 0 : i32
    %dma_wait3A_771 = tpu.memref_slice %arg5[%add3A_637, %dma_wait3A_769, %dma_wait3A_770] : memref<2048x4x1024xf32, #tpu.memory_space<hbm>> -> memref<8x4x1024xf32, #tpu.memory_space<hbm>>
    %dma_wait3A_772 = arith.constant 16 : i32
    %dma_wait3A_773 = arith.constant 0 : i32
    %dma_wait3A_774 = arith.constant 0 : i32
    %dma_wait3A_775 = tpu.memref_slice %arg8[%dma_wait3A_772, %dma_wait3A_773, %dma_wait3A_774] : memref<24x4x1024xf32, #tpu.memory_space<vmem>> -> memref<8x4x1024xf32, #tpu.memory_space<vmem>>
    tpu.wait_dma2 semaphore(%dma_wait3A_768 : memref<!tpu.dma_semaphore, #tpu.memory_space<semaphore_mem>>) src(%dma_wait3A_775 : memref<8x4x1024xf32, #tpu.memory_space<vmem>>) dst(%dma_wait3A_771 : memref<8x4x1024xf32, #tpu.memory_space<hbm>>)
    %dma_wait3A_776 = arith.constant 6 : i32
    %dma_wait3A_777 = arith.constant 0 : i32
    %dma_wait3A_778 = arith.constant 0 : i32
    %dma_wait3A_779 = arith.constant 0 : i32
    %dma_wait3A_780 = tpu.memref_slice %arg8[%dma_wait3A_777, %dma_wait3A_778, %dma_wait3A_779] : memref<24x4x1024xf32, #tpu.memory_space<vmem>> -> memref<8x4x1024xf32, #tpu.memory_space<vmem>>
    %dma_wait3A_781 = arith.constant 0 : i32
    %dma_wait3A_782 = arith.constant 0 : i32
    %dma_wait3A_783 = tpu.memref_slice %arg5[%add3A_689, %dma_wait3A_781, %dma_wait3A_782] : memref<2048x4x1024xf32, #tpu.memory_space<hbm>> -> memref<8x4x1024xf32, #tpu.memory_space<hbm>>
    %dma_wait3A_784 = tpu.memref_slice %arg9[%dma_wait3A_776] : memref<9x!tpu.dma_semaphore, #tpu.memory_space<semaphore_mem>> -> memref<1x!tpu.dma_semaphore, #tpu.memory_space<semaphore_mem>>
    %dma_wait3A_785 = tpu.memref_squeeze %dma_wait3A_784 : memref<1x!tpu.dma_semaphore, #tpu.memory_space<semaphore_mem>> -> memref<!tpu.dma_semaphore, #tpu.memory_space<semaphore_mem>>
    %dma_wait3A_786 = arith.constant 0 : i32
    %dma_wait3A_787 = arith.constant 0 : i32
    %dma_wait3A_788 = tpu.memref_slice %arg5[%add3A_689, %dma_wait3A_786, %dma_wait3A_787] : memref<2048x4x1024xf32, #tpu.memory_space<hbm>> -> memref<8x4x1024xf32, #tpu.memory_space<hbm>>
    %dma_wait3A_789 = arith.constant 0 : i32
    %dma_wait3A_790 = arith.constant 0 : i32
    %dma_wait3A_791 = arith.constant 0 : i32
    %dma_wait3A_792 = tpu.memref_slice %arg8[%dma_wait3A_789, %dma_wait3A_790, %dma_wait3A_791] : memref<24x4x1024xf32, #tpu.memory_space<vmem>> -> memref<8x4x1024xf32, #tpu.memory_space<vmem>>
    tpu.wait_dma2 semaphore(%dma_wait3A_785 : memref<!tpu.dma_semaphore, #tpu.memory_space<semaphore_mem>>) src(%dma_wait3A_792 : memref<8x4x1024xf32, #tpu.memory_space<vmem>>) dst(%dma_wait3A_788 : memref<8x4x1024xf32, #tpu.memory_space<hbm>>)
    %dma_wait3A_793 = arith.constant 7 : i32
    %dma_wait3A_794 = arith.constant 8 : i32
    %dma_wait3A_795 = arith.constant 0 : i32
    %dma_wait3A_796 = arith.constant 0 : i32
    %dma_wait3A_797 = tpu.memref_slice %arg8[%dma_wait3A_794, %dma_wait3A_795, %dma_wait3A_796] : memref<24x4x1024xf32, #tpu.memory_space<vmem>> -> memref<8x4x1024xf32, #tpu.memory_space<vmem>>
    %dma_wait3A_798 = arith.constant 0 : i32
    %dma_wait3A_799 = arith.constant 0 : i32
    %dma_wait3A_800 = tpu.memref_slice %arg5[%add3A_741, %dma_wait3A_798, %dma_wait3A_799] : memref<2048x4x1024xf32, #tpu.memory_space<hbm>> -> memref<8x4x1024xf32, #tpu.memory_space<hbm>>
    %dma_wait3A_801 = tpu.memref_slice %arg9[%dma_wait3A_793] : memref<9x!tpu.dma_semaphore, #tpu.memory_space<semaphore_mem>> -> memref<1x!tpu.dma_semaphore, #tpu.memory_space<semaphore_mem>>
    %dma_wait3A_802 = tpu.memref_squeeze %dma_wait3A_801 : memref<1x!tpu.dma_semaphore, #tpu.memory_space<semaphore_mem>> -> memref<!tpu.dma_semaphore, #tpu.memory_space<semaphore_mem>>
    %dma_wait3A_803 = arith.constant 0 : i32
    %dma_wait3A_804 = arith.constant 0 : i32
    %dma_wait3A_805 = tpu.memref_slice %arg5[%add3A_741, %dma_wait3A_803, %dma_wait3A_804] : memref<2048x4x1024xf32, #tpu.memory_space<hbm>> -> memref<8x4x1024xf32, #tpu.memory_space<hbm>>
    %dma_wait3A_806 = arith.constant 8 : i32
    %dma_wait3A_807 = arith.constant 0 : i32
    %dma_wait3A_808 = arith.constant 0 : i32
    %dma_wait3A_809 = tpu.memref_slice %arg8[%dma_wait3A_806, %dma_wait3A_807, %dma_wait3A_808] : memref<24x4x1024xf32, #tpu.memory_space<vmem>> -> memref<8x4x1024xf32, #tpu.memory_space<vmem>>
    tpu.wait_dma2 semaphore(%dma_wait3A_802 : memref<!tpu.dma_semaphore, #tpu.memory_space<semaphore_mem>>) src(%dma_wait3A_809 : memref<8x4x1024xf32, #tpu.memory_space<vmem>>) dst(%dma_wait3A_805 : memref<8x4x1024xf32, #tpu.memory_space<hbm>>)
    return
  }
}

</mosaic_0001>

<sc_bundles>
// kernel: kernel.3.cloned.1.call-start
scs
__scs_entry_jumppad:
0x0: {  	(pc) =	sbr.rel $0x88, $3  }
0x1: {  	(tag) =	ssettag $0x0;
	lr =	simm.s32 $0x1  }
0x2: {  	[smem:$0x3F9E] =	sst lr;
	_ =	strace $0xD0000000  }
0x3: {  	_ = 	snop  }
0x4: {  	_ = 	snop  }
0x5: {  	_ = 	snop  }
0x6: {  	_ = 	snop  }
0x7: {  	_ = 	snop  }
__scs_overlays_trampoline_lowered:
0x8: {  	[smem:$0x3FAD] =	sst s0  }
0x9: {  	[smem:$0x3FAE] =	sst s1  }
0xa: {  	[smem:$0x3FAF] =	sst s2  }
0xb: {  	[smem:$0x3FB0] =	sst s3  }
0xc: {  	[smem:$0x3FB1] =	sst s4  }
0xd: {  	[smem:$0x3FB2] =	sst s5  }
0xe: {  	[smem:$0x3FB3] =	sst s6  }
0xf: {  	[smem:$0x3FB4] =	sst s7  }
0x10: {  	[smem:$0x3FB5] =	sst s8  }
0x11: {  	[smem:$0x3FB6] =	sst s9;
	s0 =	simm.s32 @!p0 $0x0  }
0x12: {  	s1 =	sld [smem:$0x3F9C];
	s0 =	simm.s32 @p0 $0x1  }
0x13: {  	[smem:$0x3FB7] =	sst s0;
	s0 =	simm.s32 @!p1 $0x0  }
0x14: {  	s2 =	sld [smem:$0x3F9B];
	s0 =	simm.s32 @p1 $0x1  }
0x15: {  	[smem:$0x3FB8] =	sst s0;
	s0 =	simm.s32 @!p2 $0x0  }
0x16: {  	s3 =	sld [smem:$0x3FDB];
	s0 =	simm.s32 @p2 $0x1  }
0x17: {  	s4 =	simm.s32 $0x1BF5;
	[smem:$0x3FBA] =	sst s0  }
0x18: {  	s0 =	sld [smem:$0x3F9D];
	_ =	swait.ge [sflag:s4], $0x0  }
0x19: {  	s7 =	sld [smem:$0x3F9E]  }
0x1a: {  	s8 =	sadd.s32 $0xFFFFE003, lr  }
0x1b: {  	s9 =	sadd.s32 $0xFFFFFEF7, lr;
	s5 =	simm.s32 $0xFFFFFFFF;
	p2 =	slt.u32 s8, $0xFFFFF086  }
0x1c: {  	p1 =	slt.u32 s9, $0xF7A;
	s5 =	simm.s32 @!p2 $0x0  }
0x1d: {  	s5 =	simm.s32 @p1 $0x1;
	p0 =	seq.s32 s7, s2  }
0x1e: {  	s7 =	smul.u32 @!p0 $0xF7A, s2;
	p2 =	seq.s32 @!p0 s5, $0x0  }
0x1f: {  	s9 =	smul.u32 $0xF7A, s1;
	s8 =	simm.s32 @!p0 $0x1BF5;
	p2 =	por !p2, p0  }
0x20: {  	[sflag:s8] =	ssyncset.s32 @!p0 $0xFFFFF086;
	s6 =	sadd.s32 @!p0 s3, s7;
	s7 =	simm.s32 @!p0 $0x108  }
0x21: {  	s3 =	sadd.s32 s3, s9;
	s6 =	sadd.s32 @!p0 $0x88, s6;
	s7 =	simm.s32 @p2 $0x1082  }
0x22: {  	[simem:s7], [sflag:s8] =	dma.local @!p0 [hbm:s6], $0xF7A  }
0x23: {  	s9 =	sor.u32 $0xD0000000, s2;
	s6 =	simm.s32 $0x108;
	_ =	swait.ge @!p0 [sflag:s8], $0x0  }
0x24: {  	s3 =	sadd.s32 $0x88, s3;
	s6 =	simm.s32 @!p1 $0x1082;
	[sflag:s4] =	ssyncset.s32 $0xFFFFF086  }
0x25: {  	[simem:s6], [sflag:s4] =	dma.local [hbm:s3], $0xF7A  }
0x26: {  	[smem:$0x3F9E] =	sst s1;
	(tag) =	ssettag s2;
	_ =	strace s9  }
0x27: {  	s1 =	sld [smem:$0x3FAE]  }
0x28: {  	s2 =	sld [smem:$0x3FAF]  }
0x29: {  	s4 =	sld [smem:$0x3FB1]  }
0x2a: {  	p0 =	seq.s32 s5, $0x0;
	s5 =	sld [smem:$0x3FB2]  }
0x2b: {  	s6 =	sld [smem:$0x3FB3]  }
0x2c: {  	s7 =	sld [smem:$0x3FB4]  }
0x2d: {  	s3 =	simm.s32 $0x108;
	s8 =	sld [smem:$0x3FB5]  }
0x2e: {  	s3 =	simm.s32 @!p0 $0x1082;
	s9 =	sld [smem:$0x3FB6]  }
0x2f: {  	lr =	sadd.s32 s0, s3;
	s0 =	sld [smem:$0x3FAD]  }
0x30: {  	s3 =	sld [smem:$0x3FB0]  }
0x31: {  	[smem:$0x3FB9] =	sst s10  }
0x32: {  	s10 =	sld [smem:$0x3FB7];
	_ =	sdelay $0x3  }
0x33: {  	p0 =	seq.s32 s10, $0x1;
	s10 =	sld [smem:$0x3FB9];
	_ =	sdelay $0x3  }
0x34: {  	[smem:$0x3FB9] =	sst s10  }
0x35: {  	s10 =	sld [smem:$0x3FB8];
	_ =	sdelay $0x3  }
0x36: {  	p1 =	seq.s32 s10, $0x1;
	s10 =	sld [smem:$0x3FB9];
	_ =	sdelay $0x3  }
0x37: {  	[smem:$0x3FB9] =	sst s10  }
0x38: {  	s10 =	sld [smem:$0x3FBA]  }
0x39: {  	_ = 	snop;
	(pc) =	sbr.ind lr, $3  }
0x3a: {  	_ = 	snop  }
0x3b: {  	_ = 	snop  }
0x3c: {  	p2 =	seq.s32 s10, $0x1;
	s10 =	sld [smem:$0x3FB9]  }
0x3d: {  	_ =	shalt  }
0x3e: {  	_ =	shalt  }
0x3f: {  	_ =	shalt  }
0x40: {  	_ =	shalt  }
0x41: {  	_ =	shalt  }
0x42: {  	_ =	shalt  }
0x43: {  	_ =	shalt  }
0x44: {  	_ =	shalt  }
0x45: {  	_ =	shalt  }
0x46: {  	_ =	shalt  }
0x47: {  	_ =	shalt  }
0x48: {  	_ =	shalt  }
0x49: {  	_ =	shalt  }
0x4a: {  	_ =	shalt  }
0x4b: {  	_ =	shalt  }
0x4c: {  	_ =	shalt  }
0x4d: {  	_ =	shalt  }
0x4e: {  	_ =	shalt  }
0x4f: {  	_ =	shalt  }
0x50: {  	_ =	shalt  }
0x51: {  	_ =	shalt  }
0x52: {  	_ =	shalt  }
0x53: {  	_ =	shalt  }
0x54: {  	_ =	shalt  }
0x55: {  	_ =	shalt  }
0x56: {  	_ =	shalt  }
0x57: {  	_ =	shalt  }
0x58: {  	_ =	shalt  }
0x59: {  	_ =	shalt  }
0x5a: {  	_ =	shalt  }
0x5b: {  	_ =	shalt  }
0x5c: {  	_ =	shalt  }
0x5d: {  	_ =	shalt  }
0x5e: {  	_ =	shalt  }
0x5f: {  	_ =	shalt  }
0x60: {  	_ =	shalt  }
0x61: {  	_ =	shalt  }
0x62: {  	_ =	shalt  }
0x63: {  	_ =	shalt  }
0x64: {  	_ =	shalt  }
0x65: {  	_ =	shalt  }
0x66: {  	_ =	shalt  }
0x67: {  	_ =	shalt  }
0x68: {  	_ =	shalt  }
0x69: {  	_ =	shalt  }
0x6a: {  	_ =	shalt  }
0x6b: {  	_ =	shalt  }
0x6c: {  	_ =	shalt  }
0x6d: {  	_ =	shalt  }
0x6e: {  	_ =	shalt  }
0x6f: {  	_ =	shalt  }
0x70: {  	_ =	shalt  }
0x71: {  	_ =	shalt  }
0x72: {  	_ =	shalt  }
0x73: {  	_ =	shalt  }
0x74: {  	_ =	shalt  }
0x75: {  	_ =	shalt  }
0x76: {  	_ =	shalt  }
0x77: {  	_ =	shalt  }
0x78: {  	_ =	shalt  }
0x79: {  	_ =	shalt  }
0x7a: {  	_ =	shalt  }
0x7b: {  	_ =	shalt  }
0x7c: {  	_ =	shalt  }
0x7d: {  	_ =	shalt  }
0x7e: {  	_ =	shalt  }
0x7f: {  	_ =	shalt  }
0x80: {  	_ =	shalt  }
0x81: {  	_ =	shalt  }
0x82: {  	_ =	shalt  }
0x83: {  	_ =	shalt  }
0x84: {  	_ =	shalt  }
0x85: {  	_ =	shalt  }
0x86: {  	_ =	shalt  }
0x87: {  	_ =	shalt  }
.Lfunc_end0:
.L_simem_size_0:
called_computation_lowered:
.L_overlay_start_0:
0x88: {  	s2 =	sld [smem:$0x3FD9]  }
0x89: {  	s3 =	sld [smem:$0x3FFE];
	_ =	sdelay $0x1  }
0x8a: {  	s1 =	srdreg.scid  }
0x8b: {  	s0 =	sand.u32 $0x1, s1  }
0x8c: {  	s17 =	sshll.u32 s0, $0xA;
	s2 =	sadd.s32 s3, s2  }
0x8d: {  	s2 =	sadd.s32 s2, s17  }
0x8e: {  	[smem:$0x3FC5] =	sst s2  }
0x8f: {  	_ = 	snop  }
0x90: {  	s2 =	sld [smem:$0x3FC9]  }
0x91: {  	s18 =	sld [smem:$0x3FC8]  }
0x92: {  	s4 =	sld [smem:$0x3FD0];
	(tm) =	ssettm $0x1  }
0x93: {  	s5 =	sld [smem:$0x3FFB];
	_ =	sdelay $0x3  }
0x94: {  	_ =	strace s5  }
0x95: {  	s5 =	sld [smem:$0x3FFC];
	_ =	sdelay $0x3  }
0x96: {  	_ =	strace s5  }
0x97: {  	s5 =	sld [smem:$0x3FFD];
	_ =	sdelay $0x3  }
0x98: {  	_ =	strace s5  }
0x99: {  	_ =	strace $0x8FFFFFFF  }
0x9a: {  	s19 =	sld [smem:$0x3FDB];
	_ =	sdelay $0x1  }
0x9b: {  	s6 =	simm.s32 $_scs_section_size  }
0x9c: {  	s7 =	simm.s32 $_size__tile_overlayer_lowered;
	s8 =	simm.s32 $_tile_overlayer_lowered  }
0x9d: {  	s22 =	simm.s32 $0x1BFF;
	s21 =	sshll.u32 s8, $0x1;
	s5 =	sadd.s32 s6, s19  }
0x9e: {  	s9 =	simm.s32 $0x0;
	s20 =	sshll.u32 s7, $0x1;
	s7 =	sadd.s32 s21, s5  }
0x9f: {  	[timem:s9], [sflag:s22] =	dma.local [hbm:s7], s20  }
0xa0: {  	_ =	swait.ge [sflag:s22], s20  }
0xa1: {  	s6 =	ssub.s32 $0x0, s20;
	[sflag:s22] =	ssyncset.done $0x0  }
0xa2: {  	[sflag:s22] =	ssyncadd.s32 s6;
	_ =	sdelay $0x1  }
0xa3: {  	s23 =	simm.s32 $0x1B8B  }
0xa4: {  	_ =	swait.ge [sflag:s23], $0x1  }
0xa5: {  	[sflag:s23] =	ssyncset.done $0x0  }
0xa6: {  	s25 =	simm.s32 $0x1B8E;
	s24 =	sld [smem:$0x3FFE];
	[sflag:s23] =	ssyncadd.s32 $0xFFFFFFFF  }
0xa7: {  	s26 =	simm.s32 $execute0_lowered;
	[smem:$0x3FD2] =	sst s25  }
0xa8: {  	s7 =	sshll.u32 s26, $0x1;
	_ =	strace $0x80000046;
	[dreg:$0x1] =	wrdreg $0xFFFFFFFF  }
0xa9: {  	s28 =	simm.s32 $_size_execute0_lowered;
	s5 =	sadd.s32 s5, s7;
	[dreg:$0x0] =	wrdreg $0x0  }
0xaa: {  	s7 =	sshll.u32 s28, $0x1;
	[dreg:$0x2] =	wrdreg s5  }
0xab: {  	[dreg:$0x3] =	wrdreg s7  }
0xac: {  	[dreg:$0x4] =	wrdreg $0xC0  }
0xad: {  	_ =	task [dreg:s9], $0x5FFFF  }
0xae: {  	[dreg:$0x1] =	wrdreg $0xFFFFFFFF  }
0xaf: {  	[dreg:$0x0] =	wrdreg $0x60  }
0xb0: {  	[dreg:$0x2] =	wrdreg s2  }
0xb1: {  	[dreg:$0x3] =	wrdreg s24  }
0xb2: {  	[dreg:$0x4] =	wrdreg s18  }
0xb3: {  	[dreg:$0x5] =	wrdreg s4  }
0xb4: {  	[dreg:$0x6] =	wrdreg $0x9  }
0xb5: {  	_ =	task.clear_ibuf [dreg:s9], $0x7FFFF;
	_ =	strace $0x90000046  }
0xb6: {  	s29 =	simm.s32 $0x9;
	_ =	strace $0x80000048  }
0xb7: {  	_ =	swait.ge [sflag:s29], $0x1  }
0xb8: {  	[sflag:s29] =	ssyncadd.s32 $0xFFFFFFFF  }
0xb9: {  	_ =	strace $0x90000048  }
0xba: {  	_ =	sfence  }
0xbb: {  	s30 =	sld [smem:$0x0];
	_ =	sdelay $0x2  }
0xbc: {  	s31 =	sshll.u32 s1, $0xD;
	s1 =	sshrl.u32 s1, $0x2  }
0xbd: {  	s3 =	sand.u32 $0x4000, s31;
	s1 =	sadd.s32 s1, s30  }
0xbe: {  	s0 =	sor.u32 s3, s0;
	s1 =	sshll.u32 s1, $0x11  }
0xbf: {  	s0 =	sor.u32 s1, s0  }
0xc0: {  	s0 =	sadd.s32 $0x8F2B, s0  }
0xc1: {  	[sflag:s0] =	ssyncadd.remote.s32 $0x1  }
0xc2: {  	_ =	sfence.sel $0xFFFF  }
0xc3: {  	[dreg:$0x0] =	wrdreg $0xFFFFFFFF;
	(pc) =	sbr.abs _section_cstart, $3  }
0xc4: {  	[dreg:$0x1] =	wrdreg $0xFFFFFFFF  }
0xc5: {  	_ =	task.clear_ibuf [dreg:s9], $0x2FFFF;
	_ =	strace $0x9FFFFFFF  }
0xc6: {  	(tm) =	ssettm $0x7FFFFFFF  }
0xc7: {  	_ =	shalt  }
tec
execute0_lowered:
.L_overlay_start_1:
0x0: {  	(tag) =	ssettag $0x1  }
0x1: {  	s0 =	rddreg [dreg:$0x0]  }
0x2: {  	s2 =	rddreg [dreg:$0x1]  }
0x3: {  	s1 =	rddreg [dreg:$0x2]  }
0x4: {  	s4 =	rddreg [dreg:$0x3];
	s3 =	simm.s32 $0x0;
	s5 =	srdreg.scid  }
0x5: {  	s6 =	stileid.u32;
	s28 =	simm.s32 $0xC00;
	s29 =	simm.s32 $0x1400  }
0x6: {  	s30 =	simm.s32 $0x1C00;
	s31 =	simm.s32 $0x2400;
	[smem:$0x7FF] =	sst s3  }
0x7: {  	s5 =	sand.u32 $0x1, s5;
	s6 =	sshll.u32 s6, $0x1;
	s8 =	sadd.s32 $0x300, s1  }
0x8: {  	_ =	strace $0x80000047;
	s7 =	ssub.s32 $0x2, s5;
	s5 =	sor.u32 s5, s6  }
0x9: {  	s6 =	sadd.s32 $0x100, s1;
	s24 =	sshrl.u32 s7, $0x1;
	s9 =	sshll.u32 s5, $0xF  }
0xa: {  	s5 =	sshll.u32 s5, $0x7;
	s10 =	ssub.s32 s7, s24;
	s25 =	sadd.s32 s0, s9  }
0xb: {  	s2 =	sadd.s32 s2, s5;
	s7 =	sadd.s32 $0x200, s1;
	s26 =	sor.u32 $0x1000, s9  }
0xc: {  	s13 =	sor.u32 $0x2000, s9;
	s14 =	sadd.s32 s4, s9;
	[dreg:$0x5] =	wrdreg s25  }
0xd: {  	s15 =	sor.u32 $0x3000, s9;
	s16 =	sor.u32 $0x4000, s9;
	[dreg:$0x6] =	wrdreg s2  }
0xe: {  	s18 =	sor.u32 $0x5000, s9;
	s12 =	sadd.s32 s0, s26;
	[dreg:$0x9] =	wrdreg s14  }
0xf: {  	s20 =	sor.u32 $0x6000, s9;
	s11 =	sadd.s32 s0, s13;
	[dreg:$0x7] =	wrdreg s12  }
0x10: {  	s22 =	sor.u32 $0x7000, s9;
	s2 =	sadd.s32 s4, s26;
	[dreg:$0x8] =	wrdreg s11  }
0x11: {  	s9 =	simm.s32 $0x2;
	s17 =	sadd.s32 s0, s16;
	[dreg:$0xb] =	wrdreg s2  }
0x12: {  	s5 =	sadd.s32 s4, s13;
	s19 =	sadd.s32 s0, s18;
	[dreg:$0xc] =	wrdreg s17  }
0x13: {  	s21 =	sadd.s32 s0, s20;
	s23 =	sadd.s32 s4, s18;
	[dreg:$0xd] =	wrdreg s5  }
0x14: {  	s24 =	sadd.s32 s4, s20;
	s25 =	sadd.s32 s4, s22;
	[dreg:$0xe] =	wrdreg s19  }
0x15: {  	s26 =	smax.u32 s10, $0x1;
	s13 =	simm.s32 $0x16400;
	[dreg:$0x10] =	wrdreg s21  }
0x16: {  	s14 =	simm.s32 $0x1;
	s10 =	simm.s32 $0x8;
	[dreg:$0x13] =	wrdreg s23  }
0x17: {  	s18 =	simm.s32 $0x6;
	s12 =	sadd.s32 s0, s15;
	[dreg:$0x14] =	wrdreg s24  }
0x18: {  	s11 =	sadd.s32 s4, s15;
	s2 =	sadd.s32 s4, s16;
	[dreg:$0x15] =	wrdreg s25  }
0x19: {  	s0 =	sadd.s32 s0, s22;
	[dreg:$0x16] =	wrdreg s26;
	s25 =	simm.s32 $0x6400  }
0x1a: {  	s26 =	simm.s32 $0xA;
	s4 =	simm.s32 $0x3C00;
	[dreg:$0xa] =	wrdreg s12  }
0x1b: {  	s5 =	simm.s32 $0xE400;
	s15 =	simm.s32 $0x4;
	[dreg:$0xf] =	wrdreg s11  }
0x1c: {  	v0 =	vlaneseq.u32;
	s16 =	simm.s32 $0x7;
	s17 =	simm.s32 $0x5;
	[dreg:$0x11] =	wrdreg s2  }
0x1d: {  	v1 =	vshrl.u32 v0, $0x3;
	s19 =	simm.s32 $0x0;
	[dreg:$0x12] =	wrdreg s0;
	s0 =	simm.s32 $0x2C00  }
0x1e: {  	vm0 =	vmmov $0xffff;
	v0 =	vand.u32 $0x7, v0;
	v1 =	vmul.u32 $0x8, v1;
	s2 =	simm.s32 $0x3400;
	s11 =	simm.s32 $0x3;
	s12 =	simm.s32 $0x9  }
.LBB2_1:
0x1f: {  	s20 =	rddreg [dreg:$0x5]  }
0x20: {  	[tilespmem:s25], [sflag:$0x4] =	stream.linear.gather [hbm4b:s20+s3], $0x8000, $0x38;
	[tilespmem:$0x1E400] =	vst v63  }
0x21: {  	s21 =	rddreg [dreg:$0x6]  }
0x22: {  	[tilespmem:s3], [sflag:$0xA] =	stream.linear.gather [hbm4b:s21+s3], $0x400, $0x38;
	[tilespmem:$0x1E400] =	vst v63  }
0x23: {  	_ =	swait.ge [sflag:s26], $0x400  }
0x24: {  	[sflag:s26] =	ssyncset.done $0x0  }
0x25: {  	[sflag:s26] =	ssyncadd.s32 $0xFFFFFC00  }
0x26: {  	v2 =	vld.msk [tilespmem:$0x0], $0xff;
	_ =	sdelay $0x4  }
0x27: {  	v3 =	vshll.u32 v2, $0x3  }
0x28: {  	v2 =	vand.u32 $0x7, v2;
	v3 =	vand.u32 $0xFFFFFFC0, v3  }
0x29: {  	v2 =	vor.u32 v2, v3  }
0x2a: {  	v2 =	vperm.xlane v2, v0;
	_ =	sdelay $0x1  }
0x2b: {  	v2 =	vadd.s32 v1, v2;
	_ =	sdelay $0x3  }
0x2c: {  	s20 =	simm.s32 $0x400  }
0x2d: {  	[tilespmem:s20], [sflag:$0x1] =	stream.indirect_vreg.gather [hbm4b:s1+s3], $0x80, v2, vm0, $0xb8;
	[tilespmem:$0x1E400] =	vst v63  }
0x2e: {  	_ = 	snop  }
0x2f: {  	[tilespmem:s28], [sflag:$0x1] =	stream.indirect_vreg.gather [hbm4b:s6+s3], $0x80, v2, vm0, $0xb8;
	[tilespmem:$0x1E400] =	vst v63  }
0x30: {  	_ = 	snop  }
0x31: {  	[tilespmem:s29], [sflag:$0x1] =	stream.indirect_vreg.gather [hbm4b:s7+s3], $0x80, v2, vm0, $0xb8;
	[tilespmem:$0x1E400] =	vst v63  }
0x32: {  	_ = 	snop  }
0x33: {  	[tilespmem:s30], [sflag:$0x1] =	stream.indirect_vreg.gather [hbm4b:s8+s3], $0x80, v2, vm0, $0xb8;
	[tilespmem:$0x1E400] =	vst v63  }
0x34: {  	v2 =	vld.msk [tilespmem:$0x80], $0xff;
	_ =	sdelay $0x4  }
0x35: {  	v3 =	vshll.u32 v2, $0x3  }
0x36: {  	v2 =	vand.u32 $0x7, v2;
	v3 =	vand.u32 $0xFFFFFFC0, v3  }
0x37: {  	v2 =	vor.u32 v2, v3  }
0x38: {  	v2 =	vperm.xlane v2, v0;
	_ =	sdelay $0x1  }
0x39: {  	v2 =	vadd.s32 v1, v2;
	_ =	sdelay $0x4  }
0x3a: {  	[tilespmem:s31], [sflag:$0x2] =	stream.indirect_vreg.gather [hbm4b:s1+s3], $0x80, v2, vm0, $0xb8;
	[tilespmem:$0x1E400] =	vst v63  }
0x3b: {  	_ = 	snop  }
0x3c: {  	[tilespmem:s0], [sflag:$0x2] =	stream.indirect_vreg.gather [hbm4b:s6+s3], $0x80, v2, vm0, $0xb8;
	[tilespmem:$0x1E400] =	vst v63  }
0x3d: {  	_ = 	snop  }
0x3e: {  	[tilespmem:s2], [sflag:$0x2] =	stream.indirect_vreg.gather [hbm4b:s7+s3], $0x80, v2, vm0, $0xb8;
	[tilespmem:$0x1E400] =	vst v63  }
0x3f: {  	_ = 	snop  }
0x40: {  	[tilespmem:s4], [sflag:$0x2] =	stream.indirect_vreg.gather [hbm4b:s8+s3], $0x80, v2, vm0, $0xb8;
	[tilespmem:$0x1E400] =	vst v63  }
0x41: {  	s21 =	rddreg [dreg:$0x7]  }
0x42: {  	[tilespmem:s5], [sflag:$0x5] =	stream.linear.gather [hbm4b:s21+s3], $0x8000, $0x38;
	[tilespmem:$0x1E400] =	vst v63  }
0x43: {  	v2 =	vld.msk [tilespmem:$0x100], $0xff;
	_ =	sdelay $0x4  }
0x44: {  	v3 =	vshll.u32 v2, $0x3  }
0x45: {  	v2 =	vand.u32 $0x7, v2;
	v3 =	vand.u32 $0xFFFFFFC0, v3  }
0x46: {  	v2 =	vor.u32 v2, v3  }
0x47: {  	v2 =	vperm.xlane v2, v0;
	_ =	sdelay $0x1  }
0x48: {  	v2 =	vadd.s32 v1, v2;
	_ =	sdelay $0x3  }
0x49: {  	s22 =	simm.s32 $0x4400  }
0x4a: {  	[tilespmem:s22], [sflag:$0x3] =	stream.indirect_vreg.gather [hbm4b:s1+s3], $0x80, v2, vm0, $0xb8;
	[tilespmem:$0x1E400] =	vst v63  }
0x4b: {  	s23 =	simm.s32 $0x4C00  }
0x4c: {  	[tilespmem:s23], [sflag:$0x3] =	stream.indirect_vreg.gather [hbm4b:s6+s3], $0x80, v2, vm0, $0xb8;
	[tilespmem:$0x1E400] =	vst v63  }
0x4d: {  	s24 =	simm.s32 $0x5400  }
0x4e: {  	[tilespmem:s24], [sflag:$0x3] =	stream.indirect_vreg.gather [hbm4b:s7+s3], $0x80, v2, vm0, $0xb8;
	[tilespmem:$0x1E400] =	vst v63  }
0x4f: {  	s22 =	simm.s32 $0x5C00  }
0x50: {  	[tilespmem:s22], [sflag:$0x3] =	stream.indirect_vreg.gather [hbm4b:s8+s3], $0x80, v2, vm0, $0xb8;
	[tilespmem:$0x1E400] =	vst v63  }
0x51: {  	s23 =	rddreg [dreg:$0x8]  }
0x52: {  	[tilespmem:s13], [sflag:$0x6] =	stream.linear.gather [hbm4b:s23+s3], $0x8000, $0x38;
	[tilespmem:$0x1E400] =	vst v63  }
0x53: {  	_ =	swait.ge [sflag:s14], $0x2000  }
0x54: {  	s24 =	simm.s32 $0x0;
	[sflag:s14] =	ssyncset.done $0x0  }
0x55: {  	s21 =	smul.u32 $0xFFFF8200, s24;
	[sflag:s14] =	ssyncadd.s32 $0xFFFFE000  }
0x56: {  	_ =	swait.ge [sflag:s15], $0x8000  }
0x57: {  	s21 =	sshra.s32 s21, $0x2;
	[sflag:s15] =	ssyncset.done $0x0  }
0x58: {  	s22 =	sadd.s32 $0x400, s21;
	[sflag:s15] =	ssyncadd.s32 $0xFFFF8000  }
0x59: {  	v2 =	vld [tilespmem:s22+$0x70]  }
0x5a: {  	v4 =	vld [tilespmem:s22+$0x0]  }
0x5b: {  	v5 =	vld [tilespmem:s22+$0x10]  }
0x5c: {  	v6 =	vld [tilespmem:s22+$0x20]  }
0x5d: {  	v7 =	vld [tilespmem:s22+$0x30]  }
0x5e: {  	v8 =	vld [tilespmem:s22+$0x40]  }
0x5f: {  	v9 =	vld [tilespmem:s22+$0x50]  }
0x60: {  	s21 =	simm.s32 $0x65F0;
	v3 =	vld [tilespmem:s22+$0x60]  }
0x61: {  	[tilespmem:s21+$0x0] =	vst.add.f32.msk $0xffff, v2  }
0x62: {  	[tilespmem:s21+$0xFFFFFE10] =	vst.add.f32.msk $0xffff, v4  }
0x63: {  	[tilespmem:s21+$0xFFFFFE90] =	vst.add.f32.msk $0xffff, v4  }
0x64: {  	[tilespmem:s21+$0xFFFFFF10] =	vst.add.f32.msk $0xffff, v4  }
0x65: {  	[tilespmem:s21+$0xFFFFFF90] =	vst.add.f32.msk $0xffff, v4  }
0x66: {  	[tilespmem:s21+$0xFFFFFE20] =	vst.add.f32.msk $0xffff, v5  }
0x67: {  	[tilespmem:s21+$0xFFFFFEA0] =	vst.add.f32.msk $0xffff, v5  }
0x68: {  	[tilespmem:s21+$0xFFFFFF20] =	vst.add.f32.msk $0xffff, v5  }
0x69: {  	[tilespmem:s21+$0xFFFFFFA0] =	vst.add.f32.msk $0xffff, v5  }
0x6a: {  	[tilespmem:s21+$0xFFFFFE30] =	vst.add.f32.msk $0xffff, v6  }
0x6b: {  	[tilespmem:s21+$0xFFFFFEB0] =	vst.add.f32.msk $0xffff, v6  }
0x6c: {  	[tilespmem:s21+$0xFFFFFF30] =	vst.add.f32.msk $0xffff, v6  }
0x6d: {  	[tilespmem:s21+$0xFFFFFFB0] =	vst.add.f32.msk $0xffff, v6  }
0x6e: {  	[tilespmem:s21+$0xFFFFFE40] =	vst.add.f32.msk $0xffff, v7  }
0x6f: {  	[tilespmem:s21+$0xFFFFFEC0] =	vst.add.f32.msk $0xffff, v7  }
0x70: {  	[tilespmem:s21+$0xFFFFFF40] =	vst.add.f32.msk $0xffff, v7  }
0x71: {  	[tilespmem:s21+$0xFFFFFFC0] =	vst.add.f32.msk $0xffff, v7  }
0x72: {  	[tilespmem:s21+$0xFFFFFE50] =	vst.add.f32.msk $0xffff, v8  }
0x73: {  	[tilespmem:s21+$0xFFFFFED0] =	vst.add.f32.msk $0xffff, v8  }
0x74: {  	[tilespmem:s21+$0xFFFFFF50] =	vst.add.f32.msk $0xffff, v8  }
0x75: {  	[tilespmem:s21+$0xFFFFFFD0] =	vst.add.f32.msk $0xffff, v8  }
0x76: {  	[tilespmem:s21+$0xFFFFFE60] =	vst.add.f32.msk $0xffff, v9  }
0x77: {  	[tilespmem:s21+$0xFFFFFEE0] =	vst.add.f32.msk $0xffff, v9  }
0x78: {  	[tilespmem:s21+$0xFFFFFF60] =	vst.add.f32.msk $0xffff, v9  }
0x79: {  	[tilespmem:s21+$0xFFFFFFE0] =	vst.add.f32.msk $0xffff, v9  }
0x7a: {  	[tilespmem:s21+$0xFFFFFE70] =	vst.add.f32.msk $0xffff, v3  }
0x7b: {  	s23 =	simm.s32 $0x8;
	s22 =	simm.s32 $0x0;
	[tilespmem:s21+$0xFFFFFEF0] =	vst.add.f32.msk $0xffff, v3  }
.LBB2_2:
0x7c: {  	s24 =	sshrl.u32 s23, $0x6;
	s22 =	sadd.s32 $0x8, s22;
	[tilespmem:s21+$0xFFFFFF70] =	vst.add.f32.msk $0xffff, v3  }
0x7d: {  	s24 =	smul.u32 $0xFFFF8200, s24;
	p0 =	slt.u32 s22, $0x1F8;
	[tilespmem:s21+$0xFFFFFFF0] =	vst.add.f32.msk $0xffff, v3  }
0x7e: {  	[tilespmem:s21+$0xFFFFFE80] =	vst.add.f32.msk $0xffff, v2  }
0x7f: {  	s20 =	sadd.s32 $0x400, s20;
	s24 =	sshra.s32 s24, $0x2;
	[tilespmem:s21+$0xFFFFFF00] =	vst.add.f32.msk $0xffff, v2  }
0x80: {  	s24 =	sadd.s32 s24, s20;
	[tilespmem:s21+$0xFFFFFF80] =	vst.add.f32.msk $0xffff, v2  }
0x81: {  	v2 =	vld [tilespmem:s24+$0x70]  }
0x82: {  	v4 =	vld [tilespmem:s24+$0x0]  }
0x83: {  	v5 =	vld [tilespmem:s24+$0x10]  }
0x84: {  	v6 =	vld [tilespmem:s24+$0x20]  }
0x85: {  	s21 =	sadd.s32 $0x200, s21;
	v7 =	vld [tilespmem:s24+$0x30]  }
0x86: {  	[tilespmem:s21+$0x0] =	vst.add.f32.msk $0xffff, v2  }
0x87: {  	v8 =	vld [tilespmem:s24+$0x40]  }
0x88: {  	v9 =	vld [tilespmem:s24+$0x50]  }
0x89: {  	v3 =	vld [tilespmem:s24+$0x60]  }
0x8a: {  	[tilespmem:s21+$0xFFFFFE10] =	vst.add.f32.msk $0xffff, v4  }
0x8b: {  	[tilespmem:s21+$0xFFFFFE90] =	vst.add.f32.msk $0xffff, v4  }
0x8c: {  	[tilespmem:s21+$0xFFFFFF10] =	vst.add.f32.msk $0xffff, v4  }
0x8d: {  	[tilespmem:s21+$0xFFFFFF90] =	vst.add.f32.msk $0xffff, v4  }
0x8e: {  	[tilespmem:s21+$0xFFFFFE20] =	vst.add.f32.msk $0xffff, v5  }
0x8f: {  	[tilespmem:s21+$0xFFFFFEA0] =	vst.add.f32.msk $0xffff, v5  }
0x90: {  	[tilespmem:s21+$0xFFFFFF20] =	vst.add.f32.msk $0xffff, v5  }
0x91: {  	[tilespmem:s21+$0xFFFFFFA0] =	vst.add.f32.msk $0xffff, v5  }
0x92: {  	[tilespmem:s21+$0xFFFFFE30] =	vst.add.f32.msk $0xffff, v6  }
0x93: {  	[tilespmem:s21+$0xFFFFFEB0] =	vst.add.f32.msk $0xffff, v6  }
0x94: {  	[tilespmem:s21+$0xFFFFFF30] =	vst.add.f32.msk $0xffff, v6  }
0x95: {  	[tilespmem:s21+$0xFFFFFFB0] =	vst.add.f32.msk $0xffff, v6  }
0x96: {  	[tilespmem:s21+$0xFFFFFE40] =	vst.add.f32.msk $0xffff, v7  }
0x97: {  	[tilespmem:s21+$0xFFFFFEC0] =	vst.add.f32.msk $0xffff, v7  }
0x98: {  	[tilespmem:s21+$0xFFFFFF40] =	vst.add.f32.msk $0xffff, v7  }
0x99: {  	[tilespmem:s21+$0xFFFFFFC0] =	vst.add.f32.msk $0xffff, v7  }
0x9a: {  	[tilespmem:s21+$0xFFFFFE50] =	vst.add.f32.msk $0xffff, v8  }
0x9b: {  	[tilespmem:s21+$0xFFFFFED0] =	vst.add.f32.msk $0xffff, v8  }
0x9c: {  	[tilespmem:s21+$0xFFFFFF50] =	vst.add.f32.msk $0xffff, v8  }
0x9d: {  	[tilespmem:s21+$0xFFFFFFD0] =	vst.add.f32.msk $0xffff, v8  }
0x9e: {  	[tilespmem:s21+$0xFFFFFE60] =	vst.add.f32.msk $0xffff, v9  }
.Ltmp0:
0x9f: {  	[tilespmem:s21+$0xFFFFFEE0] =	vst.add.f32.msk $0xffff, v9;
	(pc) =	sbr.rel @p0 .LBB2_2-.Ltmp0, $4  }
0xa0: {  	[tilespmem:s21+$0xFFFFFF60] =	vst.add.f32.msk $0xffff, v9  }
0xa1: {  	[tilespmem:s21+$0xFFFFFFE0] =	vst.add.f32.msk $0xffff, v9  }
0xa2: {  	[tilespmem:s21+$0xFFFFFE70] =	vst.add.f32.msk $0xffff, v3  }
0xa3: {  	s23 =	sadd.s32 $0x8, s23;
	[tilespmem:s21+$0xFFFFFEF0] =	vst.add.f32.msk $0xffff, v3  }
0xa4: {  	[tilespmem:s21+$0xFFFFFF70] =	vst.add.f32.msk $0xffff, v3  }
0xa5: {  	[tilespmem:s21+$0xFFFFFFF0] =	vst.add.f32.msk $0xffff, v3  }
0xa6: {  	[tilespmem:s21+$0xFFFFFE80] =	vst.add.f32.msk $0xffff, v2  }
0xa7: {  	[tilespmem:s21+$0xFFFFFF00] =	vst.add.f32.msk $0xffff, v2  }
0xa8: {  	[tilespmem:s21+$0xFFFFFF80] =	vst.add.f32.msk $0xffff, v2  }
0xa9: {  	s24 =	simm.s32 $0x0;
	s20 =	rddreg [dreg:$0x9]  }
0xaa: {  	[hbm4b:s20+s24] =	stream.linear.scatter [tilespmem:s25], [sflag:$0x7], $0x8000, $0x38;
	[tilespmem:$0x1E400] =	vst v63  }
0xab: {  	v2 =	vld.msk [tilespmem:$0x180], $0xff;
	_ =	sdelay $0x4  }
0xac: {  	v3 =	vshll.u32 v2, $0x3  }
0xad: {  	v2 =	vand.u32 $0x7, v2;
	v3 =	vand.u32 $0xFFFFFFC0, v3  }
0xae: {  	v2 =	vor.u32 v2, v3  }
0xaf: {  	v2 =	vperm.xlane v2, v0;
	_ =	sdelay $0x1  }
0xb0: {  	v2 =	vadd.s32 v1, v2;
	_ =	sdelay $0x3  }
0xb1: {  	s20 =	simm.s32 $0x400  }
0xb2: {  	[tilespmem:s20], [sflag:$0x1] =	stream.indirect_vreg.gather [hbm4b:s1+s24], $0x80, v2, vm0, $0xb8;
	[tilespmem:$0x1E400] =	vst v63  }
0xb3: {  	_ = 	snop  }
0xb4: {  	[tilespmem:s28], [sflag:$0x1] =	stream.indirect_vreg.gather [hbm4b:s6+s24], $0x80, v2, vm0, $0xb8;
	[tilespmem:$0x1E400] =	vst v63  }
0xb5: {  	_ = 	snop  }
0xb6: {  	[tilespmem:s29], [sflag:$0x1] =	stream.indirect_vreg.gather [hbm4b:s7+s24], $0x80, v2, vm0, $0xb8;
	[tilespmem:$0x1E400] =	vst v63  }
0xb7: {  	_ = 	snop  }
0xb8: {  	[tilespmem:s30], [sflag:$0x1] =	stream.indirect_vreg.gather [hbm4b:s8+s24], $0x80, v2, vm0, $0xb8;
	[tilespmem:$0x1E400] =	vst v63  }
0xb9: {  	_ =	swait.ge [sflag:s16], $0x8000  }
0xba: {  	[sflag:s16] =	ssyncset.done $0x0  }
0xbb: {  	s22 =	rddreg [dreg:$0xa];
	[sflag:s16] =	ssyncadd.s32 $0xFFFF8000  }
0xbc: {  	[tilespmem:s25], [sflag:$0x4] =	stream.linear.gather [hbm4b:s22+s24], $0x8000, $0x38;
	[tilespmem:$0x1E400] =	vst v63  }
0xbd: {  	_ =	swait.ge [sflag:s9], $0x2000  }
0xbe: {  	s23 =	simm.s32 $0x0;
	[sflag:s9] =	ssyncset.done $0x0  }
0xbf: {  	s21 =	smul.u32 $0xFFFF8200, s23;
	[sflag:s9] =	ssyncadd.s32 $0xFFFFE000  }
0xc0: {  	_ =	swait.ge [sflag:s17], $0x8000  }
0xc1: {  	s21 =	sshra.s32 s21, $0x2;
	[sflag:s17] =	ssyncset.done $0x0  }
0xc2: {  	s24 =	sadd.s32 $0x400, s21;
	[sflag:s17] =	ssyncadd.s32 $0xFFFF8000  }
0xc3: {  	v2 =	vld [tilespmem:s24+$0x2070]  }
0xc4: {  	v4 =	vld [tilespmem:s24+$0x2000]  }
0xc5: {  	v5 =	vld [tilespmem:s24+$0x2010]  }
0xc6: {  	v6 =	vld [tilespmem:s24+$0x2020]  }
0xc7: {  	v7 =	vld [tilespmem:s24+$0x2030]  }
0xc8: {  	v8 =	vld [tilespmem:s24+$0x2040]  }
0xc9: {  	v9 =	vld [tilespmem:s24+$0x2050]  }
0xca: {  	s21 =	simm.s32 $0xE5F0;
	v3 =	vld [tilespmem:s24+$0x2060]  }
0xcb: {  	[tilespmem:s21+$0x0] =	vst.add.f32.msk $0xffff, v2  }
0xcc: {  	[tilespmem:s21+$0xFFFFFE10] =	vst.add.f32.msk $0xffff, v4  }
0xcd: {  	[tilespmem:s21+$0xFFFFFE90] =	vst.add.f32.msk $0xffff, v4  }
0xce: {  	[tilespmem:s21+$0xFFFFFF10] =	vst.add.f32.msk $0xffff, v4  }
0xcf: {  	[tilespmem:s21+$0xFFFFFF90] =	vst.add.f32.msk $0xffff, v4  }
0xd0: {  	[tilespmem:s21+$0xFFFFFE20] =	vst.add.f32.msk $0xffff, v5  }
0xd1: {  	[tilespmem:s21+$0xFFFFFEA0] =	vst.add.f32.msk $0xffff, v5  }
0xd2: {  	[tilespmem:s21+$0xFFFFFF20] =	vst.add.f32.msk $0xffff, v5  }
0xd3: {  	[tilespmem:s21+$0xFFFFFFA0] =	vst.add.f32.msk $0xffff, v5  }
0xd4: {  	[tilespmem:s21+$0xFFFFFE30] =	vst.add.f32.msk $0xffff, v6  }
0xd5: {  	[tilespmem:s21+$0xFFFFFEB0] =	vst.add.f32.msk $0xffff, v6  }
0xd6: {  	[tilespmem:s21+$0xFFFFFF30] =	vst.add.f32.msk $0xffff, v6  }
0xd7: {  	[tilespmem:s21+$0xFFFFFFB0] =	vst.add.f32.msk $0xffff, v6  }
0xd8: {  	[tilespmem:s21+$0xFFFFFE40] =	vst.add.f32.msk $0xffff, v7  }
0xd9: {  	[tilespmem:s21+$0xFFFFFEC0] =	vst.add.f32.msk $0xffff, v7  }
0xda: {  	[tilespmem:s21+$0xFFFFFF40] =	vst.add.f32.msk $0xffff, v7  }
0xdb: {  	[tilespmem:s21+$0xFFFFFFC0] =	vst.add.f32.msk $0xffff, v7  }
0xdc: {  	[tilespmem:s21+$0xFFFFFE50] =	vst.add.f32.msk $0xffff, v8  }
0xdd: {  	[tilespmem:s21+$0xFFFFFED0] =	vst.add.f32.msk $0xffff, v8  }
0xde: {  	[tilespmem:s21+$0xFFFFFF50] =	vst.add.f32.msk $0xffff, v8  }
0xdf: {  	[tilespmem:s21+$0xFFFFFFD0] =	vst.add.f32.msk $0xffff, v8  }
0xe0: {  	[tilespmem:s21+$0xFFFFFE60] =	vst.add.f32.msk $0xffff, v9  }
0xe1: {  	[tilespmem:s21+$0xFFFFFEE0] =	vst.add.f32.msk $0xffff, v9  }
0xe2: {  	[tilespmem:s21+$0xFFFFFF60] =	vst.add.f32.msk $0xffff, v9  }
0xe3: {  	[tilespmem:s21+$0xFFFFFFE0] =	vst.add.f32.msk $0xffff, v9  }
0xe4: {  	[tilespmem:s21+$0xFFFFFE70] =	vst.add.f32.msk $0xffff, v3  }
0xe5: {  	s23 =	simm.s32 $0x8;
	s22 =	simm.s32 $0x0;
	[tilespmem:s21+$0xFFFFFEF0] =	vst.add.f32.msk $0xffff, v3  }
.LBB2_4:
0xe6: {  	s24 =	sshrl.u32 s23, $0x6;
	s22 =	sadd.s32 $0x8, s22;
	[tilespmem:s21+$0xFFFFFF70] =	vst.add.f32.msk $0xffff, v3  }
0xe7: {  	s24 =	smul.u32 $0xFFFF8200, s24;
	p0 =	slt.u32 s22, $0x1F8;
	[tilespmem:s21+$0xFFFFFFF0] =	vst.add.f32.msk $0xffff, v3  }
0xe8: {  	[tilespmem:s21+$0xFFFFFE80] =	vst.add.f32.msk $0xffff, v2  }
0xe9: {  	s20 =	sadd.s32 $0x400, s20;
	s24 =	sshra.s32 s24, $0x2;
	[tilespmem:s21+$0xFFFFFF00] =	vst.add.f32.msk $0xffff, v2  }
0xea: {  	s24 =	sadd.s32 s24, s20;
	[tilespmem:s21+$0xFFFFFF80] =	vst.add.f32.msk $0xffff, v2  }
0xeb: {  	v2 =	vld [tilespmem:s24+$0x2070]  }
0xec: {  	v4 =	vld [tilespmem:s24+$0x2000]  }
0xed: {  	v5 =	vld [tilespmem:s24+$0x2010]  }
0xee: {  	v6 =	vld [tilespmem:s24+$0x2020]  }
0xef: {  	s21 =	sadd.s32 $0x200, s21;
	v7 =	vld [tilespmem:s24+$0x2030]  }
0xf0: {  	[tilespmem:s21+$0x0] =	vst.add.f32.msk $0xffff, v2  }
0xf1: {  	v8 =	vld [tilespmem:s24+$0x2040]  }
0xf2: {  	v9 =	vld [tilespmem:s24+$0x2050]  }
0xf3: {  	v3 =	vld [tilespmem:s24+$0x2060]  }
0xf4: {  	[tilespmem:s21+$0xFFFFFE10] =	vst.add.f32.msk $0xffff, v4  }
0xf5: {  	[tilespmem:s21+$0xFFFFFE90] =	vst.add.f32.msk $0xffff, v4  }
0xf6: {  	[tilespmem:s21+$0xFFFFFF10] =	vst.add.f32.msk $0xffff, v4  }
0xf7: {  	[tilespmem:s21+$0xFFFFFF90] =	vst.add.f32.msk $0xffff, v4  }
0xf8: {  	[tilespmem:s21+$0xFFFFFE20] =	vst.add.f32.msk $0xffff, v5  }
0xf9: {  	[tilespmem:s21+$0xFFFFFEA0] =	vst.add.f32.msk $0xffff, v5  }
0xfa: {  	[tilespmem:s21+$0xFFFFFF20] =	vst.add.f32.msk $0xffff, v5  }
0xfb: {  	[tilespmem:s21+$0xFFFFFFA0] =	vst.add.f32.msk $0xffff, v5  }
0xfc: {  	[tilespmem:s21+$0xFFFFFE30] =	vst.add.f32.msk $0xffff, v6  }
0xfd: {  	[tilespmem:s21+$0xFFFFFEB0] =	vst.add.f32.msk $0xffff, v6  }
0xfe: {  	[tilespmem:s21+$0xFFFFFF30] =	vst.add.f32.msk $0xffff, v6  }
0xff: {  	[tilespmem:s21+$0xFFFFFFB0] =	vst.add.f32.msk $0xffff, v6  }
0x100: {  	[tilespmem:s21+$0xFFFFFE40] =	vst.add.f32.msk $0xffff, v7  }
0x101: {  	[tilespmem:s21+$0xFFFFFEC0] =	vst.add.f32.msk $0xffff, v7  }
0x102: {  	[tilespmem:s21+$0xFFFFFF40] =	vst.add.f32.msk $0xffff, v7  }
0x103: {  	[tilespmem:s21+$0xFFFFFFC0] =	vst.add.f32.msk $0xffff, v7  }
0x104: {  	[tilespmem:s21+$0xFFFFFE50] =	vst.add.f32.msk $0xffff, v8  }
0x105: {  	[tilespmem:s21+$0xFFFFFED0] =	vst.add.f32.msk $0xffff, v8  }
0x106: {  	[tilespmem:s21+$0xFFFFFF50] =	vst.add.f32.msk $0xffff, v8  }
0x107: {  	[tilespmem:s21+$0xFFFFFFD0] =	vst.add.f32.msk $0xffff, v8  }
0x108: {  	[tilespmem:s21+$0xFFFFFE60] =	vst.add.f32.msk $0xffff, v9  }
.Ltmp1:
0x109: {  	[tilespmem:s21+$0xFFFFFEE0] =	vst.add.f32.msk $0xffff, v9;
	(pc) =	sbr.rel @p0 .LBB2_4-.Ltmp1, $4  }
0x10a: {  	[tilespmem:s21+$0xFFFFFF60] =	vst.add.f32.msk $0xffff, v9  }
0x10b: {  	[tilespmem:s21+$0xFFFFFFE0] =	vst.add.f32.msk $0xffff, v9  }
0x10c: {  	[tilespmem:s21+$0xFFFFFE70] =	vst.add.f32.msk $0xffff, v3  }
0x10d: {  	s23 =	sadd.s32 $0x8, s23;
	[tilespmem:s21+$0xFFFFFEF0] =	vst.add.f32.msk $0xffff, v3  }
0x10e: {  	[tilespmem:s21+$0xFFFFFF70] =	vst.add.f32.msk $0xffff, v3  }
0x10f: {  	[tilespmem:s21+$0xFFFFFFF0] =	vst.add.f32.msk $0xffff, v3  }
0x110: {  	[tilespmem:s21+$0xFFFFFE80] =	vst.add.f32.msk $0xffff, v2  }
0x111: {  	[tilespmem:s21+$0xFFFFFF00] =	vst.add.f32.msk $0xffff, v2  }
0x112: {  	[tilespmem:s21+$0xFFFFFF80] =	vst.add.f32.msk $0xffff, v2  }
0x113: {  	s20 =	simm.s32 $0x0;
	s21 =	rddreg [dreg:$0xb]  }
0x114: {  	[hbm4b:s21+s20] =	stream.linear.scatter [tilespmem:s5], [sflag:$0x8], $0x8000, $0x38;
	[tilespmem:$0x1E400] =	vst v63  }
0x115: {  	v2 =	vld.msk [tilespmem:$0x200], $0xff;
	_ =	sdelay $0x4  }
0x116: {  	v3 =	vshll.u32 v2, $0x3  }
0x117: {  	v2 =	vand.u32 $0x7, v2;
	v3 =	vand.u32 $0xFFFFFFC0, v3  }
0x118: {  	v2 =	vor.u32 v2, v3  }
0x119: {  	v2 =	vperm.xlane v2, v0;
	_ =	sdelay $0x1  }
0x11a: {  	v2 =	vadd.s32 v1, v2;
	_ =	sdelay $0x4  }
0x11b: {  	[tilespmem:s31], [sflag:$0x2] =	stream.indirect_vreg.gather [hbm4b:s1+s20], $0x80, v2, vm0, $0xb8;
	[tilespmem:$0x1E400] =	vst v63  }
0x11c: {  	_ = 	snop  }
0x11d: {  	[tilespmem:s0], [sflag:$0x2] =	stream.indirect_vreg.gather [hbm4b:s6+s20], $0x80, v2, vm0, $0xb8;
	[tilespmem:$0x1E400] =	vst v63  }
0x11e: {  	_ = 	snop  }
0x11f: {  	[tilespmem:s2], [sflag:$0x2] =	stream.indirect_vreg.gather [hbm4b:s7+s20], $0x80, v2, vm0, $0xb8;
	[tilespmem:$0x1E400] =	vst v63  }
0x120: {  	_ = 	snop  }
0x121: {  	[tilespmem:s4], [sflag:$0x2] =	stream.indirect_vreg.gather [hbm4b:s8+s20], $0x80, v2, vm0, $0xb8;
	[tilespmem:$0x1E400] =	vst v63  }
0x122: {  	_ =	swait.ge [sflag:s10], $0x8000  }
0x123: {  	[sflag:s10] =	ssyncset.done $0x0  }
0x124: {  	s22 =	rddreg [dreg:$0xc];
	[sflag:s10] =	ssyncadd.s32 $0xFFFF8000  }
0x125: {  	[tilespmem:s5], [sflag:$0x5] =	stream.linear.gather [hbm4b:s22+s20], $0x8000, $0x38;
	[tilespmem:$0x1E400] =	vst v63  }
0x126: {  	_ =	swait.ge [sflag:s11], $0x2000  }
0x127: {  	s23 =	simm.s32 $0x0;
	[sflag:s11] =	ssyncset.done $0x0  }
0x128: {  	s20 =	smul.u32 $0xFFFF8200, s23;
	[sflag:s11] =	ssyncadd.s32 $0xFFFFE000  }
0x129: {  	_ =	swait.ge [sflag:s18], $0x8000  }
0x12a: {  	s20 =	sshra.s32 s20, $0x2;
	[sflag:s18] =	ssyncset.done $0x0  }
0x12b: {  	s24 =	sadd.s32 $0x400, s20;
	[sflag:s18] =	ssyncadd.s32 $0xFFFF8000  }
0x12c: {  	v2 =	vld [tilespmem:s24+$0x4070]  }
0x12d: {  	v4 =	vld [tilespmem:s24+$0x4000]  }
0x12e: {  	v5 =	vld [tilespmem:s24+$0x4010]  }
0x12f: {  	v6 =	vld [tilespmem:s24+$0x4020]  }
0x130: {  	v7 =	vld [tilespmem:s24+$0x4030]  }
0x131: {  	v8 =	vld [tilespmem:s24+$0x4040]  }
0x132: {  	v9 =	vld [tilespmem:s24+$0x4050]  }
0x133: {  	s20 =	simm.s32 $0x165F0;
	v3 =	vld [tilespmem:s24+$0x4060]  }
0x134: {  	[tilespmem:s20+$0x0] =	vst.add.f32.msk $0xffff, v2  }
0x135: {  	[tilespmem:s20+$0xFFFFFE10] =	vst.add.f32.msk $0xffff, v4  }
0x136: {  	[tilespmem:s20+$0xFFFFFE90] =	vst.add.f32.msk $0xffff, v4  }
0x137: {  	[tilespmem:s20+$0xFFFFFF10] =	vst.add.f32.msk $0xffff, v4  }
0x138: {  	[tilespmem:s20+$0xFFFFFF90] =	vst.add.f32.msk $0xffff, v4  }
0x139: {  	[tilespmem:s20+$0xFFFFFE20] =	vst.add.f32.msk $0xffff, v5  }
0x13a: {  	[tilespmem:s20+$0xFFFFFEA0] =	vst.add.f32.msk $0xffff, v5  }
0x13b: {  	[tilespmem:s20+$0xFFFFFF20] =	vst.add.f32.msk $0xffff, v5  }
0x13c: {  	[tilespmem:s20+$0xFFFFFFA0] =	vst.add.f32.msk $0xffff, v5  }
0x13d: {  	[tilespmem:s20+$0xFFFFFE30] =	vst.add.f32.msk $0xffff, v6  }
0x13e: {  	[tilespmem:s20+$0xFFFFFEB0] =	vst.add.f32.msk $0xffff, v6  }
0x13f: {  	[tilespmem:s20+$0xFFFFFF30] =	vst.add.f32.msk $0xffff, v6  }
0x140: {  	[tilespmem:s20+$0xFFFFFFB0] =	vst.add.f32.msk $0xffff, v6  }
0x141: {  	[tilespmem:s20+$0xFFFFFE40] =	vst.add.f32.msk $0xffff, v7  }
0x142: {  	[tilespmem:s20+$0xFFFFFEC0] =	vst.add.f32.msk $0xffff, v7  }
0x143: {  	[tilespmem:s20+$0xFFFFFF40] =	vst.add.f32.msk $0xffff, v7  }
0x144: {  	[tilespmem:s20+$0xFFFFFFC0] =	vst.add.f32.msk $0xffff, v7  }
0x145: {  	[tilespmem:s20+$0xFFFFFE50] =	vst.add.f32.msk $0xffff, v8  }
0x146: {  	[tilespmem:s20+$0xFFFFFED0] =	vst.add.f32.msk $0xffff, v8  }
0x147: {  	[tilespmem:s20+$0xFFFFFF50] =	vst.add.f32.msk $0xffff, v8  }
0x148: {  	[tilespmem:s20+$0xFFFFFFD0] =	vst.add.f32.msk $0xffff, v8  }
0x149: {  	[tilespmem:s20+$0xFFFFFE60] =	vst.add.f32.msk $0xffff, v9  }
0x14a: {  	[tilespmem:s20+$0xFFFFFEE0] =	vst.add.f32.msk $0xffff, v9  }
0x14b: {  	[tilespmem:s20+$0xFFFFFF60] =	vst.add.f32.msk $0xffff, v9  }
0x14c: {  	[tilespmem:s20+$0xFFFFFFE0] =	vst.add.f32.msk $0xffff, v9  }
0x14d: {  	[tilespmem:s20+$0xFFFFFE70] =	vst.add.f32.msk $0xffff, v3  }
0x14e: {  	s21 =	simm.s32 $0x400;
	s22 =	simm.s32 $0x0;
	s23 =	simm.s32 $0x8;
	[tilespmem:s20+$0xFFFFFEF0] =	vst.add.f32.msk $0xffff, v3  }
.LBB2_6:
0x14f: {  	s24 =	sshrl.u32 s23, $0x6;
	s22 =	sadd.s32 $0x8, s22;
	[tilespmem:s20+$0xFFFFFF70] =	vst.add.f32.msk $0xffff, v3  }
0x150: {  	s24 =	smul.u32 $0xFFFF8200, s24;
	p0 =	slt.u32 s22, $0x1F8;
	[tilespmem:s20+$0xFFFFFFF0] =	vst.add.f32.msk $0xffff, v3  }
0x151: {  	[tilespmem:s20+$0xFFFFFE80] =	vst.add.f32.msk $0xffff, v2  }
0x152: {  	s21 =	sadd.s32 $0x400, s21;
	s24 =	sshra.s32 s24, $0x2;
	[tilespmem:s20+$0xFFFFFF00] =	vst.add.f32.msk $0xffff, v2  }
0x153: {  	s24 =	sadd.s32 s24, s21;
	[tilespmem:s20+$0xFFFFFF80] =	vst.add.f32.msk $0xffff, v2  }
0x154: {  	v2 =	vld [tilespmem:s24+$0x4070]  }
0x155: {  	v4 =	vld [tilespmem:s24+$0x4000]  }
0x156: {  	v5 =	vld [tilespmem:s24+$0x4010]  }
0x157: {  	v6 =	vld [tilespmem:s24+$0x4020]  }
0x158: {  	s20 =	sadd.s32 $0x200, s20;
	v7 =	vld [tilespmem:s24+$0x4030]  }
0x159: {  	[tilespmem:s20+$0x0] =	vst.add.f32.msk $0xffff, v2  }
0x15a: {  	v8 =	vld [tilespmem:s24+$0x4040]  }
0x15b: {  	v9 =	vld [tilespmem:s24+$0x4050]  }
0x15c: {  	v3 =	vld [tilespmem:s24+$0x4060]  }
0x15d: {  	[tilespmem:s20+$0xFFFFFE10] =	vst.add.f32.msk $0xffff, v4  }
0x15e: {  	[tilespmem:s20+$0xFFFFFE90] =	vst.add.f32.msk $0xffff, v4  }
0x15f: {  	[tilespmem:s20+$0xFFFFFF10] =	vst.add.f32.msk $0xffff, v4  }
0x160: {  	[tilespmem:s20+$0xFFFFFF90] =	vst.add.f32.msk $0xffff, v4  }
0x161: {  	[tilespmem:s20+$0xFFFFFE20] =	vst.add.f32.msk $0xffff, v5  }
0x162: {  	[tilespmem:s20+$0xFFFFFEA0] =	vst.add.f32.msk $0xffff, v5  }
0x163: {  	[tilespmem:s20+$0xFFFFFF20] =	vst.add.f32.msk $0xffff, v5  }
0x164: {  	[tilespmem:s20+$0xFFFFFFA0] =	vst.add.f32.msk $0xffff, v5  }
0x165: {  	[tilespmem:s20+$0xFFFFFE30] =	vst.add.f32.msk $0xffff, v6  }
0x166: {  	[tilespmem:s20+$0xFFFFFEB0] =	vst.add.f32.msk $0xffff, v6  }
0x167: {  	[tilespmem:s20+$0xFFFFFF30] =	vst.add.f32.msk $0xffff, v6  }
0x168: {  	[tilespmem:s20+$0xFFFFFFB0] =	vst.add.f32.msk $0xffff, v6  }
0x169: {  	[tilespmem:s20+$0xFFFFFE40] =	vst.add.f32.msk $0xffff, v7  }
0x16a: {  	[tilespmem:s20+$0xFFFFFEC0] =	vst.add.f32.msk $0xffff, v7  }
0x16b: {  	[tilespmem:s20+$0xFFFFFF40] =	vst.add.f32.msk $0xffff, v7  }
0x16c: {  	[tilespmem:s20+$0xFFFFFFC0] =	vst.add.f32.msk $0xffff, v7  }
0x16d: {  	[tilespmem:s20+$0xFFFFFE50] =	vst.add.f32.msk $0xffff, v8  }
0x16e: {  	[tilespmem:s20+$0xFFFFFED0] =	vst.add.f32.msk $0xffff, v8  }
0x16f: {  	[tilespmem:s20+$0xFFFFFF50] =	vst.add.f32.msk $0xffff, v8  }
0x170: {  	[tilespmem:s20+$0xFFFFFFD0] =	vst.add.f32.msk $0xffff, v8  }
0x171: {  	[tilespmem:s20+$0xFFFFFE60] =	vst.add.f32.msk $0xffff, v9  }
.Ltmp2:
0x172: {  	[tilespmem:s20+$0xFFFFFEE0] =	vst.add.f32.msk $0xffff, v9;
	(pc) =	sbr.rel @p0 .LBB2_6-.Ltmp2, $4  }
0x173: {  	[tilespmem:s20+$0xFFFFFF60] =	vst.add.f32.msk $0xffff, v9  }
0x174: {  	[tilespmem:s20+$0xFFFFFFE0] =	vst.add.f32.msk $0xffff, v9  }
0x175: {  	[tilespmem:s20+$0xFFFFFE70] =	vst.add.f32.msk $0xffff, v3  }
0x176: {  	s23 =	sadd.s32 $0x8, s23;
	[tilespmem:s20+$0xFFFFFEF0] =	vst.add.f32.msk $0xffff, v3  }
0x177: {  	[tilespmem:s20+$0xFFFFFF70] =	vst.add.f32.msk $0xffff, v3  }
0x178: {  	[tilespmem:s20+$0xFFFFFFF0] =	vst.add.f32.msk $0xffff, v3  }
0x179: {  	[tilespmem:s20+$0xFFFFFE80] =	vst.add.f32.msk $0xffff, v2  }
0x17a: {  	[tilespmem:s20+$0xFFFFFF00] =	vst.add.f32.msk $0xffff, v2  }
0x17b: {  	[tilespmem:s20+$0xFFFFFF80] =	vst.add.f32.msk $0xffff, v2  }
0x17c: {  	s20 =	simm.s32 $0x0;
	s21 =	rddreg [dreg:$0xd]  }
0x17d: {  	[hbm4b:s21+s20] =	stream.linear.scatter [tilespmem:s13], [sflag:$0x9], $0x8000, $0x38;
	[tilespmem:$0x1E400] =	vst v63  }
0x17e: {  	v2 =	vld.msk [tilespmem:$0x280], $0xff;
	_ =	sdelay $0x4  }
0x17f: {  	v3 =	vshll.u32 v2, $0x3  }
0x180: {  	v2 =	vand.u32 $0x7, v2;
	v3 =	vand.u32 $0xFFFFFFC0, v3  }
0x181: {  	v2 =	vor.u32 v2, v3  }
0x182: {  	v2 =	vperm.xlane v2, v0;
	_ =	sdelay $0x1  }
0x183: {  	v2 =	vadd.s32 v1, v2;
	_ =	sdelay $0x3  }
0x184: {  	s24 =	simm.s32 $0x4400  }
0x185: {  	[tilespmem:s24], [sflag:$0x3] =	stream.indirect_vreg.gather [hbm4b:s1+s20], $0x80, v2, vm0, $0xb8;
	[tilespmem:$0x1E400] =	vst v63  }
0x186: {  	s22 =	simm.s32 $0x4C00  }
0x187: {  	[tilespmem:s22], [sflag:$0x3] =	stream.indirect_vreg.gather [hbm4b:s6+s20], $0x80, v2, vm0, $0xb8;
	[tilespmem:$0x1E400] =	vst v63  }
0x188: {  	s23 =	simm.s32 $0x5400  }
0x189: {  	[tilespmem:s23], [sflag:$0x3] =	stream.indirect_vreg.gather [hbm4b:s7+s20], $0x80, v2, vm0, $0xb8;
	[tilespmem:$0x1E400] =	vst v63  }
0x18a: {  	s24 =	simm.s32 $0x5C00  }
0x18b: {  	[tilespmem:s24], [sflag:$0x3] =	stream.indirect_vreg.gather [hbm4b:s8+s20], $0x80, v2, vm0, $0xb8;
	[tilespmem:$0x1E400] =	vst v63  }
0x18c: {  	_ =	swait.ge [sflag:s12], $0x8000  }
0x18d: {  	[sflag:s12] =	ssyncset.done $0x0  }
0x18e: {  	s22 =	rddreg [dreg:$0xe];
	[sflag:s12] =	ssyncadd.s32 $0xFFFF8000  }
0x18f: {  	[tilespmem:s13], [sflag:$0x6] =	stream.linear.gather [hbm4b:s22+s20], $0x8000, $0x38;
	[tilespmem:$0x1E400] =	vst v63  }
0x190: {  	_ =	swait.ge [sflag:s14], $0x2000  }
0x191: {  	s23 =	simm.s32 $0x0;
	[sflag:s14] =	ssyncset.done $0x0  }
0x192: {  	s20 =	smul.u32 $0xFFFF8200, s23;
	[sflag:s14] =	ssyncadd.s32 $0xFFFFE000  }
0x193: {  	_ =	swait.ge [sflag:s15], $0x8000  }
0x194: {  	s20 =	sshra.s32 s20, $0x2;
	[sflag:s15] =	ssyncset.done $0x0  }
0x195: {  	s24 =	sadd.s32 $0x400, s20;
	[sflag:s15] =	ssyncadd.s32 $0xFFFF8000  }
0x196: {  	v2 =	vld [tilespmem:s24+$0x70]  }
0x197: {  	v4 =	vld [tilespmem:s24+$0x0]  }
0x198: {  	v5 =	vld [tilespmem:s24+$0x10]  }
0x199: {  	v6 =	vld [tilespmem:s24+$0x20]  }
0x19a: {  	v7 =	vld [tilespmem:s24+$0x30]  }
0x19b: {  	v8 =	vld [tilespmem:s24+$0x40]  }
0x19c: {  	v9 =	vld [tilespmem:s24+$0x50]  }
0x19d: {  	s20 =	simm.s32 $0x65F0;
	v3 =	vld [tilespmem:s24+$0x60]  }
0x19e: {  	[tilespmem:s20+$0x0] =	vst.add.f32.msk $0xffff, v2  }
0x19f: {  	[tilespmem:s20+$0xFFFFFE10] =	vst.add.f32.msk $0xffff, v4  }
0x1a0: {  	[tilespmem:s20+$0xFFFFFE90] =	vst.add.f32.msk $0xffff, v4  }
0x1a1: {  	[tilespmem:s20+$0xFFFFFF10] =	vst.add.f32.msk $0xffff, v4  }
0x1a2: {  	[tilespmem:s20+$0xFFFFFF90] =	vst.add.f32.msk $0xffff, v4  }
0x1a3: {  	[tilespmem:s20+$0xFFFFFE20] =	vst.add.f32.msk $0xffff, v5  }
0x1a4: {  	[tilespmem:s20+$0xFFFFFEA0] =	vst.add.f32.msk $0xffff, v5  }
0x1a5: {  	[tilespmem:s20+$0xFFFFFF20] =	vst.add.f32.msk $0xffff, v5  }
0x1a6: {  	[tilespmem:s20+$0xFFFFFFA0] =	vst.add.f32.msk $0xffff, v5  }
0x1a7: {  	[tilespmem:s20+$0xFFFFFE30] =	vst.add.f32.msk $0xffff, v6  }
0x1a8: {  	[tilespmem:s20+$0xFFFFFEB0] =	vst.add.f32.msk $0xffff, v6  }
0x1a9: {  	[tilespmem:s20+$0xFFFFFF30] =	vst.add.f32.msk $0xffff, v6  }
0x1aa: {  	[tilespmem:s20+$0xFFFFFFB0] =	vst.add.f32.msk $0xffff, v6  }
0x1ab: {  	[tilespmem:s20+$0xFFFFFE40] =	vst.add.f32.msk $0xffff, v7  }
0x1ac: {  	[tilespmem:s20+$0xFFFFFEC0] =	vst.add.f32.msk $0xffff, v7  }
0x1ad: {  	[tilespmem:s20+$0xFFFFFF40] =	vst.add.f32.msk $0xffff, v7  }
0x1ae: {  	[tilespmem:s20+$0xFFFFFFC0] =	vst.add.f32.msk $0xffff, v7  }
0x1af: {  	[tilespmem:s20+$0xFFFFFE50] =	vst.add.f32.msk $0xffff, v8  }
0x1b0: {  	[tilespmem:s20+$0xFFFFFED0] =	vst.add.f32.msk $0xffff, v8  }
0x1b1: {  	[tilespmem:s20+$0xFFFFFF50] =	vst.add.f32.msk $0xffff, v8  }
0x1b2: {  	[tilespmem:s20+$0xFFFFFFD0] =	vst.add.f32.msk $0xffff, v8  }
0x1b3: {  	[tilespmem:s20+$0xFFFFFE60] =	vst.add.f32.msk $0xffff, v9  }
0x1b4: {  	[tilespmem:s20+$0xFFFFFEE0] =	vst.add.f32.msk $0xffff, v9  }
0x1b5: {  	[tilespmem:s20+$0xFFFFFF60] =	vst.add.f32.msk $0xffff, v9  }
0x1b6: {  	[tilespmem:s20+$0xFFFFFFE0] =	vst.add.f32.msk $0xffff, v9  }
0x1b7: {  	[tilespmem:s20+$0xFFFFFE70] =	vst.add.f32.msk $0xffff, v3  }
0x1b8: {  	s21 =	simm.s32 $0x400;
	s22 =	simm.s32 $0x0;
	s23 =	simm.s32 $0x8;
	[tilespmem:s20+$0xFFFFFEF0] =	vst.add.f32.msk $0xffff, v3  }
.LBB2_8:
0x1b9: {  	s24 =	sshrl.u32 s23, $0x6;
	s22 =	sadd.s32 $0x8, s22;
	[tilespmem:s20+$0xFFFFFF70] =	vst.add.f32.msk $0xffff, v3  }
0x1ba: {  	s24 =	smul.u32 $0xFFFF8200, s24;
	p0 =	slt.u32 s22, $0x1F8;
	[tilespmem:s20+$0xFFFFFFF0] =	vst.add.f32.msk $0xffff, v3  }
0x1bb: {  	[tilespmem:s20+$0xFFFFFE80] =	vst.add.f32.msk $0xffff, v2  }
0x1bc: {  	s21 =	sadd.s32 $0x400, s21;
	s24 =	sshra.s32 s24, $0x2;
	[tilespmem:s20+$0xFFFFFF00] =	vst.add.f32.msk $0xffff, v2  }
0x1bd: {  	s24 =	sadd.s32 s24, s21;
	[tilespmem:s20+$0xFFFFFF80] =	vst.add.f32.msk $0xffff, v2  }
0x1be: {  	v2 =	vld [tilespmem:s24+$0x70]  }
0x1bf: {  	v4 =	vld [tilespmem:s24+$0x0]  }
0x1c0: {  	v5 =	vld [tilespmem:s24+$0x10]  }
0x1c1: {  	v6 =	vld [tilespmem:s24+$0x20]  }
0x1c2: {  	s20 =	sadd.s32 $0x200, s20;
	v7 =	vld [tilespmem:s24+$0x30]  }
0x1c3: {  	[tilespmem:s20+$0x0] =	vst.add.f32.msk $0xffff, v2  }
0x1c4: {  	v8 =	vld [tilespmem:s24+$0x40]  }
0x1c5: {  	v9 =	vld [tilespmem:s24+$0x50]  }
0x1c6: {  	v3 =	vld [tilespmem:s24+$0x60]  }
0x1c7: {  	[tilespmem:s20+$0xFFFFFE10] =	vst.add.f32.msk $0xffff, v4  }
0x1c8: {  	[tilespmem:s20+$0xFFFFFE90] =	vst.add.f32.msk $0xffff, v4  }
0x1c9: {  	[tilespmem:s20+$0xFFFFFF10] =	vst.add.f32.msk $0xffff, v4  }
0x1ca: {  	[tilespmem:s20+$0xFFFFFF90] =	vst.add.f32.msk $0xffff, v4  }
0x1cb: {  	[tilespmem:s20+$0xFFFFFE20] =	vst.add.f32.msk $0xffff, v5  }
0x1cc: {  	[tilespmem:s20+$0xFFFFFEA0] =	vst.add.f32.msk $0xffff, v5  }
0x1cd: {  	[tilespmem:s20+$0xFFFFFF20] =	vst.add.f32.msk $0xffff, v5  }
0x1ce: {  	[tilespmem:s20+$0xFFFFFFA0] =	vst.add.f32.msk $0xffff, v5  }
0x1cf: {  	[tilespmem:s20+$0xFFFFFE30] =	vst.add.f32.msk $0xffff, v6  }
0x1d0: {  	[tilespmem:s20+$0xFFFFFEB0] =	vst.add.f32.msk $0xffff, v6  }
0x1d1: {  	[tilespmem:s20+$0xFFFFFF30] =	vst.add.f32.msk $0xffff, v6  }
0x1d2: {  	[tilespmem:s20+$0xFFFFFFB0] =	vst.add.f32.msk $0xffff, v6  }
0x1d3: {  	[tilespmem:s20+$0xFFFFFE40] =	vst.add.f32.msk $0xffff, v7  }
0x1d4: {  	[tilespmem:s20+$0xFFFFFEC0] =	vst.add.f32.msk $0xffff, v7  }
0x1d5: {  	[tilespmem:s20+$0xFFFFFF40] =	vst.add.f32.msk $0xffff, v7  }
0x1d6: {  	[tilespmem:s20+$0xFFFFFFC0] =	vst.add.f32.msk $0xffff, v7  }
0x1d7: {  	[tilespmem:s20+$0xFFFFFE50] =	vst.add.f32.msk $0xffff, v8  }
0x1d8: {  	[tilespmem:s20+$0xFFFFFED0] =	vst.add.f32.msk $0xffff, v8  }
0x1d9: {  	[tilespmem:s20+$0xFFFFFF50] =	vst.add.f32.msk $0xffff, v8  }
0x1da: {  	[tilespmem:s20+$0xFFFFFFD0] =	vst.add.f32.msk $0xffff, v8  }
0x1db: {  	[tilespmem:s20+$0xFFFFFE60] =	vst.add.f32.msk $0xffff, v9  }
.Ltmp3:
0x1dc: {  	[tilespmem:s20+$0xFFFFFEE0] =	vst.add.f32.msk $0xffff, v9;
	(pc) =	sbr.rel @p0 .LBB2_8-.Ltmp3, $4  }
0x1dd: {  	[tilespmem:s20+$0xFFFFFF60] =	vst.add.f32.msk $0xffff, v9  }
0x1de: {  	[tilespmem:s20+$0xFFFFFFE0] =	vst.add.f32.msk $0xffff, v9  }
0x1df: {  	[tilespmem:s20+$0xFFFFFE70] =	vst.add.f32.msk $0xffff, v3  }
0x1e0: {  	s23 =	sadd.s32 $0x8, s23;
	[tilespmem:s20+$0xFFFFFEF0] =	vst.add.f32.msk $0xffff, v3  }
0x1e1: {  	[tilespmem:s20+$0xFFFFFF70] =	vst.add.f32.msk $0xffff, v3  }
0x1e2: {  	[tilespmem:s20+$0xFFFFFFF0] =	vst.add.f32.msk $0xffff, v3  }
0x1e3: {  	[tilespmem:s20+$0xFFFFFE80] =	vst.add.f32.msk $0xffff, v2  }
0x1e4: {  	[tilespmem:s20+$0xFFFFFF00] =	vst.add.f32.msk $0xffff, v2  }
0x1e5: {  	[tilespmem:s20+$0xFFFFFF80] =	vst.add.f32.msk $0xffff, v2  }
0x1e6: {  	s21 =	simm.s32 $0x0;
	s20 =	rddreg [dreg:$0xf]  }
0x1e7: {  	[hbm4b:s20+s21] =	stream.linear.scatter [tilespmem:s25], [sflag:$0x7], $0x8000, $0x38;
	[tilespmem:$0x1E400] =	vst v63  }
0x1e8: {  	v2 =	vld.msk [tilespmem:$0x300], $0xff;
	_ =	sdelay $0x4  }
0x1e9: {  	v3 =	vshll.u32 v2, $0x3  }
0x1ea: {  	v2 =	vand.u32 $0x7, v2;
	v3 =	vand.u32 $0xFFFFFFC0, v3  }
0x1eb: {  	v2 =	vor.u32 v2, v3  }
0x1ec: {  	v2 =	vperm.xlane v2, v0;
	_ =	sdelay $0x1  }
0x1ed: {  	v2 =	vadd.s32 v1, v2;
	_ =	sdelay $0x3  }
0x1ee: {  	s20 =	simm.s32 $0x400  }
0x1ef: {  	[tilespmem:s20], [sflag:$0x1] =	stream.indirect_vreg.gather [hbm4b:s1+s21], $0x80, v2, vm0, $0xb8;
	[tilespmem:$0x1E400] =	vst v63  }
0x1f0: {  	_ = 	snop  }
0x1f1: {  	[tilespmem:s28], [sflag:$0x1] =	stream.indirect_vreg.gather [hbm4b:s6+s21], $0x80, v2, vm0, $0xb8;
	[tilespmem:$0x1E400] =	vst v63  }
0x1f2: {  	_ = 	snop  }
0x1f3: {  	[tilespmem:s29], [sflag:$0x1] =	stream.indirect_vreg.gather [hbm4b:s7+s21], $0x80, v2, vm0, $0xb8;
	[tilespmem:$0x1E400] =	vst v63  }
0x1f4: {  	_ = 	snop  }
0x1f5: {  	[tilespmem:s30], [sflag:$0x1] =	stream.indirect_vreg.gather [hbm4b:s8+s21], $0x80, v2, vm0, $0xb8;
	[tilespmem:$0x1E400] =	vst v63  }
0x1f6: {  	_ =	swait.ge [sflag:s16], $0x8000  }
0x1f7: {  	[sflag:s16] =	ssyncset.done $0x0  }
0x1f8: {  	s22 =	rddreg [dreg:$0x10];
	[sflag:s16] =	ssyncadd.s32 $0xFFFF8000  }
0x1f9: {  	[tilespmem:s25], [sflag:$0x4] =	stream.linear.gather [hbm4b:s22+s21], $0x8000, $0x38;
	[tilespmem:$0x1E400] =	vst v63  }
0x1fa: {  	_ =	swait.ge [sflag:s9], $0x2000  }
0x1fb: {  	s23 =	simm.s32 $0x0;
	[sflag:s9] =	ssyncset.done $0x0  }
0x1fc: {  	s21 =	smul.u32 $0xFFFF8200, s23;
	[sflag:s9] =	ssyncadd.s32 $0xFFFFE000  }
0x1fd: {  	_ =	swait.ge [sflag:s17], $0x8000  }
0x1fe: {  	s21 =	sshra.s32 s21, $0x2;
	[sflag:s17] =	ssyncset.done $0x0  }
0x1ff: {  	s24 =	sadd.s32 $0x400, s21;
	[sflag:s17] =	ssyncadd.s32 $0xFFFF8000  }
0x200: {  	v2 =	vld [tilespmem:s24+$0x2070]  }
0x201: {  	v4 =	vld [tilespmem:s24+$0x2000]  }
0x202: {  	v5 =	vld [tilespmem:s24+$0x2010]  }
0x203: {  	v6 =	vld [tilespmem:s24+$0x2020]  }
0x204: {  	v7 =	vld [tilespmem:s24+$0x2030]  }
0x205: {  	v8 =	vld [tilespmem:s24+$0x2040]  }
0x206: {  	v9 =	vld [tilespmem:s24+$0x2050]  }
0x207: {  	s21 =	simm.s32 $0xE5F0;
	v3 =	vld [tilespmem:s24+$0x2060]  }
0x208: {  	[tilespmem:s21+$0x0] =	vst.add.f32.msk $0xffff, v2  }
0x209: {  	[tilespmem:s21+$0xFFFFFE10] =	vst.add.f32.msk $0xffff, v4  }
0x20a: {  	[tilespmem:s21+$0xFFFFFE90] =	vst.add.f32.msk $0xffff, v4  }
0x20b: {  	[tilespmem:s21+$0xFFFFFF10] =	vst.add.f32.msk $0xffff, v4  }
0x20c: {  	[tilespmem:s21+$0xFFFFFF90] =	vst.add.f32.msk $0xffff, v4  }
0x20d: {  	[tilespmem:s21+$0xFFFFFE20] =	vst.add.f32.msk $0xffff, v5  }
0x20e: {  	[tilespmem:s21+$0xFFFFFEA0] =	vst.add.f32.msk $0xffff, v5  }
0x20f: {  	[tilespmem:s21+$0xFFFFFF20] =	vst.add.f32.msk $0xffff, v5  }
0x210: {  	[tilespmem:s21+$0xFFFFFFA0] =	vst.add.f32.msk $0xffff, v5  }
0x211: {  	[tilespmem:s21+$0xFFFFFE30] =	vst.add.f32.msk $0xffff, v6  }
0x212: {  	[tilespmem:s21+$0xFFFFFEB0] =	vst.add.f32.msk $0xffff, v6  }
0x213: {  	[tilespmem:s21+$0xFFFFFF30] =	vst.add.f32.msk $0xffff, v6  }
0x214: {  	[tilespmem:s21+$0xFFFFFFB0] =	vst.add.f32.msk $0xffff, v6  }
0x215: {  	[tilespmem:s21+$0xFFFFFE40] =	vst.add.f32.msk $0xffff, v7  }
0x216: {  	[tilespmem:s21+$0xFFFFFEC0] =	vst.add.f32.msk $0xffff, v7  }
0x217: {  	[tilespmem:s21+$0xFFFFFF40] =	vst.add.f32.msk $0xffff, v7  }
0x218: {  	[tilespmem:s21+$0xFFFFFFC0] =	vst.add.f32.msk $0xffff, v7  }
0x219: {  	[tilespmem:s21+$0xFFFFFE50] =	vst.add.f32.msk $0xffff, v8  }
0x21a: {  	[tilespmem:s21+$0xFFFFFED0] =	vst.add.f32.msk $0xffff, v8  }
0x21b: {  	[tilespmem:s21+$0xFFFFFF50] =	vst.add.f32.msk $0xffff, v8  }
0x21c: {  	[tilespmem:s21+$0xFFFFFFD0] =	vst.add.f32.msk $0xffff, v8  }
0x21d: {  	[tilespmem:s21+$0xFFFFFE60] =	vst.add.f32.msk $0xffff, v9  }
0x21e: {  	[tilespmem:s21+$0xFFFFFEE0] =	vst.add.f32.msk $0xffff, v9  }
0x21f: {  	[tilespmem:s21+$0xFFFFFF60] =	vst.add.f32.msk $0xffff, v9  }
0x220: {  	[tilespmem:s21+$0xFFFFFFE0] =	vst.add.f32.msk $0xffff, v9  }
0x221: {  	[tilespmem:s21+$0xFFFFFE70] =	vst.add.f32.msk $0xffff, v3  }
0x222: {  	s22 =	simm.s32 $0x0;
	s23 =	simm.s32 $0x8;
	[tilespmem:s21+$0xFFFFFEF0] =	vst.add.f32.msk $0xffff, v3  }
.LBB2_10:
0x223: {  	s24 =	sshrl.u32 s23, $0x6;
	s22 =	sadd.s32 $0x8, s22;
	[tilespmem:s21+$0xFFFFFF70] =	vst.add.f32.msk $0xffff, v3  }
0x224: {  	s24 =	smul.u32 $0xFFFF8200, s24;
	p0 =	slt.u32 s22, $0x1F8;
	[tilespmem:s21+$0xFFFFFFF0] =	vst.add.f32.msk $0xffff, v3  }
0x225: {  	[tilespmem:s21+$0xFFFFFE80] =	vst.add.f32.msk $0xffff, v2  }
0x226: {  	s20 =	sadd.s32 $0x400, s20;
	s24 =	sshra.s32 s24, $0x2;
	[tilespmem:s21+$0xFFFFFF00] =	vst.add.f32.msk $0xffff, v2  }
0x227: {  	s24 =	sadd.s32 s24, s20;
	[tilespmem:s21+$0xFFFFFF80] =	vst.add.f32.msk $0xffff, v2  }
0x228: {  	v2 =	vld [tilespmem:s24+$0x2070]  }
0x229: {  	v4 =	vld [tilespmem:s24+$0x2000]  }
0x22a: {  	v5 =	vld [tilespmem:s24+$0x2010]  }
0x22b: {  	v6 =	vld [tilespmem:s24+$0x2020]  }
0x22c: {  	s21 =	sadd.s32 $0x200, s21;
	v7 =	vld [tilespmem:s24+$0x2030]  }
0x22d: {  	[tilespmem:s21+$0x0] =	vst.add.f32.msk $0xffff, v2  }
0x22e: {  	v8 =	vld [tilespmem:s24+$0x2040]  }
0x22f: {  	v9 =	vld [tilespmem:s24+$0x2050]  }
0x230: {  	v3 =	vld [tilespmem:s24+$0x2060]  }
0x231: {  	[tilespmem:s21+$0xFFFFFE10] =	vst.add.f32.msk $0xffff, v4  }
0x232: {  	[tilespmem:s21+$0xFFFFFE90] =	vst.add.f32.msk $0xffff, v4  }
0x233: {  	[tilespmem:s21+$0xFFFFFF10] =	vst.add.f32.msk $0xffff, v4  }
0x234: {  	[tilespmem:s21+$0xFFFFFF90] =	vst.add.f32.msk $0xffff, v4  }
0x235: {  	[tilespmem:s21+$0xFFFFFE20] =	vst.add.f32.msk $0xffff, v5  }
0x236: {  	[tilespmem:s21+$0xFFFFFEA0] =	vst.add.f32.msk $0xffff, v5  }
0x237: {  	[tilespmem:s21+$0xFFFFFF20] =	vst.add.f32.msk $0xffff, v5  }
0x238: {  	[tilespmem:s21+$0xFFFFFFA0] =	vst.add.f32.msk $0xffff, v5  }
0x239: {  	[tilespmem:s21+$0xFFFFFE30] =	vst.add.f32.msk $0xffff, v6  }
0x23a: {  	[tilespmem:s21+$0xFFFFFEB0] =	vst.add.f32.msk $0xffff, v6  }
0x23b: {  	[tilespmem:s21+$0xFFFFFF30] =	vst.add.f32.msk $0xffff, v6  }
0x23c: {  	[tilespmem:s21+$0xFFFFFFB0] =	vst.add.f32.msk $0xffff, v6  }
0x23d: {  	[tilespmem:s21+$0xFFFFFE40] =	vst.add.f32.msk $0xffff, v7  }
0x23e: {  	[tilespmem:s21+$0xFFFFFEC0] =	vst.add.f32.msk $0xffff, v7  }
0x23f: {  	[tilespmem:s21+$0xFFFFFF40] =	vst.add.f32.msk $0xffff, v7  }
0x240: {  	[tilespmem:s21+$0xFFFFFFC0] =	vst.add.f32.msk $0xffff, v7  }
0x241: {  	[tilespmem:s21+$0xFFFFFE50] =	vst.add.f32.msk $0xffff, v8  }
0x242: {  	[tilespmem:s21+$0xFFFFFED0] =	vst.add.f32.msk $0xffff, v8  }
0x243: {  	[tilespmem:s21+$0xFFFFFF50] =	vst.add.f32.msk $0xffff, v8  }
0x244: {  	[tilespmem:s21+$0xFFFFFFD0] =	vst.add.f32.msk $0xffff, v8  }
0x245: {  	[tilespmem:s21+$0xFFFFFE60] =	vst.add.f32.msk $0xffff, v9  }
.Ltmp4:
0x246: {  	[tilespmem:s21+$0xFFFFFEE0] =	vst.add.f32.msk $0xffff, v9;
	(pc) =	sbr.rel @p0 .LBB2_10-.Ltmp4, $4  }
0x247: {  	[tilespmem:s21+$0xFFFFFF60] =	vst.add.f32.msk $0xffff, v9  }
0x248: {  	[tilespmem:s21+$0xFFFFFFE0] =	vst.add.f32.msk $0xffff, v9  }
0x249: {  	[tilespmem:s21+$0xFFFFFE70] =	vst.add.f32.msk $0xffff, v3  }
0x24a: {  	s23 =	sadd.s32 $0x8, s23;
	[tilespmem:s21+$0xFFFFFEF0] =	vst.add.f32.msk $0xffff, v3  }
0x24b: {  	[tilespmem:s21+$0xFFFFFF70] =	vst.add.f32.msk $0xffff, v3  }
0x24c: {  	[tilespmem:s21+$0xFFFFFFF0] =	vst.add.f32.msk $0xffff, v3  }
0x24d: {  	[tilespmem:s21+$0xFFFFFE80] =	vst.add.f32.msk $0xffff, v2  }
0x24e: {  	[tilespmem:s21+$0xFFFFFF00] =	vst.add.f32.msk $0xffff, v2  }
0x24f: {  	[tilespmem:s21+$0xFFFFFF80] =	vst.add.f32.msk $0xffff, v2  }
0x250: {  	s20 =	simm.s32 $0x0;
	s21 =	rddreg [dreg:$0x11]  }
0x251: {  	[hbm4b:s21+s20] =	stream.linear.scatter [tilespmem:s5], [sflag:$0x8], $0x8000, $0x38;
	[tilespmem:$0x1E400] =	vst v63  }
0x252: {  	v2 =	vld.msk [tilespmem:$0x380], $0xff;
	_ =	sdelay $0x4  }
0x253: {  	v3 =	vshll.u32 v2, $0x3  }
0x254: {  	v2 =	vand.u32 $0x7, v2;
	v3 =	vand.u32 $0xFFFFFFC0, v3  }
0x255: {  	v2 =	vor.u32 v2, v3  }
0x256: {  	v2 =	vperm.xlane v2, v0;
	_ =	sdelay $0x1  }
0x257: {  	v2 =	vadd.s32 v1, v2;
	_ =	sdelay $0x4  }
0x258: {  	[tilespmem:s31], [sflag:$0x2] =	stream.indirect_vreg.gather [hbm4b:s1+s20], $0x80, v2, vm0, $0xb8;
	[tilespmem:$0x1E400] =	vst v63  }
0x259: {  	_ = 	snop  }
0x25a: {  	[tilespmem:s0], [sflag:$0x2] =	stream.indirect_vreg.gather [hbm4b:s6+s20], $0x80, v2, vm0, $0xb8;
	[tilespmem:$0x1E400] =	vst v63  }
0x25b: {  	_ = 	snop  }
0x25c: {  	[tilespmem:s2], [sflag:$0x2] =	stream.indirect_vreg.gather [hbm4b:s7+s20], $0x80, v2, vm0, $0xb8;
	[tilespmem:$0x1E400] =	vst v63  }
0x25d: {  	_ = 	snop  }
0x25e: {  	[tilespmem:s4], [sflag:$0x2] =	stream.indirect_vreg.gather [hbm4b:s8+s20], $0x80, v2, vm0, $0xb8;
	[tilespmem:$0x1E400] =	vst v63  }
0x25f: {  	_ =	swait.ge [sflag:s10], $0x8000  }
0x260: {  	[sflag:s10] =	ssyncset.done $0x0  }
0x261: {  	s22 =	rddreg [dreg:$0x12];
	[sflag:s10] =	ssyncadd.s32 $0xFFFF8000  }
0x262: {  	[tilespmem:s5], [sflag:$0x5] =	stream.linear.gather [hbm4b:s22+s20], $0x8000, $0x38;
	[tilespmem:$0x1E400] =	vst v63  }
0x263: {  	_ =	swait.ge [sflag:s11], $0x2000  }
0x264: {  	s23 =	simm.s32 $0x0;
	[sflag:s11] =	ssyncset.done $0x0  }
0x265: {  	s20 =	smul.u32 $0xFFFF8200, s23;
	[sflag:s11] =	ssyncadd.s32 $0xFFFFE000  }
0x266: {  	_ =	swait.ge [sflag:s18], $0x8000  }
0x267: {  	s20 =	sshra.s32 s20, $0x2;
	[sflag:s18] =	ssyncset.done $0x0  }
0x268: {  	s24 =	sadd.s32 $0x400, s20;
	[sflag:s18] =	ssyncadd.s32 $0xFFFF8000  }
0x269: {  	v2 =	vld [tilespmem:s24+$0x4070]  }
0x26a: {  	v4 =	vld [tilespmem:s24+$0x4000]  }
0x26b: {  	v5 =	vld [tilespmem:s24+$0x4010]  }
0x26c: {  	v6 =	vld [tilespmem:s24+$0x4020]  }
0x26d: {  	v7 =	vld [tilespmem:s24+$0x4030]  }
0x26e: {  	v8 =	vld [tilespmem:s24+$0x4040]  }
0x26f: {  	v9 =	vld [tilespmem:s24+$0x4050]  }
0x270: {  	s20 =	simm.s32 $0x165F0;
	v3 =	vld [tilespmem:s24+$0x4060]  }
0x271: {  	[tilespmem:s20+$0x0] =	vst.add.f32.msk $0xffff, v2  }
0x272: {  	[tilespmem:s20+$0xFFFFFE10] =	vst.add.f32.msk $0xffff, v4  }
0x273: {  	[tilespmem:s20+$0xFFFFFE90] =	vst.add.f32.msk $0xffff, v4  }
0x274: {  	[tilespmem:s20+$0xFFFFFF10] =	vst.add.f32.msk $0xffff, v4  }
0x275: {  	[tilespmem:s20+$0xFFFFFF90] =	vst.add.f32.msk $0xffff, v4  }
0x276: {  	[tilespmem:s20+$0xFFFFFE20] =	vst.add.f32.msk $0xffff, v5  }
0x277: {  	[tilespmem:s20+$0xFFFFFEA0] =	vst.add.f32.msk $0xffff, v5  }
0x278: {  	[tilespmem:s20+$0xFFFFFF20] =	vst.add.f32.msk $0xffff, v5  }
0x279: {  	[tilespmem:s20+$0xFFFFFFA0] =	vst.add.f32.msk $0xffff, v5  }
0x27a: {  	[tilespmem:s20+$0xFFFFFE30] =	vst.add.f32.msk $0xffff, v6  }
0x27b: {  	[tilespmem:s20+$0xFFFFFEB0] =	vst.add.f32.msk $0xffff, v6  }
0x27c: {  	[tilespmem:s20+$0xFFFFFF30] =	vst.add.f32.msk $0xffff, v6  }
0x27d: {  	[tilespmem:s20+$0xFFFFFFB0] =	vst.add.f32.msk $0xffff, v6  }
0x27e: {  	[tilespmem:s20+$0xFFFFFE40] =	vst.add.f32.msk $0xffff, v7  }
0x27f: {  	[tilespmem:s20+$0xFFFFFEC0] =	vst.add.f32.msk $0xffff, v7  }
0x280: {  	[tilespmem:s20+$0xFFFFFF40] =	vst.add.f32.msk $0xffff, v7  }
0x281: {  	[tilespmem:s20+$0xFFFFFFC0] =	vst.add.f32.msk $0xffff, v7  }
0x282: {  	[tilespmem:s20+$0xFFFFFE50] =	vst.add.f32.msk $0xffff, v8  }
0x283: {  	[tilespmem:s20+$0xFFFFFED0] =	vst.add.f32.msk $0xffff, v8  }
0x284: {  	[tilespmem:s20+$0xFFFFFF50] =	vst.add.f32.msk $0xffff, v8  }
0x285: {  	[tilespmem:s20+$0xFFFFFFD0] =	vst.add.f32.msk $0xffff, v8  }
0x286: {  	[tilespmem:s20+$0xFFFFFE60] =	vst.add.f32.msk $0xffff, v9  }
0x287: {  	[tilespmem:s20+$0xFFFFFEE0] =	vst.add.f32.msk $0xffff, v9  }
0x288: {  	[tilespmem:s20+$0xFFFFFF60] =	vst.add.f32.msk $0xffff, v9  }
0x289: {  	[tilespmem:s20+$0xFFFFFFE0] =	vst.add.f32.msk $0xffff, v9  }
0x28a: {  	[tilespmem:s20+$0xFFFFFE70] =	vst.add.f32.msk $0xffff, v3  }
0x28b: {  	s21 =	simm.s32 $0x400;
	s22 =	simm.s32 $0x0;
	s23 =	simm.s32 $0x8;
	[tilespmem:s20+$0xFFFFFEF0] =	vst.add.f32.msk $0xffff, v3  }
.LBB2_12:
0x28c: {  	s24 =	sshrl.u32 s23, $0x6;
	s22 =	sadd.s32 $0x8, s22;
	[tilespmem:s20+$0xFFFFFF70] =	vst.add.f32.msk $0xffff, v3  }
0x28d: {  	s24 =	smul.u32 $0xFFFF8200, s24;
	p0 =	slt.u32 s22, $0x1F8;
	[tilespmem:s20+$0xFFFFFFF0] =	vst.add.f32.msk $0xffff, v3  }
0x28e: {  	[tilespmem:s20+$0xFFFFFE80] =	vst.add.f32.msk $0xffff, v2  }
0x28f: {  	s21 =	sadd.s32 $0x400, s21;
	s24 =	sshra.s32 s24, $0x2;
	[tilespmem:s20+$0xFFFFFF00] =	vst.add.f32.msk $0xffff, v2  }
0x290: {  	s24 =	sadd.s32 s24, s21;
	[tilespmem:s20+$0xFFFFFF80] =	vst.add.f32.msk $0xffff, v2  }
0x291: {  	v2 =	vld [tilespmem:s24+$0x4070]  }
0x292: {  	v4 =	vld [tilespmem:s24+$0x4000]  }
0x293: {  	v5 =	vld [tilespmem:s24+$0x4010]  }
0x294: {  	v6 =	vld [tilespmem:s24+$0x4020]  }
0x295: {  	s20 =	sadd.s32 $0x200, s20;
	v7 =	vld [tilespmem:s24+$0x4030]  }
0x296: {  	[tilespmem:s20+$0x0] =	vst.add.f32.msk $0xffff, v2  }
0x297: {  	v8 =	vld [tilespmem:s24+$0x4040]  }
0x298: {  	v9 =	vld [tilespmem:s24+$0x4050]  }
0x299: {  	v3 =	vld [tilespmem:s24+$0x4060]  }
0x29a: {  	[tilespmem:s20+$0xFFFFFE10] =	vst.add.f32.msk $0xffff, v4  }
0x29b: {  	[tilespmem:s20+$0xFFFFFE90] =	vst.add.f32.msk $0xffff, v4  }
0x29c: {  	[tilespmem:s20+$0xFFFFFF10] =	vst.add.f32.msk $0xffff, v4  }
0x29d: {  	[tilespmem:s20+$0xFFFFFF90] =	vst.add.f32.msk $0xffff, v4  }
0x29e: {  	[tilespmem:s20+$0xFFFFFE20] =	vst.add.f32.msk $0xffff, v5  }
0x29f: {  	[tilespmem:s20+$0xFFFFFEA0] =	vst.add.f32.msk $0xffff, v5  }
0x2a0: {  	[tilespmem:s20+$0xFFFFFF20] =	vst.add.f32.msk $0xffff, v5  }
0x2a1: {  	[tilespmem:s20+$0xFFFFFFA0] =	vst.add.f32.msk $0xffff, v5  }
0x2a2: {  	[tilespmem:s20+$0xFFFFFE30] =	vst.add.f32.msk $0xffff, v6  }
0x2a3: {  	[tilespmem:s20+$0xFFFFFEB0] =	vst.add.f32.msk $0xffff, v6  }
0x2a4: {  	[tilespmem:s20+$0xFFFFFF30] =	vst.add.f32.msk $0xffff, v6  }
0x2a5: {  	[tilespmem:s20+$0xFFFFFFB0] =	vst.add.f32.msk $0xffff, v6  }
0x2a6: {  	[tilespmem:s20+$0xFFFFFE40] =	vst.add.f32.msk $0xffff, v7  }
0x2a7: {  	[tilespmem:s20+$0xFFFFFEC0] =	vst.add.f32.msk $0xffff, v7  }
0x2a8: {  	[tilespmem:s20+$0xFFFFFF40] =	vst.add.f32.msk $0xffff, v7  }
0x2a9: {  	[tilespmem:s20+$0xFFFFFFC0] =	vst.add.f32.msk $0xffff, v7  }
0x2aa: {  	[tilespmem:s20+$0xFFFFFE50] =	vst.add.f32.msk $0xffff, v8  }
0x2ab: {  	[tilespmem:s20+$0xFFFFFED0] =	vst.add.f32.msk $0xffff, v8  }
0x2ac: {  	[tilespmem:s20+$0xFFFFFF50] =	vst.add.f32.msk $0xffff, v8  }
0x2ad: {  	[tilespmem:s20+$0xFFFFFFD0] =	vst.add.f32.msk $0xffff, v8  }
0x2ae: {  	[tilespmem:s20+$0xFFFFFE60] =	vst.add.f32.msk $0xffff, v9  }
.Ltmp5:
0x2af: {  	[tilespmem:s20+$0xFFFFFEE0] =	vst.add.f32.msk $0xffff, v9;
	(pc) =	sbr.rel @p0 .LBB2_12-.Ltmp5, $4  }
0x2b0: {  	[tilespmem:s20+$0xFFFFFF60] =	vst.add.f32.msk $0xffff, v9  }
0x2b1: {  	[tilespmem:s20+$0xFFFFFFE0] =	vst.add.f32.msk $0xffff, v9  }
0x2b2: {  	[tilespmem:s20+$0xFFFFFE70] =	vst.add.f32.msk $0xffff, v3  }
0x2b3: {  	s23 =	sadd.s32 $0x8, s23;
	[tilespmem:s20+$0xFFFFFEF0] =	vst.add.f32.msk $0xffff, v3  }
0x2b4: {  	[tilespmem:s20+$0xFFFFFF70] =	vst.add.f32.msk $0xffff, v3  }
0x2b5: {  	[tilespmem:s20+$0xFFFFFFF0] =	vst.add.f32.msk $0xffff, v3  }
0x2b6: {  	[tilespmem:s20+$0xFFFFFE80] =	vst.add.f32.msk $0xffff, v2  }
0x2b7: {  	[tilespmem:s20+$0xFFFFFF00] =	vst.add.f32.msk $0xffff, v2  }
0x2b8: {  	[tilespmem:s20+$0xFFFFFF80] =	vst.add.f32.msk $0xffff, v2  }
0x2b9: {  	s22 =	simm.s32 $0x0;
	s21 =	rddreg [dreg:$0x13]  }
0x2ba: {  	[hbm4b:s21+s22] =	stream.linear.scatter [tilespmem:s13], [sflag:$0x9], $0x8000, $0x38;
	[tilespmem:$0x1E400] =	vst v63  }
0x2bb: {  	_ =	swait.ge [sflag:s14], $0x2000  }
0x2bc: {  	s23 =	simm.s32 $0x0;
	[sflag:s14] =	ssyncset.done $0x0  }
0x2bd: {  	s20 =	smul.u32 $0xFFFF8200, s23;
	[sflag:s14] =	ssyncadd.s32 $0xFFFFE000  }
0x2be: {  	_ =	swait.ge [sflag:s15], $0x8000  }
0x2bf: {  	s20 =	sshra.s32 s20, $0x2;
	[sflag:s15] =	ssyncset.done $0x0  }
0x2c0: {  	s24 =	sadd.s32 $0x400, s20;
	[sflag:s15] =	ssyncadd.s32 $0xFFFF8000  }
0x2c1: {  	v2 =	vld [tilespmem:s24+$0x70]  }
0x2c2: {  	v4 =	vld [tilespmem:s24+$0x0]  }
0x2c3: {  	v5 =	vld [tilespmem:s24+$0x10]  }
0x2c4: {  	v6 =	vld [tilespmem:s24+$0x20]  }
0x2c5: {  	v7 =	vld [tilespmem:s24+$0x30]  }
0x2c6: {  	v8 =	vld [tilespmem:s24+$0x40]  }
0x2c7: {  	v9 =	vld [tilespmem:s24+$0x50]  }
0x2c8: {  	s20 =	simm.s32 $0x65F0;
	v3 =	vld [tilespmem:s24+$0x60]  }
0x2c9: {  	[tilespmem:s20+$0x0] =	vst.add.f32.msk $0xffff, v2  }
0x2ca: {  	[tilespmem:s20+$0xFFFFFE10] =	vst.add.f32.msk $0xffff, v4  }
0x2cb: {  	[tilespmem:s20+$0xFFFFFE90] =	vst.add.f32.msk $0xffff, v4  }
0x2cc: {  	[tilespmem:s20+$0xFFFFFF10] =	vst.add.f32.msk $0xffff, v4  }
0x2cd: {  	[tilespmem:s20+$0xFFFFFF90] =	vst.add.f32.msk $0xffff, v4  }
0x2ce: {  	[tilespmem:s20+$0xFFFFFE20] =	vst.add.f32.msk $0xffff, v5  }
0x2cf: {  	[tilespmem:s20+$0xFFFFFEA0] =	vst.add.f32.msk $0xffff, v5  }
0x2d0: {  	[tilespmem:s20+$0xFFFFFF20] =	vst.add.f32.msk $0xffff, v5  }
0x2d1: {  	[tilespmem:s20+$0xFFFFFFA0] =	vst.add.f32.msk $0xffff, v5  }
0x2d2: {  	[tilespmem:s20+$0xFFFFFE30] =	vst.add.f32.msk $0xffff, v6  }
0x2d3: {  	[tilespmem:s20+$0xFFFFFEB0] =	vst.add.f32.msk $0xffff, v6  }
0x2d4: {  	[tilespmem:s20+$0xFFFFFF30] =	vst.add.f32.msk $0xffff, v6  }
0x2d5: {  	[tilespmem:s20+$0xFFFFFFB0] =	vst.add.f32.msk $0xffff, v6  }
0x2d6: {  	[tilespmem:s20+$0xFFFFFE40] =	vst.add.f32.msk $0xffff, v7  }
0x2d7: {  	[tilespmem:s20+$0xFFFFFEC0] =	vst.add.f32.msk $0xffff, v7  }
0x2d8: {  	[tilespmem:s20+$0xFFFFFF40] =	vst.add.f32.msk $0xffff, v7  }
0x2d9: {  	[tilespmem:s20+$0xFFFFFFC0] =	vst.add.f32.msk $0xffff, v7  }
0x2da: {  	[tilespmem:s20+$0xFFFFFE50] =	vst.add.f32.msk $0xffff, v8  }
0x2db: {  	[tilespmem:s20+$0xFFFFFED0] =	vst.add.f32.msk $0xffff, v8  }
0x2dc: {  	[tilespmem:s20+$0xFFFFFF50] =	vst.add.f32.msk $0xffff, v8  }
0x2dd: {  	[tilespmem:s20+$0xFFFFFFD0] =	vst.add.f32.msk $0xffff, v8  }
0x2de: {  	[tilespmem:s20+$0xFFFFFE60] =	vst.add.f32.msk $0xffff, v9  }
0x2df: {  	[tilespmem:s20+$0xFFFFFEE0] =	vst.add.f32.msk $0xffff, v9  }
0x2e0: {  	[tilespmem:s20+$0xFFFFFF60] =	vst.add.f32.msk $0xffff, v9  }
0x2e1: {  	[tilespmem:s20+$0xFFFFFFE0] =	vst.add.f32.msk $0xffff, v9  }
0x2e2: {  	[tilespmem:s20+$0xFFFFFE70] =	vst.add.f32.msk $0xffff, v3  }
0x2e3: {  	s23 =	simm.s32 $0x8;
	s21 =	simm.s32 $0x400;
	s22 =	simm.s32 $0x0;
	[tilespmem:s20+$0xFFFFFEF0] =	vst.add.f32.msk $0xffff, v3  }
.LBB2_14:
0x2e4: {  	s24 =	sshrl.u32 s23, $0x6;
	s22 =	sadd.s32 $0x8, s22;
	[tilespmem:s20+$0xFFFFFF70] =	vst.add.f32.msk $0xffff, v3  }
0x2e5: {  	s24 =	smul.u32 $0xFFFF8200, s24;
	p0 =	slt.u32 s22, $0x1F8;
	[tilespmem:s20+$0xFFFFFFF0] =	vst.add.f32.msk $0xffff, v3  }
0x2e6: {  	[tilespmem:s20+$0xFFFFFE80] =	vst.add.f32.msk $0xffff, v2  }
0x2e7: {  	s21 =	sadd.s32 $0x400, s21;
	s24 =	sshra.s32 s24, $0x2;
	[tilespmem:s20+$0xFFFFFF00] =	vst.add.f32.msk $0xffff, v2  }
0x2e8: {  	s24 =	sadd.s32 s24, s21;
	[tilespmem:s20+$0xFFFFFF80] =	vst.add.f32.msk $0xffff, v2  }
0x2e9: {  	v2 =	vld [tilespmem:s24+$0x70]  }
0x2ea: {  	v4 =	vld [tilespmem:s24+$0x0]  }
0x2eb: {  	v5 =	vld [tilespmem:s24+$0x10]  }
0x2ec: {  	v6 =	vld [tilespmem:s24+$0x20]  }
0x2ed: {  	s20 =	sadd.s32 $0x200, s20;
	v7 =	vld [tilespmem:s24+$0x30]  }
0x2ee: {  	[tilespmem:s20+$0x0] =	vst.add.f32.msk $0xffff, v2  }
0x2ef: {  	v8 =	vld [tilespmem:s24+$0x40]  }
0x2f0: {  	v9 =	vld [tilespmem:s24+$0x50]  }
0x2f1: {  	v3 =	vld [tilespmem:s24+$0x60]  }
0x2f2: {  	[tilespmem:s20+$0xFFFFFE10] =	vst.add.f32.msk $0xffff, v4  }
0x2f3: {  	[tilespmem:s20+$0xFFFFFE90] =	vst.add.f32.msk $0xffff, v4  }
0x2f4: {  	[tilespmem:s20+$0xFFFFFF10] =	vst.add.f32.msk $0xffff, v4  }
0x2f5: {  	[tilespmem:s20+$0xFFFFFF90] =	vst.add.f32.msk $0xffff, v4  }
0x2f6: {  	[tilespmem:s20+$0xFFFFFE20] =	vst.add.f32.msk $0xffff, v5  }
0x2f7: {  	[tilespmem:s20+$0xFFFFFEA0] =	vst.add.f32.msk $0xffff, v5  }
0x2f8: {  	[tilespmem:s20+$0xFFFFFF20] =	vst.add.f32.msk $0xffff, v5  }
0x2f9: {  	[tilespmem:s20+$0xFFFFFFA0] =	vst.add.f32.msk $0xffff, v5  }
0x2fa: {  	[tilespmem:s20+$0xFFFFFE30] =	vst.add.f32.msk $0xffff, v6  }
0x2fb: {  	[tilespmem:s20+$0xFFFFFEB0] =	vst.add.f32.msk $0xffff, v6  }
0x2fc: {  	[tilespmem:s20+$0xFFFFFF30] =	vst.add.f32.msk $0xffff, v6  }
0x2fd: {  	[tilespmem:s20+$0xFFFFFFB0] =	vst.add.f32.msk $0xffff, v6  }
0x2fe: {  	[tilespmem:s20+$0xFFFFFE40] =	vst.add.f32.msk $0xffff, v7  }
0x2ff: {  	[tilespmem:s20+$0xFFFFFEC0] =	vst.add.f32.msk $0xffff, v7  }
0x300: {  	[tilespmem:s20+$0xFFFFFF40] =	vst.add.f32.msk $0xffff, v7  }
0x301: {  	[tilespmem:s20+$0xFFFFFFC0] =	vst.add.f32.msk $0xffff, v7  }
0x302: {  	[tilespmem:s20+$0xFFFFFE50] =	vst.add.f32.msk $0xffff, v8  }
0x303: {  	[tilespmem:s20+$0xFFFFFED0] =	vst.add.f32.msk $0xffff, v8  }
0x304: {  	[tilespmem:s20+$0xFFFFFF50] =	vst.add.f32.msk $0xffff, v8  }
0x305: {  	[tilespmem:s20+$0xFFFFFFD0] =	vst.add.f32.msk $0xffff, v8  }
0x306: {  	[tilespmem:s20+$0xFFFFFE60] =	vst.add.f32.msk $0xffff, v9  }
.Ltmp6:
0x307: {  	[tilespmem:s20+$0xFFFFFEE0] =	vst.add.f32.msk $0xffff, v9;
	(pc) =	sbr.rel @p0 .LBB2_14-.Ltmp6, $4  }
0x308: {  	[tilespmem:s20+$0xFFFFFF60] =	vst.add.f32.msk $0xffff, v9  }
0x309: {  	[tilespmem:s20+$0xFFFFFFE0] =	vst.add.f32.msk $0xffff, v9  }
0x30a: {  	[tilespmem:s20+$0xFFFFFE70] =	vst.add.f32.msk $0xffff, v3  }
0x30b: {  	s23 =	sadd.s32 $0x8, s23;
	[tilespmem:s20+$0xFFFFFEF0] =	vst.add.f32.msk $0xffff, v3  }
0x30c: {  	[tilespmem:s20+$0xFFFFFF70] =	vst.add.f32.msk $0xffff, v3  }
0x30d: {  	[tilespmem:s20+$0xFFFFFFF0] =	vst.add.f32.msk $0xffff, v3  }
0x30e: {  	[tilespmem:s20+$0xFFFFFE80] =	vst.add.f32.msk $0xffff, v2  }
0x30f: {  	[tilespmem:s20+$0xFFFFFF00] =	vst.add.f32.msk $0xffff, v2  }
0x310: {  	[tilespmem:s20+$0xFFFFFF80] =	vst.add.f32.msk $0xffff, v2  }
0x311: {  	s22 =	simm.s32 $0x0;
	s21 =	rddreg [dreg:$0x14]  }
0x312: {  	[hbm4b:s21+s22] =	stream.linear.scatter [tilespmem:s25], [sflag:$0x7], $0x8000, $0x38;
	[tilespmem:$0x1E400] =	vst v63  }
0x313: {  	_ =	swait.ge [sflag:s9], $0x2000  }
0x314: {  	s23 =	simm.s32 $0x0;
	[sflag:s9] =	ssyncset.done $0x0  }
0x315: {  	s20 =	smul.u32 $0xFFFF8200, s23;
	[sflag:s9] =	ssyncadd.s32 $0xFFFFE000  }
0x316: {  	_ =	swait.ge [sflag:s17], $0x8000  }
0x317: {  	s20 =	sshra.s32 s20, $0x2;
	[sflag:s17] =	ssyncset.done $0x0  }
0x318: {  	s24 =	sadd.s32 $0x400, s20;
	[sflag:s17] =	ssyncadd.s32 $0xFFFF8000  }
0x319: {  	v2 =	vld [tilespmem:s24+$0x2070]  }
0x31a: {  	v4 =	vld [tilespmem:s24+$0x2000]  }
0x31b: {  	v5 =	vld [tilespmem:s24+$0x2010]  }
0x31c: {  	v6 =	vld [tilespmem:s24+$0x2020]  }
0x31d: {  	v7 =	vld [tilespmem:s24+$0x2030]  }
0x31e: {  	v8 =	vld [tilespmem:s24+$0x2040]  }
0x31f: {  	v9 =	vld [tilespmem:s24+$0x2050]  }
0x320: {  	s20 =	simm.s32 $0xE5F0;
	v3 =	vld [tilespmem:s24+$0x2060]  }
0x321: {  	[tilespmem:s20+$0x0] =	vst.add.f32.msk $0xffff, v2  }
0x322: {  	[tilespmem:s20+$0xFFFFFE10] =	vst.add.f32.msk $0xffff, v4  }
0x323: {  	[tilespmem:s20+$0xFFFFFE90] =	vst.add.f32.msk $0xffff, v4  }
0x324: {  	[tilespmem:s20+$0xFFFFFF10] =	vst.add.f32.msk $0xffff, v4  }
0x325: {  	[tilespmem:s20+$0xFFFFFF90] =	vst.add.f32.msk $0xffff, v4  }
0x326: {  	[tilespmem:s20+$0xFFFFFE20] =	vst.add.f32.msk $0xffff, v5  }
0x327: {  	[tilespmem:s20+$0xFFFFFEA0] =	vst.add.f32.msk $0xffff, v5  }
0x328: {  	[tilespmem:s20+$0xFFFFFF20] =	vst.add.f32.msk $0xffff, v5  }
0x329: {  	[tilespmem:s20+$0xFFFFFFA0] =	vst.add.f32.msk $0xffff, v5  }
0x32a: {  	[tilespmem:s20+$0xFFFFFE30] =	vst.add.f32.msk $0xffff, v6  }
0x32b: {  	[tilespmem:s20+$0xFFFFFEB0] =	vst.add.f32.msk $0xffff, v6  }
0x32c: {  	[tilespmem:s20+$0xFFFFFF30] =	vst.add.f32.msk $0xffff, v6  }
0x32d: {  	[tilespmem:s20+$0xFFFFFFB0] =	vst.add.f32.msk $0xffff, v6  }
0x32e: {  	[tilespmem:s20+$0xFFFFFE40] =	vst.add.f32.msk $0xffff, v7  }
0x32f: {  	[tilespmem:s20+$0xFFFFFEC0] =	vst.add.f32.msk $0xffff, v7  }
0x330: {  	[tilespmem:s20+$0xFFFFFF40] =	vst.add.f32.msk $0xffff, v7  }
0x331: {  	[tilespmem:s20+$0xFFFFFFC0] =	vst.add.f32.msk $0xffff, v7  }
0x332: {  	[tilespmem:s20+$0xFFFFFE50] =	vst.add.f32.msk $0xffff, v8  }
0x333: {  	[tilespmem:s20+$0xFFFFFED0] =	vst.add.f32.msk $0xffff, v8  }
0x334: {  	[tilespmem:s20+$0xFFFFFF50] =	vst.add.f32.msk $0xffff, v8  }
0x335: {  	[tilespmem:s20+$0xFFFFFFD0] =	vst.add.f32.msk $0xffff, v8  }
0x336: {  	[tilespmem:s20+$0xFFFFFE60] =	vst.add.f32.msk $0xffff, v9  }
0x337: {  	[tilespmem:s20+$0xFFFFFEE0] =	vst.add.f32.msk $0xffff, v9  }
0x338: {  	[tilespmem:s20+$0xFFFFFF60] =	vst.add.f32.msk $0xffff, v9  }
0x339: {  	[tilespmem:s20+$0xFFFFFFE0] =	vst.add.f32.msk $0xffff, v9  }
0x33a: {  	[tilespmem:s20+$0xFFFFFE70] =	vst.add.f32.msk $0xffff, v3  }
0x33b: {  	s23 =	simm.s32 $0x8;
	s21 =	simm.s32 $0x400;
	s22 =	simm.s32 $0x0;
	[tilespmem:s20+$0xFFFFFEF0] =	vst.add.f32.msk $0xffff, v3  }
.LBB2_16:
0x33c: {  	s24 =	sshrl.u32 s23, $0x6;
	s22 =	sadd.s32 $0x8, s22;
	[tilespmem:s20+$0xFFFFFF70] =	vst.add.f32.msk $0xffff, v3  }
0x33d: {  	s24 =	smul.u32 $0xFFFF8200, s24;
	p0 =	slt.u32 s22, $0x1F8;
	[tilespmem:s20+$0xFFFFFFF0] =	vst.add.f32.msk $0xffff, v3  }
0x33e: {  	[tilespmem:s20+$0xFFFFFE80] =	vst.add.f32.msk $0xffff, v2  }
0x33f: {  	s21 =	sadd.s32 $0x400, s21;
	s24 =	sshra.s32 s24, $0x2;
	[tilespmem:s20+$0xFFFFFF00] =	vst.add.f32.msk $0xffff, v2  }
0x340: {  	s24 =	sadd.s32 s24, s21;
	[tilespmem:s20+$0xFFFFFF80] =	vst.add.f32.msk $0xffff, v2  }
0x341: {  	v2 =	vld [tilespmem:s24+$0x2070]  }
0x342: {  	v4 =	vld [tilespmem:s24+$0x2000]  }
0x343: {  	v5 =	vld [tilespmem:s24+$0x2010]  }
0x344: {  	v6 =	vld [tilespmem:s24+$0x2020]  }
0x345: {  	s20 =	sadd.s32 $0x200, s20;
	v7 =	vld [tilespmem:s24+$0x2030]  }
0x346: {  	[tilespmem:s20+$0x0] =	vst.add.f32.msk $0xffff, v2  }
0x347: {  	v8 =	vld [tilespmem:s24+$0x2040]  }
0x348: {  	v9 =	vld [tilespmem:s24+$0x2050]  }
0x349: {  	v3 =	vld [tilespmem:s24+$0x2060]  }
0x34a: {  	[tilespmem:s20+$0xFFFFFE10] =	vst.add.f32.msk $0xffff, v4  }
0x34b: {  	[tilespmem:s20+$0xFFFFFE90] =	vst.add.f32.msk $0xffff, v4  }
0x34c: {  	[tilespmem:s20+$0xFFFFFF10] =	vst.add.f32.msk $0xffff, v4  }
0x34d: {  	[tilespmem:s20+$0xFFFFFF90] =	vst.add.f32.msk $0xffff, v4  }
0x34e: {  	[tilespmem:s20+$0xFFFFFE20] =	vst.add.f32.msk $0xffff, v5  }
0x34f: {  	[tilespmem:s20+$0xFFFFFEA0] =	vst.add.f32.msk $0xffff, v5  }
0x350: {  	[tilespmem:s20+$0xFFFFFF20] =	vst.add.f32.msk $0xffff, v5  }
0x351: {  	[tilespmem:s20+$0xFFFFFFA0] =	vst.add.f32.msk $0xffff, v5  }
0x352: {  	[tilespmem:s20+$0xFFFFFE30] =	vst.add.f32.msk $0xffff, v6  }
0x353: {  	[tilespmem:s20+$0xFFFFFEB0] =	vst.add.f32.msk $0xffff, v6  }
0x354: {  	[tilespmem:s20+$0xFFFFFF30] =	vst.add.f32.msk $0xffff, v6  }
0x355: {  	[tilespmem:s20+$0xFFFFFFB0] =	vst.add.f32.msk $0xffff, v6  }
0x356: {  	[tilespmem:s20+$0xFFFFFE40] =	vst.add.f32.msk $0xffff, v7  }
0x357: {  	[tilespmem:s20+$0xFFFFFEC0] =	vst.add.f32.msk $0xffff, v7  }
0x358: {  	[tilespmem:s20+$0xFFFFFF40] =	vst.add.f32.msk $0xffff, v7  }
0x359: {  	[tilespmem:s20+$0xFFFFFFC0] =	vst.add.f32.msk $0xffff, v7  }
0x35a: {  	[tilespmem:s20+$0xFFFFFE50] =	vst.add.f32.msk $0xffff, v8  }
0x35b: {  	[tilespmem:s20+$0xFFFFFED0] =	vst.add.f32.msk $0xffff, v8  }
0x35c: {  	[tilespmem:s20+$0xFFFFFF50] =	vst.add.f32.msk $0xffff, v8  }
0x35d: {  	[tilespmem:s20+$0xFFFFFFD0] =	vst.add.f32.msk $0xffff, v8  }
0x35e: {  	[tilespmem:s20+$0xFFFFFE60] =	vst.add.f32.msk $0xffff, v9  }
.Ltmp7:
0x35f: {  	[tilespmem:s20+$0xFFFFFEE0] =	vst.add.f32.msk $0xffff, v9;
	(pc) =	sbr.rel @p0 .LBB2_16-.Ltmp7, $4  }
0x360: {  	[tilespmem:s20+$0xFFFFFF60] =	vst.add.f32.msk $0xffff, v9  }
0x361: {  	[tilespmem:s20+$0xFFFFFFE0] =	vst.add.f32.msk $0xffff, v9  }
0x362: {  	[tilespmem:s20+$0xFFFFFE70] =	vst.add.f32.msk $0xffff, v3  }
0x363: {  	s23 =	sadd.s32 $0x8, s23;
	[tilespmem:s20+$0xFFFFFEF0] =	vst.add.f32.msk $0xffff, v3  }
0x364: {  	[tilespmem:s20+$0xFFFFFF70] =	vst.add.f32.msk $0xffff, v3  }
0x365: {  	[tilespmem:s20+$0xFFFFFFF0] =	vst.add.f32.msk $0xffff, v3  }
0x366: {  	[tilespmem:s20+$0xFFFFFE80] =	vst.add.f32.msk $0xffff, v2  }
0x367: {  	[tilespmem:s20+$0xFFFFFF00] =	vst.add.f32.msk $0xffff, v2  }
0x368: {  	[tilespmem:s20+$0xFFFFFF80] =	vst.add.f32.msk $0xffff, v2  }
0x369: {  	s20 =	rddreg [dreg:$0x15]  }
0x36a: {  	[hbm4b:s20+s3] =	stream.linear.scatter [tilespmem:s5], [sflag:$0x8], $0x8000, $0x38;
	[tilespmem:$0x1E400] =	vst v63  }
0x36b: {  	_ =	swait.ge [sflag:s12], $0x8000  }
0x36c: {  	[sflag:s12] =	ssyncset.done $0x0  }
0x36d: {  	[sflag:s12] =	ssyncadd.s32 $0xFFFF8000  }
0x36e: {  	_ =	swait.ge [sflag:s16], $0x8000  }
0x36f: {  	[sflag:s16] =	ssyncset.done $0x0  }
0x370: {  	[sflag:s16] =	ssyncadd.s32 $0xFFFF8000  }
0x371: {  	_ =	swait.ge [sflag:s10], $0x8000  }
0x372: {  	s19 =	sadd.s32 $0x1, s19;
	s24 =	rddreg [dreg:$0x16]  }
0x373: {  	p0 =	sne.s32 s19, s24  }
.Ltmp8:
0x374: {  	_ = 	snop;
	(pc) =	sbr.rel @p0 .LBB2_1-.Ltmp8, $3  }
0x375: {  	_ =	sdelay $0x1  }
0x376: {  	[sflag:s10] =	ssyncset.done $0x0  }
0x377: {  	[sflag:s10] =	ssyncadd.s32 $0xFFFF8000  }
0x378: {  	_ =	sfence.sel $0x180000  }
0x379: {  	[bflag:$0x0] =	sbarrier.arrive $0xFFFF  }
0x37a: {  	_ =	strace $0x90000047  }
0x37b: {  	s0 =	stileid.u32;
	[bflag:$0x2] =	sbarrier.arrive $0xFFFF  }
0x37c: {  	p0 =	sne.s32 s0, $0x0;
	s0 =	rddreg [dreg:$0x4]  }
0x37d: {  	s0 =	sadd.s32 @!p0 $0x100000, s0  }
0x37e: {  	[sflag:s0] =	ssyncadd.tile.s32 @!p0 $0x1;
	_ =	shalt  }
.Lfunc_end2:
_tile_overlayer_lowered:
.L_overlay_start_2:
0x37f: {  	(tag) =	ssettag $0x2  }
0x380: {  	s0 =	rddreg [dreg:$0x0];
	s2 =	stileid.u32  }
0x381: {  	s1 =	rddreg [dreg:$0x1];
	p0 =	sne.s32 s2, $0x0  }
0x382: {  	s3 =	rddreg [dreg:$0x2];
	[bflag:$0x3] =	sbarrier.arrive $0xFFFF;
	s2 =	simm.s32 @!p0 $0x1C0A  }
0x383: {  	[timem:s3], [sflag:s2] =	dma.local @!p0 [hbm:s0], s1  }
0x384: {  	s0 =	simm.s32 @!p0 $0xA  }
0x385: {  	_ =	swait.ge @!p0 [sflag:s0], s1  }
0x386: {  	s1 =	ssub.s32 @!p0 $0x0, s1;
	[sflag:s0] =	ssyncset.done @!p0 $0x0  }
0x387: {  	[sflag:s0] =	ssyncadd.s32 @!p0 s1  }
0x388: {  	[bflag:$0x3] =	sbarrier.arrive $0xFFFF  }
0x389: {  	_ =	shalt  }

</sc_bundles>
